<compile_context>
chip_gen: v7x
topology: tpu7x:2x2x1
jax: 0.10.2.dev20260603
libtpu: 0.0.44.dev20260713+nightly
codegen_flags: <defaults>
</compile_context>

<pallas_src>
import functools

import jax
import jax.numpy as jnp
import numpy as np
from jax import lax
from jax.experimental import pallas as pl
from jax.experimental.pallas import tpu as pltpu
from jax.experimental.pallas import tpu_sc as plsc

PW = 0.1
NGRAM = 4
_SC_PARAMS = pltpu.CompilerParams(needs_layout_passes=False)


def _ngram_call(gen, v):
    b, s = gen.shape
    wn = s - NGRAM + 1
    nv = s // 16
    padw = s
    sent = s
    nbins = s + 1
    histw = ((nbins + 15) // 16) * 16
    rows_per_w = b // 32
    mesh = plsc.VectorSubcoreMesh(core_axis_name="c", subcore_axis_name="s")

    @functools.partial(
        pl.kernel,
        out_type=jax.ShapeDtypeStruct((b, 16), jnp.int32),
        mesh=mesh,
        compiler_params=_SC_PARAMS,
        scratch_types=[
            pltpu.VMEM((v,), jnp.int32),
            pltpu.VMEM((s,), jnp.int32),
            pltpu.VMEM((s + 16,), jnp.int32),
            pltpu.VMEM((s + 16,), jnp.int32),
            pltpu.VMEM((s + 16,), jnp.int32),
            pltpu.VMEM((s + 16,), jnp.int32),
            pltpu.VMEM((histw,), jnp.int32),
            pltpu.VMEM((16,), jnp.int32),
        ],
    )
    def ngram_kernel(gen_hbm, cnt_hbm, table, tok, tids, dpos, ws_a, ws_b,
                     hist, out16):
        wid = lax.axis_index("s") * 2 + lax.axis_index("c")
        lanes = lax.broadcasted_iota(jnp.int32, (16,), 0)
        dpos[pl.ds(s, 16)] = jnp.zeros((16,), jnp.int32)

        def radix_distinct():
            def build_table(i, c):
                t = tok[pl.ds(i * 16, 16)]
                _, last = plsc.scan_count(t)
                plsc.store_scatter(table, [t], i * 16 + lanes, mask=last)
                return c
            lax.fori_loop(0, nv, build_table, 0)

            def fill_ids(i, c):
                t = tok[pl.ds(i * 16, 16)]
                tids[pl.ds(i * 16, 16)] = plsc.load_gather(table, [t])
                return c
            lax.fori_loop(0, nv, fill_ids, 0)
            tids[pl.ds(s, 16)] = jnp.full((16,), sent, jnp.int32)

            def init_order(i, c):
                vals = i * 16 + lanes
                ws_a[pl.ds(i * 16, 16)] = jnp.where(vals < wn, vals, padw)
                return c
            lax.fori_loop(0, nv, init_order, 0)

            for p in range(NGRAM):
                src, dst = (ws_a, ws_b) if p % 2 == 0 else (ws_b, ws_a)
                koff = NGRAM - 1 - p

                def zero_hist(i, c):
                    hist[pl.ds(i * 16, 16)] = jnp.zeros((16,), jnp.int32)
                    return c
                lax.fori_loop(0, histw // 16, zero_hist, 0)

                def histo(i, c):
                    w = src[pl.ds(i * 16, 16)]
                    d = plsc.load_gather(tids, [w + koff])
                    occ, last = plsc.scan_count(d)
                    plsc.addupdate_scatter(hist, [d], occ, mask=last)
                    return c
                lax.fori_loop(0, nv, histo, 0)

                def excl_scan(i, run):
                    h = hist[pl.ds(i * 16, 16)]
                    csum = plsc.cumsum(h)
                    hist[pl.ds(i * 16, 16)] = csum - h + run
                    return run + jnp.sum(h)
                lax.fori_loop(0, histw // 16, excl_scan, jnp.int32(0))

                def permute(i, c):
                    w = src[pl.ds(i * 16, 16)]
                    d = plsc.load_gather(tids, [w + koff])
                    base = plsc.load_gather(hist, [d])
                    occ, last = plsc.scan_count(d)
                    plsc.store_scatter(dst, [base + occ - 1], w)
                    plsc.addupdate_scatter(hist, [d], occ, mask=last)
                    return c
                lax.fori_loop(0, nv, permute, 0)

            final = ws_a if NGRAM % 2 == 0 else ws_b
            final[pl.ds(s, 16)] = jnp.full((16,), padw, jnp.int32)

            def count(i, acc):
                a = final[pl.ds(i * 16, 16)]
                bb = final[pl.ds(i * 16 + 1, 16)]
                neq = jnp.zeros((16,), jnp.bool_)
                for k in range(NGRAM):
                    da = plsc.load_gather(tids, [a + k])
                    db = plsc.load_gather(tids, [bb + k])
                    neq = neq | (da != db)
                return acc + plsc.all_reduce_population_count(neq)
            return lax.fori_loop(0, nv, count, jnp.zeros((16,), jnp.int32))

        for r in range(rows_per_w):
            row = wid * rows_per_w + r
            pltpu.sync_copy(gen_hbm.at[row], tok)

            def build_last(i, c):
                t = tok[pl.ds(i * 16, 16)]
                _, last = plsc.scan_count(t)
                plsc.store_scatter(table, [t], i * 16 + lanes, mask=last)
                return c
            lax.fori_loop(0, nv, build_last, 0)

            @plsc.parallel_loop(0, nv, unroll=4)
            def flag_non_last(i):
                t = tok[pl.ds(i * 16, 16)]
                lp = plsc.load_gather(table, [t])
                dpos[pl.ds(i * 16, 16)] = (
                    lp != i * 16 + lanes).astype(jnp.int32)

            def build_first(i, c):
                j = nv - 1 - i
                t = tok[pl.ds(j * 16, 16)]
                tr = lax.rev(t, (0,))
                _, firstm = plsc.scan_count(tr)
                plsc.store_scatter(table, [tr], j * 16 + (15 - lanes),
                                   mask=firstm)
                return c
            lax.fori_loop(0, nv, build_first, 0)

            @plsc.parallel_loop(0, nv, unroll=4)
            def flag_non_first(i):
                t = tok[pl.ds(i * 16, 16)]
                fp = plsc.load_gather(table, [t])
                dpos[pl.ds(i * 16, 16)] = dpos[pl.ds(i * 16, 16)] | (
                    fp != i * 16 + lanes).astype(jnp.int32)

            @plsc.parallel_loop(0, nv, unroll=4, carry=jnp.int32(0))
            def ncand(i, acc):
                f = dpos[pl.ds(i * 16, 16)]
                for k in range(1, NGRAM):
                    f = f & dpos[pl.ds(i * 16 + k, 16)]
                valid = (i * 16 + lanes) < wn
                return acc + jnp.sum(jnp.where(valid, f, 0))

            acc = lax.cond(
                ncand == 0,
                lambda: jnp.full((16,), wn, jnp.int32),
                radix_distinct)

            out16[...] = acc
            pltpu.sync_copy(out16, cnt_hbm.at[row])

    return ngram_kernel(gen)


def _sim_temp_body(h_ref, p_ref, w_ref, cnt_ref, out_ref, *, wn):
    dn = (((1,), (1,)), ((), ()))
    h1 = lax.dot_general(h_ref[...], w_ref[...], dn,
                         preferred_element_type=jnp.float32)
    h2 = lax.dot_general(p_ref[...], w_ref[...], dn,
                         preferred_element_type=jnp.float32)
    dot = jnp.sum(h1 * h2, axis=-1)
    n1 = jnp.maximum(jnp.sqrt(jnp.sum(h1 * h1, axis=-1)), 1e-8)
    n2 = jnp.maximum(jnp.sqrt(jnp.sum(h2 * h2, axis=-1)), 1e-8)
    sim_pen = jnp.clip(dot / (n1 * n2), 0.0, None) * PW
    uniq = cnt_ref[...][:, 0].astype(jnp.float32)
    rep = (wn - uniq) / wn
    out_ref[...] = (1.0 + (rep + sim_pen) * 0.5)[None, :]


def _sim_temp_call(hidden, prev, w, cnts, wn):
    b = hidden.shape[0]
    return pl.pallas_call(
        functools.partial(_sim_temp_body, wn=float(wn)),
        out_shape=jax.ShapeDtypeStruct((1, b), jnp.float32),
    )(hidden, prev, w, cnts)


def _bias_body(l_ref, b_ref, o_ref):
    o_ref[...] = l_ref[...] + b_ref[...]


def _bias_call(logits, bias):
    b, v = logits.shape
    blk = 12800
    grid = (v + blk - 1) // blk
    return pl.pallas_call(
        _bias_body,
        grid=(grid,),
        in_specs=[pl.BlockSpec((b, blk), lambda i: (0, i)),
                  pl.BlockSpec((1, blk), lambda i: (0, i))],
        out_specs=pl.BlockSpec((b, blk), lambda i: (0, i)),
        out_shape=jax.ShapeDtypeStruct((b, v), jnp.float32),
    )(logits, bias.reshape(1, v))


def _freq_call(out0, gen):
    b, v = out0.shape
    s = gen.shape[1]
    lanes = 16
    rows_per_w = b // 32
    c = float(np.float32(PW) / np.float32(s))
    mesh = plsc.VectorSubcoreMesh(core_axis_name="c", subcore_axis_name="s")

    @functools.partial(
        pl.kernel,
        out_type=jax.ShapeDtypeStruct((b, v), jnp.float32),
        mesh=mesh,
        compiler_params=_SC_PARAMS,
        scratch_types=[
            pltpu.VMEM((v,), jnp.float32),
            pltpu.VMEM((s,), jnp.int32),
        ],
    )
    def freq_kernel(out0_hbm, gen_hbm, out_hbm, buf, tok):
        wid = lax.axis_index("s") * 2 + lax.axis_index("c")
        for r in range(rows_per_w):
            row = wid * rows_per_w + r
            pltpu.sync_copy(out0_hbm.at[row], buf)
            pltpu.sync_copy(gen_hbm.at[row], tok)

            @plsc.parallel_loop(0, s // lanes, unroll=4)
            def body(i):
                idx = tok[pl.ds(i * lanes, lanes)]
                cnt, last = plsc.scan_count(idx)
                plsc.addupdate_scatter(
                    buf, [idx], cnt.astype(jnp.float32) * (-c), mask=last)
            pltpu.sync_copy(buf, out_hbm.at[row])

    return freq_kernel(out0, gen)


def kernel(logits, hidden_state, prev_hidden, generated_ids, W, bias):
    b, v = logits.shape
    s = generated_ids.shape[1]
    wn = s - NGRAM + 1

    cnts = _ngram_call(generated_ids, v)
    out0 = _bias_call(logits, bias)
    out = _freq_call(out0, generated_ids)
    temp = _sim_temp_call(hidden_state, prev_hidden, W, cnts, wn)
    return out, temp.reshape(b)

# --- scband reference (transcript-rebuilt; emitter-appended) ---
"""Pipeline reference for scband-reaction-variability-system-84877143703993 (READ-ONLY COPY).

The authoritative reference and input builder live on the scoring server;
editing this copy changes nothing except your own understanding.
"""

import jax, jax.numpy as jnp
import numpy as np

B, V, H, S = 64, 100000, 2048, 2048
NGRAM = 4
PW = 0.1

def setup_inputs(seed: int = 0) -> dict:
    key = jax.random.key(seed)
    k1, k2, k3, k4, k5 = jax.random.split(key, 5)
    logits = jax.random.normal(k1, (B, V), dtype=jnp.float32)
    hidden_state = jax.random.normal(k2, (B, H), dtype=jnp.float32)
    prev_hidden = jax.random.normal(k3, (B, H), dtype=jnp.float32)
    generated_ids = jax.random.randint(k4, (B, S), 0, V, dtype=jnp.int32)
    W = jax.random.normal(k5, (H, H), dtype=jnp.float32) / np.sqrt(H)
    bias = jnp.zeros((V,), dtype=jnp.float32)
    return {"logits": logits, "hidden_state": hidden_state, "prev_hidden": prev_hidden,
            "generated_ids": generated_ids, "W": W, "bias": bias}

def _unique_ngram_count(ng):
    # ng: (Wn, NGRAM) int. Lexicographic multi-key sort, then count distinct rows.
    cols = tuple(ng[:, j] for j in range(NGRAM))
    sorted_cols = jax.lax.sort(cols, num_keys=NGRAM)
    s = jnp.stack(sorted_cols, axis=-1)
    diff = jnp.any(s[1:] != s[:-1], axis=-1)
    return 1 + jnp.sum(diff)

def reference(logits, hidden_state, prev_hidden, generated_ids, W, bias):
    base_temperature = 1.0
    emotion_temp_mod = 1.0
    # 1) similarity penalty (cosine sim of projected hidden states, eps=1e-8 like torch)
    h1 = hidden_state @ W.T
    h2 = prev_hidden @ W.T
    dot = jnp.sum(h1 * h2, axis=-1)
    n1 = jnp.maximum(jnp.linalg.norm(h1, axis=-1), 1e-8)
    n2 = jnp.maximum(jnp.linalg.norm(h2, axis=-1), 1e-8)
    sim = dot / (n1 * n2)
    sim_penalty = jnp.clip(sim, 0.0, None) * PW
    # 2) n-gram repetition score: repeats = total windows - unique ngrams
    Wn = S - NGRAM + 1
    idx = jnp.arange(Wn)[:, None] + jnp.arange(NGRAM)[None, :]
    ngrams = generated_ids[:, idx]  # (B, Wn, NGRAM)
    unique_counts = jax.vmap(_unique_ngram_count)(ngrams)
    rep_score = (Wn - unique_counts).astype(jnp.float32) / max(Wn, 1)
    # 3) dynamic temperature
    temperature = base_temperature * (1.0 + (rep_score + sim_penalty) * 0.5) * emotion_temp_mod
    # 4) anti-template bias + per-batch token frequency penalty (scatter-add histogram)
    out = logits + bias[None, :]
    freq = jnp.zeros((B, V), dtype=jnp.float32).at[jnp.arange(B)[:, None], generated_ids].add(1.0)
    freq_penalty = freq / (jnp.sum(freq, axis=-1, keepdims=True) + 1e-8) * PW
    out = out - freq_penalty
    return out, temperature

if __name__ == "__main__":
    import jax
    _d = setup_inputs()
    print(jax.jit(kernel)(*tuple(_d.values())))

</pallas_src>

<mosaic_0001>
#map = affine_map<(d0, d1) -> (0, 0)>
module attributes {stable_mosaic.version = 14 : i64} {
  func.func @ngram_kernel(%arg0: i32, %arg1: i32, %arg2: memref<64x2048xi32, #tpu.memory_space<hbm>>, %arg3: memref<64x16xi32, #tpu.memory_space<hbm>>, %arg4: memref<100000xi32, #tpu.memory_space<vmem>>, %arg5: memref<2048xi32, #tpu.memory_space<vmem>>, %arg6: memref<2064xi32, #tpu.memory_space<vmem>>, %arg7: memref<2064xi32, #tpu.memory_space<vmem>>, %arg8: memref<2064xi32, #tpu.memory_space<vmem>>, %arg9: memref<2064xi32, #tpu.memory_space<vmem>>, %arg10: memref<2064xi32, #tpu.memory_space<vmem>>, %arg11: memref<16xi32, #tpu.memory_space<vmem>>) attributes {dimension_semantics = [#tpu.dimension_semantics<core_parallel>, #tpu.dimension_semantics<subcore_parallel>], iteration_bounds = array<i64: 2, 16>, scalar_prefetch = 0 : i64, scratch_operands = 8 : i64, tpu.core_type = #tpu.core_type<sc_vector_subcore>, window_params = [{transform_indices = #map}, {transform_indices = #map}]} {
    %mul3A = arith.constant 2 : i32
    %mul3A_0 = arith.muli %arg1, %mul3A : i32
    %add3A = arith.addi %mul3A_0, %arg0 : i32
    %iota3A = tpu.iota {dimensions = array<i32: 0>} : vector<16xi32>
    %broadcast_in_dim3A = arith.constant 0 : i32
    %broadcast_in_dim3A_1 = vector.broadcast %broadcast_in_dim3A : i32 to vector<16xi32>
    %swap3A = arith.constant 2048 : index
    %swap3A_2 = tpu.vector_load %arg7[%swap3A] {strides = array<i32>} : memref<2064xi32, #tpu.memory_space<vmem>>, vector<16xi32>,
    tpu.vector_store %arg7[%swap3A], %broadcast_in_dim3A_1 {strides = array<i32>} : memref<2064xi32, #tpu.memory_space<vmem>>, vector<16xi32>,
    %mul3A_3 = arith.constant 2 : i32
    %mul3A_4 = arith.muli %add3A, %mul3A_3 : i32
    %add3A_5 = arith.constant 0 : i32
    %add3A_6 = arith.addi %mul3A_4, %add3A_5 : i32
    "tpu.region"() ({
      %run_scoped3A = tpu.sem_alloc : memref<!tpu.dma_semaphore, #tpu.memory_space<semaphore_mem>>
      %dma_start3A = arith.constant 0 : i32
      %dma_start3A_68 = tpu.memref_slice %arg2[%add3A_6, %dma_start3A] : memref<64x2048xi32, #tpu.memory_space<hbm>> -> memref<1x2048xi32, #tpu.memory_space<hbm>>
      %dma_start3A_69 = tpu.memref_squeeze %dma_start3A_68 : memref<1x2048xi32, #tpu.memory_space<hbm>> -> memref<2048xi32, #tpu.memory_space<hbm>>
      %dma_start3A_70 = arith.constant 0 : i32
      %dma_start3A_71 = tpu.memref_slice %arg2[%add3A_6, %dma_start3A_70] : memref<64x2048xi32, #tpu.memory_space<hbm>> -> memref<1x2048xi32, #tpu.memory_space<hbm>>
      %dma_start3A_72 = tpu.memref_squeeze %dma_start3A_71 : memref<1x2048xi32, #tpu.memory_space<hbm>> -> memref<2048xi32, #tpu.memory_space<hbm>>
      tpu.enqueue_dma source(%dma_start3A_72 : memref<2048xi32, #tpu.memory_space<hbm>>) target(%arg5 : memref<2048xi32, #tpu.memory_space<vmem>>) target_semaphore(%run_scoped3A : memref<!tpu.dma_semaphore, #tpu.memory_space<semaphore_mem>>)
      %dma_wait3A = arith.constant 0 : i32
      %dma_wait3A_73 = tpu.memref_slice %arg2[%add3A_6, %dma_wait3A] : memref<64x2048xi32, #tpu.memory_space<hbm>> -> memref<1x2048xi32, #tpu.memory_space<hbm>>
      %dma_wait3A_74 = tpu.memref_squeeze %dma_wait3A_73 : memref<1x2048xi32, #tpu.memory_space<hbm>> -> memref<2048xi32, #tpu.memory_space<hbm>>
      %dma_wait3A_75 = arith.constant 0 : i32
      %dma_wait3A_76 = tpu.memref_slice %arg2[%add3A_6, %dma_wait3A_75] : memref<64x2048xi32, #tpu.memory_space<hbm>> -> memref<1x2048xi32, #tpu.memory_space<hbm>>
      %dma_wait3A_77 = tpu.memref_squeeze %dma_wait3A_76 : memref<1x2048xi32, #tpu.memory_space<hbm>> -> memref<2048xi32, #tpu.memory_space<hbm>>
      tpu.wait_dma2 semaphore(%run_scoped3A : memref<!tpu.dma_semaphore, #tpu.memory_space<semaphore_mem>>) src(%dma_wait3A_77 : memref<2048xi32, #tpu.memory_space<hbm>>) dst(%arg5 : memref<2048xi32, #tpu.memory_space<vmem>>)
      tpu.yield
    }) : () -> ()
    %scan3A = arith.constant 0 : i32
    %scan3A_7 = arith.constant 0 : i32
    %scan3A_8 = arith.constant 128 : i32
    %scan3A_9 = arith.addi %scan3A_7, %scan3A_8 : i32
    %scan3A_10 = arith.constant 1 : i32
    scf.for %scan3A_68 = %scan3A_7 to %scan3A_9 step %scan3A_10  : i32 {
      %mul3A_69 = arith.constant 16 : i32
      %mul3A_70 = arith.muli %scan3A_68, %mul3A_69 : i32
      %get3A = arith.index_cast %mul3A_70 : i32 to index
      %get3A_71 = tpu.vector_load %arg5[%get3A] {strides = array<i32>} : memref<2048xi32, #tpu.memory_space<vmem>>, vector<16xi32>,
      %broadcast_in_dim3A_72 = arith.constant true
      %broadcast_in_dim3A_73 = vector.broadcast %broadcast_in_dim3A_72 : i1 to vector<16xi1>
      %unique3A, %unique3A_74 = tpu.scan_count mask(%broadcast_in_dim3A_73 : vector<16xi1>) value(%get3A_71 : vector<16xi32>) : vector<16xi1>, vector<16xi32>
      %mul3A_75 = arith.constant 16 : i32
      %mul3A_76 = arith.muli %scan3A_68, %mul3A_75 : i32
      %add3A_77 = vector.broadcast %mul3A_76 : i32 to vector<16xi32>
      %add3A_78 = arith.addi %add3A_77, %iota3A : vector<16xi32>
      tpu.vector_store_idx %arg4[%get3A_71], %add3A_78 masked %unique3A : memref<100000xi32, #tpu.memory_space<vmem>>[vector<16xi32>], vector<16xi32>, vector<16xi1>
    }
    %scan3A_11 = arith.constant 128 : i32
    %parallel_loop3A = arith.constant 0 : i32
    %parallel_loop3A_12 = arith.constant 128 : i32
    %parallel_loop3A_13 = arith.constant 1 : i32
    scf.for %parallel_loop3A_68 = %parallel_loop3A to %parallel_loop3A_12 step %parallel_loop3A_13  : i32 {
      %parallel_loop3A_69 = arith.constant 16 : i32
      %parallel_loop3A_70 = arith.muli %parallel_loop3A_68, %parallel_loop3A_69 : i32
      %parallel_loop3A_71 = arith.index_cast %parallel_loop3A_70 : i32 to index
      %parallel_loop3A_72 = tpu.vector_load %arg5[%parallel_loop3A_71] {strides = array<i32>} : memref<2048xi32, #tpu.memory_space<vmem>>, vector<16xi32>,
      %parallel_loop3A_73 = tpu.vector_load_idx %arg4[%parallel_loop3A_72] : memref<100000xi32, #tpu.memory_space<vmem>>[vector<16xi32>], vector<16xi32>,
      %parallel_loop3A_74 = arith.constant 16 : i32
      %parallel_loop3A_75 = arith.muli %parallel_loop3A_68, %parallel_loop3A_74 : i32
      %parallel_loop3A_76 = vector.broadcast %parallel_loop3A_75 : i32 to vector<16xi32>
      %parallel_loop3A_77 = arith.addi %parallel_loop3A_76, %iota3A : vector<16xi32>
      %parallel_loop3A_78 = arith.cmpi ne, %parallel_loop3A_73, %parallel_loop3A_77 : vector<16xi32>
      %parallel_loop3A_79 = arith.extui %parallel_loop3A_78 : vector<16xi1> to vector<16xi32>
      %parallel_loop3A_80 = arith.constant 16 : i32
      %parallel_loop3A_81 = arith.muli %parallel_loop3A_68, %parallel_loop3A_80 : i32
      %parallel_loop3A_82 = arith.index_cast %parallel_loop3A_81 : i32 to index
      %parallel_loop3A_83 = tpu.vector_load %arg7[%parallel_loop3A_82] {strides = array<i32>} : memref<2064xi32, #tpu.memory_space<vmem>>, vector<16xi32>,
      tpu.vector_store %arg7[%parallel_loop3A_82], %parallel_loop3A_79 {strides = array<i32>} : memref<2064xi32, #tpu.memory_space<vmem>>, vector<16xi32>,
    } {sc.loop_unroll_factor = 4 : i64, sc.parallel_access}
    %scan3A_14 = arith.constant 0 : i32
    %scan3A_15 = arith.constant 0 : i32
    %scan3A_16 = arith.constant 128 : i32
    %scan3A_17 = arith.addi %scan3A_15, %scan3A_16 : i32
    %scan3A_18 = arith.constant 1 : i32
    scf.for %scan3A_68 = %scan3A_15 to %scan3A_17 step %scan3A_18  : i32 {
      %sub3A = arith.constant 127 : i32
      %sub3A_69 = arith.subi %sub3A, %scan3A_68 : i32
      %mul3A_70 = arith.constant 16 : i32
      %mul3A_71 = arith.muli %sub3A_69, %mul3A_70 : i32
      %get3A = arith.index_cast %mul3A_71 : i32 to index
      %get3A_72 = tpu.vector_load %arg5[%get3A] {strides = array<i32>} : memref<2048xi32, #tpu.memory_space<vmem>>, vector<16xi32>,
      %rev3A = arith.constant 15 : i32
      %rev3A_73 = vector.broadcast %rev3A : i32 to vector<16xi32>
      %rev3A_74 = tpu.iota {dimensions = array<i32: 0>} : vector<16xi32>
      %rev3A_75 = arith.subi %rev3A_73, %rev3A_74 : vector<16xi32>
      %rev3A_76 = tpu.dynamic_gather %get3A_72[%rev3A_75] in [0] : vector<16xi32>, vector<16xi32> -> vector<16xi32>
      %broadcast_in_dim3A_77 = arith.constant true
      %broadcast_in_dim3A_78 = vector.broadcast %broadcast_in_dim3A_77 : i1 to vector<16xi1>
      %unique3A, %unique3A_79 = tpu.scan_count mask(%broadcast_in_dim3A_78 : vector<16xi1>) value(%rev3A_76 : vector<16xi32>) : vector<16xi1>, vector<16xi32>
      %mul3A_80 = arith.constant 16 : i32
      %mul3A_81 = arith.muli %sub3A_69, %mul3A_80 : i32
      %sub3A_82 = arith.constant 15 : i32
      %sub3A_83 = vector.broadcast %sub3A_82 : i32 to vector<16xi32>
      %sub3A_84 = arith.subi %sub3A_83, %iota3A : vector<16xi32>
      %add3A_85 = vector.broadcast %mul3A_81 : i32 to vector<16xi32>
      %add3A_86 = arith.addi %add3A_85, %sub3A_84 : vector<16xi32>
      tpu.vector_store_idx %arg4[%rev3A_76], %add3A_86 masked %unique3A : memref<100000xi32, #tpu.memory_space<vmem>>[vector<16xi32>], vector<16xi32>, vector<16xi1>
    }
    %scan3A_19 = arith.constant 128 : i32
    %parallel_loop3A_20 = arith.constant 0 : i32
    %parallel_loop3A_21 = arith.constant 128 : i32
    %parallel_loop3A_22 = arith.constant 1 : i32
    scf.for %parallel_loop3A_68 = %parallel_loop3A_20 to %parallel_loop3A_21 step %parallel_loop3A_22  : i32 {
      %parallel_loop3A_69 = arith.constant 16 : i32
      %parallel_loop3A_70 = arith.muli %parallel_loop3A_68, %parallel_loop3A_69 : i32
      %parallel_loop3A_71 = arith.index_cast %parallel_loop3A_70 : i32 to index
      %parallel_loop3A_72 = tpu.vector_load %arg5[%parallel_loop3A_71] {strides = array<i32>} : memref<2048xi32, #tpu.memory_space<vmem>>, vector<16xi32>,
      %parallel_loop3A_73 = tpu.vector_load_idx %arg4[%parallel_loop3A_72] : memref<100000xi32, #tpu.memory_space<vmem>>[vector<16xi32>], vector<16xi32>,
      %parallel_loop3A_74 = arith.constant 16 : i32
      %parallel_loop3A_75 = arith.muli %parallel_loop3A_68, %parallel_loop3A_74 : i32
      %parallel_loop3A_76 = arith.index_cast %parallel_loop3A_75 : i32 to index
      %parallel_loop3A_77 = tpu.vector_load %arg7[%parallel_loop3A_76] {strides = array<i32>} : memref<2064xi32, #tpu.memory_space<vmem>>, vector<16xi32>,
      %parallel_loop3A_78 = arith.constant 16 : i32
      %parallel_loop3A_79 = arith.muli %parallel_loop3A_68, %parallel_loop3A_78 : i32
      %parallel_loop3A_80 = vector.broadcast %parallel_loop3A_79 : i32 to vector<16xi32>
      %parallel_loop3A_81 = arith.addi %parallel_loop3A_80, %iota3A : vector<16xi32>
      %parallel_loop3A_82 = arith.cmpi ne, %parallel_loop3A_73, %parallel_loop3A_81 : vector<16xi32>
      %parallel_loop3A_83 = arith.extui %parallel_loop3A_82 : vector<16xi1> to vector<16xi32>
      %parallel_loop3A_84 = arith.ori %parallel_loop3A_77, %parallel_loop3A_83 : vector<16xi32>
      %parallel_loop3A_85 = arith.constant 16 : i32
      %parallel_loop3A_86 = arith.muli %parallel_loop3A_68, %parallel_loop3A_85 : i32
      %parallel_loop3A_87 = arith.index_cast %parallel_loop3A_86 : i32 to index
      %parallel_loop3A_88 = tpu.vector_load %arg7[%parallel_loop3A_87] {strides = array<i32>} : memref<2064xi32, #tpu.memory_space<vmem>>, vector<16xi32>,
      tpu.vector_store %arg7[%parallel_loop3A_87], %parallel_loop3A_84 {strides = array<i32>} : memref<2064xi32, #tpu.memory_space<vmem>>, vector<16xi32>,
    } {sc.loop_unroll_factor = 4 : i64, sc.parallel_access}
    %parallel_loop3A_23 = arith.constant 0 : i32
    %parallel_loop3A_24 = arith.constant 128 : i32
    %parallel_loop3A_25 = arith.constant 1 : i32
    %parallel_loop3A_26 = arith.constant 0 : i32
    %parallel_loop3A_27 = scf.for %parallel_loop3A_68 = %parallel_loop3A_23 to %parallel_loop3A_24 step %parallel_loop3A_25 iter_args(%parallel_loop3A_69 = %parallel_loop3A_26) -> (i32)  : i32 {
      %parallel_loop3A_70 = arith.constant 16 : i32
      %parallel_loop3A_71 = arith.muli %parallel_loop3A_68, %parallel_loop3A_70 : i32
      %parallel_loop3A_72 = arith.index_cast %parallel_loop3A_71 : i32 to index
      %parallel_loop3A_73 = tpu.vector_load %arg7[%parallel_loop3A_72] {strides = array<i32>} : memref<2064xi32, #tpu.memory_space<vmem>>, vector<16xi32>,
      %parallel_loop3A_74 = arith.constant 16 : i32
      %parallel_loop3A_75 = arith.muli %parallel_loop3A_68, %parallel_loop3A_74 : i32
      %parallel_loop3A_76 = arith.constant 1 : i32
      %parallel_loop3A_77 = arith.addi %parallel_loop3A_75, %parallel_loop3A_76 : i32
      %parallel_loop3A_78 = arith.index_cast %parallel_loop3A_77 : i32 to index
      %parallel_loop3A_79 = tpu.vector_load %arg7[%parallel_loop3A_78] {strides = array<i32>} : memref<2064xi32, #tpu.memory_space<vmem>>, vector<16xi32>,
      %parallel_loop3A_80 = arith.andi %parallel_loop3A_73, %parallel_loop3A_79 : vector<16xi32>
      %parallel_loop3A_81 = arith.constant 16 : i32
      %parallel_loop3A_82 = arith.muli %parallel_loop3A_68, %parallel_loop3A_81 : i32
      %parallel_loop3A_83 = arith.constant 2 : i32
      %parallel_loop3A_84 = arith.addi %parallel_loop3A_82, %parallel_loop3A_83 : i32
      %parallel_loop3A_85 = arith.index_cast %parallel_loop3A_84 : i32 to index
      %parallel_loop3A_86 = tpu.vector_load %arg7[%parallel_loop3A_85] {strides = array<i32>} : memref<2064xi32, #tpu.memory_space<vmem>>, vector<16xi32>,
      %parallel_loop3A_87 = arith.andi %parallel_loop3A_80, %parallel_loop3A_86 : vector<16xi32>
      %parallel_loop3A_88 = arith.constant 16 : i32
      %parallel_loop3A_89 = arith.muli %parallel_loop3A_68, %parallel_loop3A_88 : i32
      %parallel_loop3A_90 = arith.constant 3 : i32
      %parallel_loop3A_91 = arith.addi %parallel_loop3A_89, %parallel_loop3A_90 : i32
      %parallel_loop3A_92 = arith.index_cast %parallel_loop3A_91 : i32 to index
      %parallel_loop3A_93 = tpu.vector_load %arg7[%parallel_loop3A_92] {strides = array<i32>} : memref<2064xi32, #tpu.memory_space<vmem>>, vector<16xi32>,
      %parallel_loop3A_94 = arith.andi %parallel_loop3A_87, %parallel_loop3A_93 : vector<16xi32>
      %parallel_loop3A_95 = arith.constant 16 : i32
      %parallel_loop3A_96 = arith.muli %parallel_loop3A_68, %parallel_loop3A_95 : i32
      %parallel_loop3A_97 = vector.broadcast %parallel_loop3A_96 : i32 to vector<16xi32>
      %parallel_loop3A_98 = arith.addi %parallel_loop3A_97, %iota3A : vector<16xi32>
      %parallel_loop3A_99 = arith.constant 2045 : i32
      %parallel_loop3A_100 = vector.broadcast %parallel_loop3A_99 : i32 to vector<16xi32>
      %parallel_loop3A_101 = arith.cmpi slt, %parallel_loop3A_98, %parallel_loop3A_100 : vector<16xi32>
      %parallel_loop3A_102 = arith.constant 0 : i32
      %parallel_loop3A_103 = vector.broadcast %parallel_loop3A_102 : i32 to vector<16xi32>
      %parallel_loop3A_104 = arith.select %parallel_loop3A_101, %parallel_loop3A_94, %parallel_loop3A_103 : vector<16xi1>, vector<16xi32>
      %parallel_loop3A_105 = arith.constant true
      %parallel_loop3A_106 = vector.broadcast %parallel_loop3A_105 : i1 to vector<16xi1>
      %parallel_loop3A_107 = tpu.scan <sum>, %parallel_loop3A_104 masked %parallel_loop3A_106 : vector<16xi32>, vector<16xi1> -> vector<16xi32>
      %parallel_loop3A_108 = vector.extract %parallel_loop3A_107[15] : i32 from vector<16xi32>
      %parallel_loop3A_109 = arith.addi %parallel_loop3A_69, %parallel_loop3A_108 : i32
      scf.yield %parallel_loop3A_109 : i32
    } {sc.loop_unroll_factor = 4 : i64, sc.parallel_access}
    %eq3A = arith.constant 0 : i32
    %eq3A_28 = arith.cmpi eq, %parallel_loop3A_27, %eq3A : i32
    %convert_element_type3A = arith.extui %eq3A_28 : i1 to i32
    %cond3A = arith.constant 0 : i32
    %cond3A_29 = arith.cmpi ne, %convert_element_type3A, %cond3A : i32
    %cond3A_30 = scf.if %cond3A_29 -> (vector<16xi32>) {
      %broadcast_in_dim3A_68 = arith.constant 2045 : i32
      %broadcast_in_dim3A_69 = vector.broadcast %broadcast_in_dim3A_68 : i32 to vector<16xi32>
      scf.yield %broadcast_in_dim3A_69 : vector<16xi32>
    } else {
      %scan3A_68 = arith.constant 0 : i32
      %scan3A_69 = arith.constant 0 : i32
      %scan3A_70 = arith.constant 128 : i32
      %scan3A_71 = arith.addi %scan3A_69, %scan3A_70 : i32
      %scan3A_72 = arith.constant 1 : i32
      scf.for %scan3A_202 = %scan3A_69 to %scan3A_71 step %scan3A_72  : i32 {
        %mul3A_203 = arith.constant 16 : i32
        %mul3A_204 = arith.muli %scan3A_202, %mul3A_203 : i32
        %get3A = arith.index_cast %mul3A_204 : i32 to index
        %get3A_205 = tpu.vector_load %arg5[%get3A] {strides = array<i32>} : memref<2048xi32, #tpu.memory_space<vmem>>, vector<16xi32>,
        %broadcast_in_dim3A_206 = arith.constant true
        %broadcast_in_dim3A_207 = vector.broadcast %broadcast_in_dim3A_206 : i1 to vector<16xi1>
        %unique3A, %unique3A_208 = tpu.scan_count mask(%broadcast_in_dim3A_207 : vector<16xi1>) value(%get3A_205 : vector<16xi32>) : vector<16xi1>, vector<16xi32>
        %mul3A_209 = arith.constant 16 : i32
        %mul3A_210 = arith.muli %scan3A_202, %mul3A_209 : i32
        %add3A_211 = vector.broadcast %mul3A_210 : i32 to vector<16xi32>
        %add3A_212 = arith.addi %add3A_211, %iota3A : vector<16xi32>
        tpu.vector_store_idx %arg4[%get3A_205], %add3A_212 masked %unique3A : memref<100000xi32, #tpu.memory_space<vmem>>[vector<16xi32>], vector<16xi32>, vector<16xi1>
      }
      %scan3A_73 = arith.constant 128 : i32
      %scan3A_74 = arith.constant 0 : i32
      %scan3A_75 = arith.constant 0 : i32
      %scan3A_76 = arith.constant 128 : i32
      %scan3A_77 = arith.addi %scan3A_75, %scan3A_76 : i32
      %scan3A_78 = arith.constant 1 : i32
      scf.for %scan3A_202 = %scan3A_75 to %scan3A_77 step %scan3A_78  : i32 {
        %mul3A_203 = arith.constant 16 : i32
        %mul3A_204 = arith.muli %scan3A_202, %mul3A_203 : i32
        %get3A = arith.index_cast %mul3A_204 : i32 to index
        %get3A_205 = tpu.vector_load %arg5[%get3A] {strides = array<i32>} : memref<2048xi32, #tpu.memory_space<vmem>>, vector<16xi32>,
        %gather3A = tpu.vector_load_idx %arg4[%get3A_205] : memref<100000xi32, #tpu.memory_space<vmem>>[vector<16xi32>], vector<16xi32>,
        %mul3A_206 = arith.constant 16 : i32
        %mul3A_207 = arith.muli %scan3A_202, %mul3A_206 : i32
        %swap3A_208 = arith.index_cast %mul3A_207 : i32 to index
        %swap3A_209 = tpu.vector_load %arg6[%swap3A_208] {strides = array<i32>} : memref<2064xi32, #tpu.memory_space<vmem>>, vector<16xi32>,
        tpu.vector_store %arg6[%swap3A_208], %gather3A {strides = array<i32>} : memref<2064xi32, #tpu.memory_space<vmem>>, vector<16xi32>,
      }
      %scan3A_79 = arith.constant 128 : i32
      %broadcast_in_dim3A_80 = arith.constant 2048 : i32
      %broadcast_in_dim3A_81 = vector.broadcast %broadcast_in_dim3A_80 : i32 to vector<16xi32>
      %swap3A_82 = arith.constant 2048 : index
      %swap3A_83 = tpu.vector_load %arg6[%swap3A_82] {strides = array<i32>} : memref<2064xi32, #tpu.memory_space<vmem>>, vector<16xi32>,
      tpu.vector_store %arg6[%swap3A_82], %broadcast_in_dim3A_81 {strides = array<i32>} : memref<2064xi32, #tpu.memory_space<vmem>>, vector<16xi32>,
      %scan3A_84 = arith.constant 0 : i32
      %scan3A_85 = arith.constant 0 : i32
      %scan3A_86 = arith.constant 128 : i32
      %scan3A_87 = arith.addi %scan3A_85, %scan3A_86 : i32
      %scan3A_88 = arith.constant 1 : i32
      scf.for %scan3A_202 = %scan3A_85 to %scan3A_87 step %scan3A_88  : i32 {
        %mul3A_203 = arith.constant 16 : i32
        %mul3A_204 = arith.muli %scan3A_202, %mul3A_203 : i32
        %add3A_205 = vector.broadcast %mul3A_204 : i32 to vector<16xi32>
        %add3A_206 = arith.addi %add3A_205, %iota3A : vector<16xi32>
        %lt3A = arith.constant 2045 : i32
        %lt3A_207 = vector.broadcast %lt3A : i32 to vector<16xi32>
        %lt3A_208 = arith.cmpi slt, %add3A_206, %lt3A_207 : vector<16xi32>
        %jit3A = arith.constant 2048 : i32
        %broadcast_in_dim3A_209 = vector.broadcast %jit3A : i32 to vector<16xi32>
        %select_n3A = arith.select %lt3A_208, %add3A_206, %broadcast_in_dim3A_209 : vector<16xi1>, vector<16xi32>
        %mul3A_210 = arith.constant 16 : i32
        %mul3A_211 = arith.muli %scan3A_202, %mul3A_210 : i32
        %swap3A_212 = arith.index_cast %mul3A_211 : i32 to index
        %swap3A_213 = tpu.vector_load %arg8[%swap3A_212] {strides = array<i32>} : memref<2064xi32, #tpu.memory_space<vmem>>, vector<16xi32>,
        tpu.vector_store %arg8[%swap3A_212], %select_n3A {strides = array<i32>} : memref<2064xi32, #tpu.memory_space<vmem>>, vector<16xi32>,
      }
      %scan3A_89 = arith.constant 128 : i32
      %scan3A_90 = arith.constant 0 : i32
      %scan3A_91 = arith.constant 0 : i32
      %scan3A_92 = arith.constant 129 : i32
      %scan3A_93 = arith.addi %scan3A_91, %scan3A_92 : i32
      %scan3A_94 = arith.constant 1 : i32
      scf.for %scan3A_202 = %scan3A_91 to %scan3A_93 step %scan3A_94  : i32 {
        %broadcast_in_dim3A_203 = arith.constant 0 : i32
        %broadcast_in_dim3A_204 = vector.broadcast %broadcast_in_dim3A_203 : i32 to vector<16xi32>
        %mul3A_205 = arith.constant 16 : i32
        %mul3A_206 = arith.muli %scan3A_202, %mul3A_205 : i32
        %swap3A_207 = arith.index_cast %mul3A_206 : i32 to index
        %swap3A_208 = tpu.vector_load %arg10[%swap3A_207] {strides = array<i32>} : memref<2064xi32, #tpu.memory_space<vmem>>, vector<16xi32>,
        tpu.vector_store %arg10[%swap3A_207], %broadcast_in_dim3A_204 {strides = array<i32>} : memref<2064xi32, #tpu.memory_space<vmem>>, vector<16xi32>,
      }
      %scan3A_95 = arith.constant 129 : i32
      %scan3A_96 = arith.constant 0 : i32
      %scan3A_97 = arith.constant 0 : i32
      %scan3A_98 = arith.constant 128 : i32
      %scan3A_99 = arith.addi %scan3A_97, %scan3A_98 : i32
      %scan3A_100 = arith.constant 1 : i32
      scf.for %scan3A_202 = %scan3A_97 to %scan3A_99 step %scan3A_100  : i32 {
        %mul3A_203 = arith.constant 16 : i32
        %mul3A_204 = arith.muli %scan3A_202, %mul3A_203 : i32
        %get3A = arith.index_cast %mul3A_204 : i32 to index
        %get3A_205 = tpu.vector_load %arg8[%get3A] {strides = array<i32>} : memref<2064xi32, #tpu.memory_space<vmem>>, vector<16xi32>,
        %add3A_206 = arith.constant 3 : i32
        %add3A_207 = vector.broadcast %add3A_206 : i32 to vector<16xi32>
        %add3A_208 = arith.addi %get3A_205, %add3A_207 : vector<16xi32>
        %gather3A = tpu.vector_load_idx %arg6[%add3A_208] : memref<2064xi32, #tpu.memory_space<vmem>>[vector<16xi32>], vector<16xi32>,
        %broadcast_in_dim3A_209 = arith.constant true
        %broadcast_in_dim3A_210 = vector.broadcast %broadcast_in_dim3A_209 : i1 to vector<16xi1>
        %unique3A, %unique3A_211 = tpu.scan_count mask(%broadcast_in_dim3A_210 : vector<16xi1>) value(%gather3A : vector<16xi32>) : vector<16xi1>, vector<16xi32>
        tpu.vector_store_idx %arg10[%gather3A], %unique3A_211 masked %unique3A {add = true} : memref<2064xi32, #tpu.memory_space<vmem>>[vector<16xi32>], vector<16xi32>, vector<16xi1>
      }
      %scan3A_101 = arith.constant 128 : i32
      %scan3A_102 = arith.constant 0 : i32
      %scan3A_103 = arith.constant 0 : i32
      %scan3A_104 = arith.constant 129 : i32
      %scan3A_105 = arith.addi %scan3A_103, %scan3A_104 : i32
      %scan3A_106 = arith.constant 1 : i32
      %scan3A_107 = scf.for %scan3A_202 = %scan3A_103 to %scan3A_105 step %scan3A_106 iter_args(%scan3A_203 = %scan3A_102) -> (i32)  : i32 {
        %mul3A_204 = arith.constant 16 : i32
        %mul3A_205 = arith.muli %scan3A_202, %mul3A_204 : i32
        %get3A = arith.index_cast %mul3A_205 : i32 to index
        %get3A_206 = tpu.vector_load %arg10[%get3A] {strides = array<i32>} : memref<2064xi32, #tpu.memory_space<vmem>>, vector<16xi32>,
        %broadcast_in_dim3A_207 = arith.constant true
        %broadcast_in_dim3A_208 = vector.broadcast %broadcast_in_dim3A_207 : i1 to vector<16xi1>
        %masked_cumsum3A = tpu.scan <sum>, %get3A_206 masked %broadcast_in_dim3A_208 : vector<16xi32>, vector<16xi1> -> vector<16xi32>
        %sub3A = arith.subi %masked_cumsum3A, %get3A_206 : vector<16xi32>
        %add3A_209 = vector.broadcast %scan3A_203 : i32 to vector<16xi32>
        %add3A_210 = arith.addi %sub3A, %add3A_209 : vector<16xi32>
        %mul3A_211 = arith.constant 16 : i32
        %mul3A_212 = arith.muli %scan3A_202, %mul3A_211 : i32
        %swap3A_213 = arith.index_cast %mul3A_212 : i32 to index
        %swap3A_214 = tpu.vector_load %arg10[%swap3A_213] {strides = array<i32>} : memref<2064xi32, #tpu.memory_space<vmem>>, vector<16xi32>,
        tpu.vector_store %arg10[%swap3A_213], %add3A_210 {strides = array<i32>} : memref<2064xi32, #tpu.memory_space<vmem>>, vector<16xi32>,
        %reduce_sum3A = arith.constant true
        %reduce_sum3A_215 = vector.broadcast %reduce_sum3A : i1 to vector<16xi1>
        %reduce_sum3A_216 = tpu.scan <sum>, %get3A_206 masked %reduce_sum3A_215 : vector<16xi32>, vector<16xi1> -> vector<16xi32>
        %reduce_sum3A_217 = vector.extract %reduce_sum3A_216[15] : i32 from vector<16xi32>
        %add3A_218 = arith.addi %scan3A_203, %reduce_sum3A_217 : i32
        scf.yield %add3A_218 : i32
      }
      %scan3A_108 = arith.constant 129 : i32
      %scan3A_109 = arith.constant 0 : i32
      %scan3A_110 = arith.constant 0 : i32
      %scan3A_111 = arith.constant 128 : i32
      %scan3A_112 = arith.addi %scan3A_110, %scan3A_111 : i32
      %scan3A_113 = arith.constant 1 : i32
      scf.for %scan3A_202 = %scan3A_110 to %scan3A_112 step %scan3A_113  : i32 {
        %mul3A_203 = arith.constant 16 : i32
        %mul3A_204 = arith.muli %scan3A_202, %mul3A_203 : i32
        %get3A = arith.index_cast %mul3A_204 : i32 to index
        %get3A_205 = tpu.vector_load %arg8[%get3A] {strides = array<i32>} : memref<2064xi32, #tpu.memory_space<vmem>>, vector<16xi32>,
        %add3A_206 = arith.constant 3 : i32
        %add3A_207 = vector.broadcast %add3A_206 : i32 to vector<16xi32>
        %add3A_208 = arith.addi %get3A_205, %add3A_207 : vector<16xi32>
        %gather3A = tpu.vector_load_idx %arg6[%add3A_208] : memref<2064xi32, #tpu.memory_space<vmem>>[vector<16xi32>], vector<16xi32>,
        %gather3A_209 = tpu.vector_load_idx %arg10[%gather3A] : memref<2064xi32, #tpu.memory_space<vmem>>[vector<16xi32>], vector<16xi32>,
        %broadcast_in_dim3A_210 = arith.constant true
        %broadcast_in_dim3A_211 = vector.broadcast %broadcast_in_dim3A_210 : i1 to vector<16xi1>
        %unique3A, %unique3A_212 = tpu.scan_count mask(%broadcast_in_dim3A_211 : vector<16xi1>) value(%gather3A : vector<16xi32>) : vector<16xi1>, vector<16xi32>
        %add3A_213 = arith.addi %gather3A_209, %unique3A_212 : vector<16xi32>
        %sub3A = arith.constant 1 : i32
        %sub3A_214 = vector.broadcast %sub3A : i32 to vector<16xi32>
        %sub3A_215 = arith.subi %add3A_213, %sub3A_214 : vector<16xi32>
        tpu.vector_store_idx %arg9[%sub3A_215], %get3A_205 : memref<2064xi32, #tpu.memory_space<vmem>>[vector<16xi32>], vector<16xi32>,
        tpu.vector_store_idx %arg10[%gather3A], %unique3A_212 masked %unique3A {add = true} : memref<2064xi32, #tpu.memory_space<vmem>>[vector<16xi32>], vector<16xi32>, vector<16xi1>
      }
      %scan3A_114 = arith.constant 128 : i32
      %scan3A_115 = arith.constant 0 : i32
      %scan3A_116 = arith.constant 0 : i32
      %scan3A_117 = arith.constant 129 : i32
      %scan3A_118 = arith.addi %scan3A_116, %scan3A_117 : i32
      %scan3A_119 = arith.constant 1 : i32
      scf.for %scan3A_202 = %scan3A_116 to %scan3A_118 step %scan3A_119  : i32 {
        %broadcast_in_dim3A_203 = arith.constant 0 : i32
        %broadcast_in_dim3A_204 = vector.broadcast %broadcast_in_dim3A_203 : i32 to vector<16xi32>
        %mul3A_205 = arith.constant 16 : i32
        %mul3A_206 = arith.muli %scan3A_202, %mul3A_205 : i32
        %swap3A_207 = arith.index_cast %mul3A_206 : i32 to index
        %swap3A_208 = tpu.vector_load %arg10[%swap3A_207] {strides = array<i32>} : memref<2064xi32, #tpu.memory_space<vmem>>, vector<16xi32>,
        tpu.vector_store %arg10[%swap3A_207], %broadcast_in_dim3A_204 {strides = array<i32>} : memref<2064xi32, #tpu.memory_space<vmem>>, vector<16xi32>,
      }
      %scan3A_120 = arith.constant 129 : i32
      %scan3A_121 = arith.constant 0 : i32
      %scan3A_122 = arith.constant 0 : i32
      %scan3A_123 = arith.constant 128 : i32
      %scan3A_124 = arith.addi %scan3A_122, %scan3A_123 : i32
      %scan3A_125 = arith.constant 1 : i32
      scf.for %scan3A_202 = %scan3A_122 to %scan3A_124 step %scan3A_125  : i32 {
        %mul3A_203 = arith.constant 16 : i32
        %mul3A_204 = arith.muli %scan3A_202, %mul3A_203 : i32
        %get3A = arith.index_cast %mul3A_204 : i32 to index
        %get3A_205 = tpu.vector_load %arg9[%get3A] {strides = array<i32>} : memref<2064xi32, #tpu.memory_space<vmem>>, vector<16xi32>,
        %add3A_206 = arith.constant 2 : i32
        %add3A_207 = vector.broadcast %add3A_206 : i32 to vector<16xi32>
        %add3A_208 = arith.addi %get3A_205, %add3A_207 : vector<16xi32>
        %gather3A = tpu.vector_load_idx %arg6[%add3A_208] : memref<2064xi32, #tpu.memory_space<vmem>>[vector<16xi32>], vector<16xi32>,
        %broadcast_in_dim3A_209 = arith.constant true
        %broadcast_in_dim3A_210 = vector.broadcast %broadcast_in_dim3A_209 : i1 to vector<16xi1>
        %unique3A, %unique3A_211 = tpu.scan_count mask(%broadcast_in_dim3A_210 : vector<16xi1>) value(%gather3A : vector<16xi32>) : vector<16xi1>, vector<16xi32>
        tpu.vector_store_idx %arg10[%gather3A], %unique3A_211 masked %unique3A {add = true} : memref<2064xi32, #tpu.memory_space<vmem>>[vector<16xi32>], vector<16xi32>, vector<16xi1>
      }
      %scan3A_126 = arith.constant 128 : i32
      %scan3A_127 = arith.constant 0 : i32
      %scan3A_128 = arith.constant 0 : i32
      %scan3A_129 = arith.constant 129 : i32
      %scan3A_130 = arith.addi %scan3A_128, %scan3A_129 : i32
      %scan3A_131 = arith.constant 1 : i32
      %scan3A_132 = scf.for %scan3A_202 = %scan3A_128 to %scan3A_130 step %scan3A_131 iter_args(%scan3A_203 = %scan3A_127) -> (i32)  : i32 {
        %mul3A_204 = arith.constant 16 : i32
        %mul3A_205 = arith.muli %scan3A_202, %mul3A_204 : i32
        %get3A = arith.index_cast %mul3A_205 : i32 to index
        %get3A_206 = tpu.vector_load %arg10[%get3A] {strides = array<i32>} : memref<2064xi32, #tpu.memory_space<vmem>>, vector<16xi32>,
        %broadcast_in_dim3A_207 = arith.constant true
        %broadcast_in_dim3A_208 = vector.broadcast %broadcast_in_dim3A_207 : i1 to vector<16xi1>
        %masked_cumsum3A = tpu.scan <sum>, %get3A_206 masked %broadcast_in_dim3A_208 : vector<16xi32>, vector<16xi1> -> vector<16xi32>
        %sub3A = arith.subi %masked_cumsum3A, %get3A_206 : vector<16xi32>
        %add3A_209 = vector.broadcast %scan3A_203 : i32 to vector<16xi32>
        %add3A_210 = arith.addi %sub3A, %add3A_209 : vector<16xi32>
        %mul3A_211 = arith.constant 16 : i32
        %mul3A_212 = arith.muli %scan3A_202, %mul3A_211 : i32
        %swap3A_213 = arith.index_cast %mul3A_212 : i32 to index
        %swap3A_214 = tpu.vector_load %arg10[%swap3A_213] {strides = array<i32>} : memref<2064xi32, #tpu.memory_space<vmem>>, vector<16xi32>,
        tpu.vector_store %arg10[%swap3A_213], %add3A_210 {strides = array<i32>} : memref<2064xi32, #tpu.memory_space<vmem>>, vector<16xi32>,
        %reduce_sum3A = arith.constant true
        %reduce_sum3A_215 = vector.broadcast %reduce_sum3A : i1 to vector<16xi1>
        %reduce_sum3A_216 = tpu.scan <sum>, %get3A_206 masked %reduce_sum3A_215 : vector<16xi32>, vector<16xi1> -> vector<16xi32>
        %reduce_sum3A_217 = vector.extract %reduce_sum3A_216[15] : i32 from vector<16xi32>
        %add3A_218 = arith.addi %scan3A_203, %reduce_sum3A_217 : i32
        scf.yield %add3A_218 : i32
      }
      %scan3A_133 = arith.constant 129 : i32
      %scan3A_134 = arith.constant 0 : i32
      %scan3A_135 = arith.constant 0 : i32
      %scan3A_136 = arith.constant 128 : i32
      %scan3A_137 = arith.addi %scan3A_135, %scan3A_136 : i32
      %scan3A_138 = arith.constant 1 : i32
      scf.for %scan3A_202 = %scan3A_135 to %scan3A_137 step %scan3A_138  : i32 {
        %mul3A_203 = arith.constant 16 : i32
        %mul3A_204 = arith.muli %scan3A_202, %mul3A_203 : i32
        %get3A = arith.index_cast %mul3A_204 : i32 to index
        %get3A_205 = tpu.vector_load %arg9[%get3A] {strides = array<i32>} : memref<2064xi32, #tpu.memory_space<vmem>>, vector<16xi32>,
        %add3A_206 = arith.constant 2 : i32
        %add3A_207 = vector.broadcast %add3A_206 : i32 to vector<16xi32>
        %add3A_208 = arith.addi %get3A_205, %add3A_207 : vector<16xi32>
        %gather3A = tpu.vector_load_idx %arg6[%add3A_208] : memref<2064xi32, #tpu.memory_space<vmem>>[vector<16xi32>], vector<16xi32>,
        %gather3A_209 = tpu.vector_load_idx %arg10[%gather3A] : memref<2064xi32, #tpu.memory_space<vmem>>[vector<16xi32>], vector<16xi32>,
        %broadcast_in_dim3A_210 = arith.constant true
        %broadcast_in_dim3A_211 = vector.broadcast %broadcast_in_dim3A_210 : i1 to vector<16xi1>
        %unique3A, %unique3A_212 = tpu.scan_count mask(%broadcast_in_dim3A_211 : vector<16xi1>) value(%gather3A : vector<16xi32>) : vector<16xi1>, vector<16xi32>
        %add3A_213 = arith.addi %gather3A_209, %unique3A_212 : vector<16xi32>
        %sub3A = arith.constant 1 : i32
        %sub3A_214 = vector.broadcast %sub3A : i32 to vector<16xi32>
        %sub3A_215 = arith.subi %add3A_213, %sub3A_214 : vector<16xi32>
        tpu.vector_store_idx %arg8[%sub3A_215], %get3A_205 : memref<2064xi32, #tpu.memory_space<vmem>>[vector<16xi32>], vector<16xi32>,
        tpu.vector_store_idx %arg10[%gather3A], %unique3A_212 masked %unique3A {add = true} : memref<2064xi32, #tpu.memory_space<vmem>>[vector<16xi32>], vector<16xi32>, vector<16xi1>
      }
      %scan3A_139 = arith.constant 128 : i32
      %scan3A_140 = arith.constant 0 : i32
      %scan3A_141 = arith.constant 0 : i32
      %scan3A_142 = arith.constant 129 : i32
      %scan3A_143 = arith.addi %scan3A_141, %scan3A_142 : i32
      %scan3A_144 = arith.constant 1 : i32
      scf.for %scan3A_202 = %scan3A_141 to %scan3A_143 step %scan3A_144  : i32 {
        %broadcast_in_dim3A_203 = arith.constant 0 : i32
        %broadcast_in_dim3A_204 = vector.broadcast %broadcast_in_dim3A_203 : i32 to vector<16xi32>
        %mul3A_205 = arith.constant 16 : i32
        %mul3A_206 = arith.muli %scan3A_202, %mul3A_205 : i32
        %swap3A_207 = arith.index_cast %mul3A_206 : i32 to index
        %swap3A_208 = tpu.vector_load %arg10[%swap3A_207] {strides = array<i32>} : memref<2064xi32, #tpu.memory_space<vmem>>, vector<16xi32>,
        tpu.vector_store %arg10[%swap3A_207], %broadcast_in_dim3A_204 {strides = array<i32>} : memref<2064xi32, #tpu.memory_space<vmem>>, vector<16xi32>,
      }
      %scan3A_145 = arith.constant 129 : i32
      %scan3A_146 = arith.constant 0 : i32
      %scan3A_147 = arith.constant 0 : i32
      %scan3A_148 = arith.constant 128 : i32
      %scan3A_149 = arith.addi %scan3A_147, %scan3A_148 : i32
      %scan3A_150 = arith.constant 1 : i32
      scf.for %scan3A_202 = %scan3A_147 to %scan3A_149 step %scan3A_150  : i32 {
        %mul3A_203 = arith.constant 16 : i32
        %mul3A_204 = arith.muli %scan3A_202, %mul3A_203 : i32
        %get3A = arith.index_cast %mul3A_204 : i32 to index
        %get3A_205 = tpu.vector_load %arg8[%get3A] {strides = array<i32>} : memref<2064xi32, #tpu.memory_space<vmem>>, vector<16xi32>,
        %add3A_206 = arith.constant 1 : i32
        %add3A_207 = vector.broadcast %add3A_206 : i32 to vector<16xi32>
        %add3A_208 = arith.addi %get3A_205, %add3A_207 : vector<16xi32>
        %gather3A = tpu.vector_load_idx %arg6[%add3A_208] : memref<2064xi32, #tpu.memory_space<vmem>>[vector<16xi32>], vector<16xi32>,
        %broadcast_in_dim3A_209 = arith.constant true
        %broadcast_in_dim3A_210 = vector.broadcast %broadcast_in_dim3A_209 : i1 to vector<16xi1>
        %unique3A, %unique3A_211 = tpu.scan_count mask(%broadcast_in_dim3A_210 : vector<16xi1>) value(%gather3A : vector<16xi32>) : vector<16xi1>, vector<16xi32>
        tpu.vector_store_idx %arg10[%gather3A], %unique3A_211 masked %unique3A {add = true} : memref<2064xi32, #tpu.memory_space<vmem>>[vector<16xi32>], vector<16xi32>, vector<16xi1>
      }
      %scan3A_151 = arith.constant 128 : i32
      %scan3A_152 = arith.constant 0 : i32
      %scan3A_153 = arith.constant 0 : i32
      %scan3A_154 = arith.constant 129 : i32
      %scan3A_155 = arith.addi %scan3A_153, %scan3A_154 : i32
      %scan3A_156 = arith.constant 1 : i32
      %scan3A_157 = scf.for %scan3A_202 = %scan3A_153 to %scan3A_155 step %scan3A_156 iter_args(%scan3A_203 = %scan3A_152) -> (i32)  : i32 {
        %mul3A_204 = arith.constant 16 : i32
        %mul3A_205 = arith.muli %scan3A_202, %mul3A_204 : i32
        %get3A = arith.index_cast %mul3A_205 : i32 to index
        %get3A_206 = tpu.vector_load %arg10[%get3A] {strides = array<i32>} : memref<2064xi32, #tpu.memory_space<vmem>>, vector<16xi32>,
        %broadcast_in_dim3A_207 = arith.constant true
        %broadcast_in_dim3A_208 = vector.broadcast %broadcast_in_dim3A_207 : i1 to vector<16xi1>
        %masked_cumsum3A = tpu.scan <sum>, %get3A_206 masked %broadcast_in_dim3A_208 : vector<16xi32>, vector<16xi1> -> vector<16xi32>
        %sub3A = arith.subi %masked_cumsum3A, %get3A_206 : vector<16xi32>
        %add3A_209 = vector.broadcast %scan3A_203 : i32 to vector<16xi32>
        %add3A_210 = arith.addi %sub3A, %add3A_209 : vector<16xi32>
        %mul3A_211 = arith.constant 16 : i32
        %mul3A_212 = arith.muli %scan3A_202, %mul3A_211 : i32
        %swap3A_213 = arith.index_cast %mul3A_212 : i32 to index
        %swap3A_214 = tpu.vector_load %arg10[%swap3A_213] {strides = array<i32>} : memref<2064xi32, #tpu.memory_space<vmem>>, vector<16xi32>,
        tpu.vector_store %arg10[%swap3A_213], %add3A_210 {strides = array<i32>} : memref<2064xi32, #tpu.memory_space<vmem>>, vector<16xi32>,
        %reduce_sum3A = arith.constant true
        %reduce_sum3A_215 = vector.broadcast %reduce_sum3A : i1 to vector<16xi1>
        %reduce_sum3A_216 = tpu.scan <sum>, %get3A_206 masked %reduce_sum3A_215 : vector<16xi32>, vector<16xi1> -> vector<16xi32>
        %reduce_sum3A_217 = vector.extract %reduce_sum3A_216[15] : i32 from vector<16xi32>
        %add3A_218 = arith.addi %scan3A_203, %reduce_sum3A_217 : i32
        scf.yield %add3A_218 : i32
      }
      %scan3A_158 = arith.constant 129 : i32
      %scan3A_159 = arith.constant 0 : i32
      %scan3A_160 = arith.constant 0 : i32
      %scan3A_161 = arith.constant 128 : i32
      %scan3A_162 = arith.addi %scan3A_160, %scan3A_161 : i32
      %scan3A_163 = arith.constant 1 : i32
      scf.for %scan3A_202 = %scan3A_160 to %scan3A_162 step %scan3A_163  : i32 {
        %mul3A_203 = arith.constant 16 : i32
        %mul3A_204 = arith.muli %scan3A_202, %mul3A_203 : i32
        %get3A = arith.index_cast %mul3A_204 : i32 to index
        %get3A_205 = tpu.vector_load %arg8[%get3A] {strides = array<i32>} : memref<2064xi32, #tpu.memory_space<vmem>>, vector<16xi32>,
        %add3A_206 = arith.constant 1 : i32
        %add3A_207 = vector.broadcast %add3A_206 : i32 to vector<16xi32>
        %add3A_208 = arith.addi %get3A_205, %add3A_207 : vector<16xi32>
        %gather3A = tpu.vector_load_idx %arg6[%add3A_208] : memref<2064xi32, #tpu.memory_space<vmem>>[vector<16xi32>], vector<16xi32>,
        %gather3A_209 = tpu.vector_load_idx %arg10[%gather3A] : memref<2064xi32, #tpu.memory_space<vmem>>[vector<16xi32>], vector<16xi32>,
        %broadcast_in_dim3A_210 = arith.constant true
        %broadcast_in_dim3A_211 = vector.broadcast %broadcast_in_dim3A_210 : i1 to vector<16xi1>
        %unique3A, %unique3A_212 = tpu.scan_count mask(%broadcast_in_dim3A_211 : vector<16xi1>) value(%gather3A : vector<16xi32>) : vector<16xi1>, vector<16xi32>
        %add3A_213 = arith.addi %gather3A_209, %unique3A_212 : vector<16xi32>
        %sub3A = arith.constant 1 : i32
        %sub3A_214 = vector.broadcast %sub3A : i32 to vector<16xi32>
        %sub3A_215 = arith.subi %add3A_213, %sub3A_214 : vector<16xi32>
        tpu.vector_store_idx %arg9[%sub3A_215], %get3A_205 : memref<2064xi32, #tpu.memory_space<vmem>>[vector<16xi32>], vector<16xi32>,
        tpu.vector_store_idx %arg10[%gather3A], %unique3A_212 masked %unique3A {add = true} : memref<2064xi32, #tpu.memory_space<vmem>>[vector<16xi32>], vector<16xi32>, vector<16xi1>
      }
      %scan3A_164 = arith.constant 128 : i32
      %scan3A_165 = arith.constant 0 : i32
      %scan3A_166 = arith.constant 0 : i32
      %scan3A_167 = arith.constant 129 : i32
      %scan3A_168 = arith.addi %scan3A_166, %scan3A_167 : i32
      %scan3A_169 = arith.constant 1 : i32
      scf.for %scan3A_202 = %scan3A_166 to %scan3A_168 step %scan3A_169  : i32 {
        %broadcast_in_dim3A_203 = arith.constant 0 : i32
        %broadcast_in_dim3A_204 = vector.broadcast %broadcast_in_dim3A_203 : i32 to vector<16xi32>
        %mul3A_205 = arith.constant 16 : i32
        %mul3A_206 = arith.muli %scan3A_202, %mul3A_205 : i32
        %swap3A_207 = arith.index_cast %mul3A_206 : i32 to index
        %swap3A_208 = tpu.vector_load %arg10[%swap3A_207] {strides = array<i32>} : memref<2064xi32, #tpu.memory_space<vmem>>, vector<16xi32>,
        tpu.vector_store %arg10[%swap3A_207], %broadcast_in_dim3A_204 {strides = array<i32>} : memref<2064xi32, #tpu.memory_space<vmem>>, vector<16xi32>,
      }
      %scan3A_170 = arith.constant 129 : i32
      %scan3A_171 = arith.constant 0 : i32
      %scan3A_172 = arith.constant 0 : i32
      %scan3A_173 = arith.constant 128 : i32
      %scan3A_174 = arith.addi %scan3A_172, %scan3A_173 : i32
      %scan3A_175 = arith.constant 1 : i32
      scf.for %scan3A_202 = %scan3A_172 to %scan3A_174 step %scan3A_175  : i32 {
        %mul3A_203 = arith.constant 16 : i32
        %mul3A_204 = arith.muli %scan3A_202, %mul3A_203 : i32
        %get3A = arith.index_cast %mul3A_204 : i32 to index
        %get3A_205 = tpu.vector_load %arg9[%get3A] {strides = array<i32>} : memref<2064xi32, #tpu.memory_space<vmem>>, vector<16xi32>,
        %add3A_206 = arith.constant 0 : i32
        %add3A_207 = vector.broadcast %add3A_206 : i32 to vector<16xi32>
        %add3A_208 = arith.addi %get3A_205, %add3A_207 : vector<16xi32>
        %gather3A = tpu.vector_load_idx %arg6[%add3A_208] : memref<2064xi32, #tpu.memory_space<vmem>>[vector<16xi32>], vector<16xi32>,
        %broadcast_in_dim3A_209 = arith.constant true
        %broadcast_in_dim3A_210 = vector.broadcast %broadcast_in_dim3A_209 : i1 to vector<16xi1>
        %unique3A, %unique3A_211 = tpu.scan_count mask(%broadcast_in_dim3A_210 : vector<16xi1>) value(%gather3A : vector<16xi32>) : vector<16xi1>, vector<16xi32>
        tpu.vector_store_idx %arg10[%gather3A], %unique3A_211 masked %unique3A {add = true} : memref<2064xi32, #tpu.memory_space<vmem>>[vector<16xi32>], vector<16xi32>, vector<16xi1>
      }
      %scan3A_176 = arith.constant 128 : i32
      %scan3A_177 = arith.constant 0 : i32
      %scan3A_178 = arith.constant 0 : i32
      %scan3A_179 = arith.constant 129 : i32
      %scan3A_180 = arith.addi %scan3A_178, %scan3A_179 : i32
      %scan3A_181 = arith.constant 1 : i32
      %scan3A_182 = scf.for %scan3A_202 = %scan3A_178 to %scan3A_180 step %scan3A_181 iter_args(%scan3A_203 = %scan3A_177) -> (i32)  : i32 {
        %mul3A_204 = arith.constant 16 : i32
        %mul3A_205 = arith.muli %scan3A_202, %mul3A_204 : i32
        %get3A = arith.index_cast %mul3A_205 : i32 to index
        %get3A_206 = tpu.vector_load %arg10[%get3A] {strides = array<i32>} : memref<2064xi32, #tpu.memory_space<vmem>>, vector<16xi32>,
        %broadcast_in_dim3A_207 = arith.constant true
        %broadcast_in_dim3A_208 = vector.broadcast %broadcast_in_dim3A_207 : i1 to vector<16xi1>
        %masked_cumsum3A = tpu.scan <sum>, %get3A_206 masked %broadcast_in_dim3A_208 : vector<16xi32>, vector<16xi1> -> vector<16xi32>
        %sub3A = arith.subi %masked_cumsum3A, %get3A_206 : vector<16xi32>
        %add3A_209 = vector.broadcast %scan3A_203 : i32 to vector<16xi32>
        %add3A_210 = arith.addi %sub3A, %add3A_209 : vector<16xi32>
        %mul3A_211 = arith.constant 16 : i32
        %mul3A_212 = arith.muli %scan3A_202, %mul3A_211 : i32
        %swap3A_213 = arith.index_cast %mul3A_212 : i32 to index
        %swap3A_214 = tpu.vector_load %arg10[%swap3A_213] {strides = array<i32>} : memref<2064xi32, #tpu.memory_space<vmem>>, vector<16xi32>,
        tpu.vector_store %arg10[%swap3A_213], %add3A_210 {strides = array<i32>} : memref<2064xi32, #tpu.memory_space<vmem>>, vector<16xi32>,
        %reduce_sum3A = arith.constant true
        %reduce_sum3A_215 = vector.broadcast %reduce_sum3A : i1 to vector<16xi1>
        %reduce_sum3A_216 = tpu.scan <sum>, %get3A_206 masked %reduce_sum3A_215 : vector<16xi32>, vector<16xi1> -> vector<16xi32>
        %reduce_sum3A_217 = vector.extract %reduce_sum3A_216[15] : i32 from vector<16xi32>
        %add3A_218 = arith.addi %scan3A_203, %reduce_sum3A_217 : i32
        scf.yield %add3A_218 : i32
      }
      %scan3A_183 = arith.constant 129 : i32
      %scan3A_184 = arith.constant 0 : i32
      %scan3A_185 = arith.constant 0 : i32
      %scan3A_186 = arith.constant 128 : i32
      %scan3A_187 = arith.addi %scan3A_185, %scan3A_186 : i32
      %scan3A_188 = arith.constant 1 : i32
      scf.for %scan3A_202 = %scan3A_185 to %scan3A_187 step %scan3A_188  : i32 {
        %mul3A_203 = arith.constant 16 : i32
        %mul3A_204 = arith.muli %scan3A_202, %mul3A_203 : i32
        %get3A = arith.index_cast %mul3A_204 : i32 to index
        %get3A_205 = tpu.vector_load %arg9[%get3A] {strides = array<i32>} : memref<2064xi32, #tpu.memory_space<vmem>>, vector<16xi32>,
        %add3A_206 = arith.constant 0 : i32
        %add3A_207 = vector.broadcast %add3A_206 : i32 to vector<16xi32>
        %add3A_208 = arith.addi %get3A_205, %add3A_207 : vector<16xi32>
        %gather3A = tpu.vector_load_idx %arg6[%add3A_208] : memref<2064xi32, #tpu.memory_space<vmem>>[vector<16xi32>], vector<16xi32>,
        %gather3A_209 = tpu.vector_load_idx %arg10[%gather3A] : memref<2064xi32, #tpu.memory_space<vmem>>[vector<16xi32>], vector<16xi32>,
        %broadcast_in_dim3A_210 = arith.constant true
        %broadcast_in_dim3A_211 = vector.broadcast %broadcast_in_dim3A_210 : i1 to vector<16xi1>
        %unique3A, %unique3A_212 = tpu.scan_count mask(%broadcast_in_dim3A_211 : vector<16xi1>) value(%gather3A : vector<16xi32>) : vector<16xi1>, vector<16xi32>
        %add3A_213 = arith.addi %gather3A_209, %unique3A_212 : vector<16xi32>
        %sub3A = arith.constant 1 : i32
        %sub3A_214 = vector.broadcast %sub3A : i32 to vector<16xi32>
        %sub3A_215 = arith.subi %add3A_213, %sub3A_214 : vector<16xi32>
        tpu.vector_store_idx %arg8[%sub3A_215], %get3A_205 : memref<2064xi32, #tpu.memory_space<vmem>>[vector<16xi32>], vector<16xi32>,
        tpu.vector_store_idx %arg10[%gather3A], %unique3A_212 masked %unique3A {add = true} : memref<2064xi32, #tpu.memory_space<vmem>>[vector<16xi32>], vector<16xi32>, vector<16xi1>
      }
      %scan3A_189 = arith.constant 128 : i32
      %broadcast_in_dim3A_190 = arith.constant 2048 : i32
      %broadcast_in_dim3A_191 = vector.broadcast %broadcast_in_dim3A_190 : i32 to vector<16xi32>
      %swap3A_192 = arith.constant 2048 : index
      %swap3A_193 = tpu.vector_load %arg8[%swap3A_192] {strides = array<i32>} : memref<2064xi32, #tpu.memory_space<vmem>>, vector<16xi32>,
      tpu.vector_store %arg8[%swap3A_192], %broadcast_in_dim3A_191 {strides = array<i32>} : memref<2064xi32, #tpu.memory_space<vmem>>, vector<16xi32>,
      %broadcast_in_dim3A_194 = arith.constant 0 : i32
      %broadcast_in_dim3A_195 = vector.broadcast %broadcast_in_dim3A_194 : i32 to vector<16xi32>
      %scan3A_196 = arith.constant 0 : i32
      %scan3A_197 = arith.constant 128 : i32
      %scan3A_198 = arith.addi %scan3A_196, %scan3A_197 : i32
      %scan3A_199 = arith.constant 1 : i32
      %scan3A_200 = scf.for %scan3A_202 = %scan3A_196 to %scan3A_198 step %scan3A_199 iter_args(%scan3A_203 = %broadcast_in_dim3A_195) -> (vector<16xi32>)  : i32 {
        %mul3A_204 = arith.constant 16 : i32
        %mul3A_205 = arith.muli %scan3A_202, %mul3A_204 : i32
        %get3A = arith.index_cast %mul3A_205 : i32 to index
        %get3A_206 = tpu.vector_load %arg8[%get3A] {strides = array<i32>} : memref<2064xi32, #tpu.memory_space<vmem>>, vector<16xi32>,
        %mul3A_207 = arith.constant 16 : i32
        %mul3A_208 = arith.muli %scan3A_202, %mul3A_207 : i32
        %add3A_209 = arith.constant 1 : i32
        %add3A_210 = arith.addi %mul3A_208, %add3A_209 : i32
        %get3A_211 = arith.index_cast %add3A_210 : i32 to index
        %get3A_212 = tpu.vector_load %arg8[%get3A_211] {strides = array<i32>} : memref<2064xi32, #tpu.memory_space<vmem>>, vector<16xi32>,
        %broadcast_in_dim3A_213 = arith.constant false
        %broadcast_in_dim3A_214 = vector.broadcast %broadcast_in_dim3A_213 : i1 to vector<16xi1>
        %add3A_215 = arith.constant 0 : i32
        %add3A_216 = vector.broadcast %add3A_215 : i32 to vector<16xi32>
        %add3A_217 = arith.addi %get3A_206, %add3A_216 : vector<16xi32>
        %gather3A = tpu.vector_load_idx %arg6[%add3A_217] : memref<2064xi32, #tpu.memory_space<vmem>>[vector<16xi32>], vector<16xi32>,
        %add3A_218 = arith.constant 0 : i32
        %add3A_219 = vector.broadcast %add3A_218 : i32 to vector<16xi32>
        %add3A_220 = arith.addi %get3A_212, %add3A_219 : vector<16xi32>
        %gather3A_221 = tpu.vector_load_idx %arg6[%add3A_220] : memref<2064xi32, #tpu.memory_space<vmem>>[vector<16xi32>], vector<16xi32>,
        %ne3A = arith.cmpi ne, %gather3A, %gather3A_221 : vector<16xi32>
        %or3A = arith.ori %broadcast_in_dim3A_214, %ne3A : vector<16xi1>
        %add3A_222 = arith.constant 1 : i32
        %add3A_223 = vector.broadcast %add3A_222 : i32 to vector<16xi32>
        %add3A_224 = arith.addi %get3A_206, %add3A_223 : vector<16xi32>
        %gather3A_225 = tpu.vector_load_idx %arg6[%add3A_224] : memref<2064xi32, #tpu.memory_space<vmem>>[vector<16xi32>], vector<16xi32>,
        %add3A_226 = arith.constant 1 : i32
        %add3A_227 = vector.broadcast %add3A_226 : i32 to vector<16xi32>
        %add3A_228 = arith.addi %get3A_212, %add3A_227 : vector<16xi32>
        %gather3A_229 = tpu.vector_load_idx %arg6[%add3A_228] : memref<2064xi32, #tpu.memory_space<vmem>>[vector<16xi32>], vector<16xi32>,
        %ne3A_230 = arith.cmpi ne, %gather3A_225, %gather3A_229 : vector<16xi32>
        %or3A_231 = arith.ori %or3A, %ne3A_230 : vector<16xi1>
        %add3A_232 = arith.constant 2 : i32
        %add3A_233 = vector.broadcast %add3A_232 : i32 to vector<16xi32>
        %add3A_234 = arith.addi %get3A_206, %add3A_233 : vector<16xi32>
        %gather3A_235 = tpu.vector_load_idx %arg6[%add3A_234] : memref<2064xi32, #tpu.memory_space<vmem>>[vector<16xi32>], vector<16xi32>,
        %add3A_236 = arith.constant 2 : i32
        %add3A_237 = vector.broadcast %add3A_236 : i32 to vector<16xi32>
        %add3A_238 = arith.addi %get3A_212, %add3A_237 : vector<16xi32>
        %gather3A_239 = tpu.vector_load_idx %arg6[%add3A_238] : memref<2064xi32, #tpu.memory_space<vmem>>[vector<16xi32>], vector<16xi32>,
        %ne3A_240 = arith.cmpi ne, %gather3A_235, %gather3A_239 : vector<16xi32>
        %or3A_241 = arith.ori %or3A_231, %ne3A_240 : vector<16xi1>
        %add3A_242 = arith.constant 3 : i32
        %add3A_243 = vector.broadcast %add3A_242 : i32 to vector<16xi32>
        %add3A_244 = arith.addi %get3A_206, %add3A_243 : vector<16xi32>
        %gather3A_245 = tpu.vector_load_idx %arg6[%add3A_244] : memref<2064xi32, #tpu.memory_space<vmem>>[vector<16xi32>], vector<16xi32>,
        %add3A_246 = arith.constant 3 : i32
        %add3A_247 = vector.broadcast %add3A_246 : i32 to vector<16xi32>
        %add3A_248 = arith.addi %get3A_212, %add3A_247 : vector<16xi32>
        %gather3A_249 = tpu.vector_load_idx %arg6[%add3A_248] : memref<2064xi32, #tpu.memory_space<vmem>>[vector<16xi32>], vector<16xi32>,
        %ne3A_250 = arith.cmpi ne, %gather3A_245, %gather3A_249 : vector<16xi32>
        %or3A_251 = arith.ori %or3A_241, %ne3A_250 : vector<16xi1>
        %all_reduce_population_count3A = tpu.all_reduce %or3A_251 {dim = 0 : i64, kind = #tpu.reduction_kind<sum>} : vector<16xi1> -> vector<16xi32>
        %add3A_252 = arith.addi %scan3A_203, %all_reduce_population_count3A : vector<16xi32>
        scf.yield %add3A_252 : vector<16xi32>
      }
      %scan3A_201 = arith.constant 128 : i32
      scf.yield %scan3A_200 : vector<16xi32>
    }
    %swap3A_31 = arith.constant 0 : index
    %swap3A_32 = tpu.vector_load %arg11[%swap3A_31] {strides = array<i32>} : memref<16xi32, #tpu.memory_space<vmem>>, vector<16xi32>,
    tpu.vector_store %arg11[%swap3A_31], %cond3A_30 {strides = array<i32>} : memref<16xi32, #tpu.memory_space<vmem>>, vector<16xi32>,
    "tpu.region"() ({
      %run_scoped3A = tpu.sem_alloc : memref<!tpu.dma_semaphore, #tpu.memory_space<semaphore_mem>>
      %dma_start3A = arith.constant 0 : i32
      %dma_start3A_68 = tpu.memref_slice %arg3[%add3A_6, %dma_start3A] : memref<64x16xi32, #tpu.memory_space<hbm>> -> memref<1x16xi32, #tpu.memory_space<hbm>>
      %dma_start3A_69 = tpu.memref_squeeze %dma_start3A_68 : memref<1x16xi32, #tpu.memory_space<hbm>> -> memref<16xi32, #tpu.memory_space<hbm>>
      %dma_start3A_70 = arith.constant 0 : i32
      %dma_start3A_71 = tpu.memref_slice %arg3[%add3A_6, %dma_start3A_70] : memref<64x16xi32, #tpu.memory_space<hbm>> -> memref<1x16xi32, #tpu.memory_space<hbm>>
      %dma_start3A_72 = tpu.memref_squeeze %dma_start3A_71 : memref<1x16xi32, #tpu.memory_space<hbm>> -> memref<16xi32, #tpu.memory_space<hbm>>
      tpu.enqueue_dma source(%arg11 : memref<16xi32, #tpu.memory_space<vmem>>) target(%dma_start3A_72 : memref<16xi32, #tpu.memory_space<hbm>>) target_semaphore(%run_scoped3A : memref<!tpu.dma_semaphore, #tpu.memory_space<semaphore_mem>>)
      %dma_wait3A = arith.constant 0 : i32
      %dma_wait3A_73 = tpu.memref_slice %arg3[%add3A_6, %dma_wait3A] : memref<64x16xi32, #tpu.memory_space<hbm>> -> memref<1x16xi32, #tpu.memory_space<hbm>>
      %dma_wait3A_74 = tpu.memref_squeeze %dma_wait3A_73 : memref<1x16xi32, #tpu.memory_space<hbm>> -> memref<16xi32, #tpu.memory_space<hbm>>
      %dma_wait3A_75 = arith.constant 0 : i32
      %dma_wait3A_76 = tpu.memref_slice %arg3[%add3A_6, %dma_wait3A_75] : memref<64x16xi32, #tpu.memory_space<hbm>> -> memref<1x16xi32, #tpu.memory_space<hbm>>
      %dma_wait3A_77 = tpu.memref_squeeze %dma_wait3A_76 : memref<1x16xi32, #tpu.memory_space<hbm>> -> memref<16xi32, #tpu.memory_space<hbm>>
      tpu.wait_dma2 semaphore(%run_scoped3A : memref<!tpu.dma_semaphore, #tpu.memory_space<semaphore_mem>>) src(%arg11 : memref<16xi32, #tpu.memory_space<vmem>>) dst(%dma_wait3A_77 : memref<16xi32, #tpu.memory_space<hbm>>)
      tpu.yield
    }) : () -> ()
    %mul3A_33 = arith.constant 2 : i32
    %mul3A_34 = arith.muli %add3A, %mul3A_33 : i32
    %add3A_35 = arith.constant 1 : i32
    %add3A_36 = arith.addi %mul3A_34, %add3A_35 : i32
    "tpu.region"() ({
      %run_scoped3A = tpu.sem_alloc : memref<!tpu.dma_semaphore, #tpu.memory_space<semaphore_mem>>
      %dma_start3A = arith.constant 0 : i32
      %dma_start3A_68 = tpu.memref_slice %arg2[%add3A_36, %dma_start3A] : memref<64x2048xi32, #tpu.memory_space<hbm>> -> memref<1x2048xi32, #tpu.memory_space<hbm>>
      %dma_start3A_69 = tpu.memref_squeeze %dma_start3A_68 : memref<1x2048xi32, #tpu.memory_space<hbm>> -> memref<2048xi32, #tpu.memory_space<hbm>>
      %dma_start3A_70 = arith.constant 0 : i32
      %dma_start3A_71 = tpu.memref_slice %arg2[%add3A_36, %dma_start3A_70] : memref<64x2048xi32, #tpu.memory_space<hbm>> -> memref<1x2048xi32, #tpu.memory_space<hbm>>
      %dma_start3A_72 = tpu.memref_squeeze %dma_start3A_71 : memref<1x2048xi32, #tpu.memory_space<hbm>> -> memref<2048xi32, #tpu.memory_space<hbm>>
      tpu.enqueue_dma source(%dma_start3A_72 : memref<2048xi32, #tpu.memory_space<hbm>>) target(%arg5 : memref<2048xi32, #tpu.memory_space<vmem>>) target_semaphore(%run_scoped3A : memref<!tpu.dma_semaphore, #tpu.memory_space<semaphore_mem>>)
      %dma_wait3A = arith.constant 0 : i32
      %dma_wait3A_73 = tpu.memref_slice %arg2[%add3A_36, %dma_wait3A] : memref<64x2048xi32, #tpu.memory_space<hbm>> -> memref<1x2048xi32, #tpu.memory_space<hbm>>
      %dma_wait3A_74 = tpu.memref_squeeze %dma_wait3A_73 : memref<1x2048xi32, #tpu.memory_space<hbm>> -> memref<2048xi32, #tpu.memory_space<hbm>>
      %dma_wait3A_75 = arith.constant 0 : i32
      %dma_wait3A_76 = tpu.memref_slice %arg2[%add3A_36, %dma_wait3A_75] : memref<64x2048xi32, #tpu.memory_space<hbm>> -> memref<1x2048xi32, #tpu.memory_space<hbm>>
      %dma_wait3A_77 = tpu.memref_squeeze %dma_wait3A_76 : memref<1x2048xi32, #tpu.memory_space<hbm>> -> memref<2048xi32, #tpu.memory_space<hbm>>
      tpu.wait_dma2 semaphore(%run_scoped3A : memref<!tpu.dma_semaphore, #tpu.memory_space<semaphore_mem>>) src(%dma_wait3A_77 : memref<2048xi32, #tpu.memory_space<hbm>>) dst(%arg5 : memref<2048xi32, #tpu.memory_space<vmem>>)
      tpu.yield
    }) : () -> ()
    %scan3A_37 = arith.constant 0 : i32
    %scan3A_38 = arith.constant 0 : i32
    %scan3A_39 = arith.constant 128 : i32
    %scan3A_40 = arith.addi %scan3A_38, %scan3A_39 : i32
    %scan3A_41 = arith.constant 1 : i32
    scf.for %scan3A_68 = %scan3A_38 to %scan3A_40 step %scan3A_41  : i32 {
      %mul3A_69 = arith.constant 16 : i32
      %mul3A_70 = arith.muli %scan3A_68, %mul3A_69 : i32
      %get3A = arith.index_cast %mul3A_70 : i32 to index
      %get3A_71 = tpu.vector_load %arg5[%get3A] {strides = array<i32>} : memref<2048xi32, #tpu.memory_space<vmem>>, vector<16xi32>,
      %broadcast_in_dim3A_72 = arith.constant true
      %broadcast_in_dim3A_73 = vector.broadcast %broadcast_in_dim3A_72 : i1 to vector<16xi1>
      %unique3A, %unique3A_74 = tpu.scan_count mask(%broadcast_in_dim3A_73 : vector<16xi1>) value(%get3A_71 : vector<16xi32>) : vector<16xi1>, vector<16xi32>
      %mul3A_75 = arith.constant 16 : i32
      %mul3A_76 = arith.muli %scan3A_68, %mul3A_75 : i32
      %add3A_77 = vector.broadcast %mul3A_76 : i32 to vector<16xi32>
      %add3A_78 = arith.addi %add3A_77, %iota3A : vector<16xi32>
      tpu.vector_store_idx %arg4[%get3A_71], %add3A_78 masked %unique3A : memref<100000xi32, #tpu.memory_space<vmem>>[vector<16xi32>], vector<16xi32>, vector<16xi1>
    }
    %scan3A_42 = arith.constant 128 : i32
    %parallel_loop3A_43 = arith.constant 0 : i32
    %parallel_loop3A_44 = arith.constant 128 : i32
    %parallel_loop3A_45 = arith.constant 1 : i32
    scf.for %parallel_loop3A_68 = %parallel_loop3A_43 to %parallel_loop3A_44 step %parallel_loop3A_45  : i32 {
      %parallel_loop3A_69 = arith.constant 16 : i32
      %parallel_loop3A_70 = arith.muli %parallel_loop3A_68, %parallel_loop3A_69 : i32
      %parallel_loop3A_71 = arith.index_cast %parallel_loop3A_70 : i32 to index
      %parallel_loop3A_72 = tpu.vector_load %arg5[%parallel_loop3A_71] {strides = array<i32>} : memref<2048xi32, #tpu.memory_space<vmem>>, vector<16xi32>,
      %parallel_loop3A_73 = tpu.vector_load_idx %arg4[%parallel_loop3A_72] : memref<100000xi32, #tpu.memory_space<vmem>>[vector<16xi32>], vector<16xi32>,
      %parallel_loop3A_74 = arith.constant 16 : i32
      %parallel_loop3A_75 = arith.muli %parallel_loop3A_68, %parallel_loop3A_74 : i32
      %parallel_loop3A_76 = vector.broadcast %parallel_loop3A_75 : i32 to vector<16xi32>
      %parallel_loop3A_77 = arith.addi %parallel_loop3A_76, %iota3A : vector<16xi32>
      %parallel_loop3A_78 = arith.cmpi ne, %parallel_loop3A_73, %parallel_loop3A_77 : vector<16xi32>
      %parallel_loop3A_79 = arith.extui %parallel_loop3A_78 : vector<16xi1> to vector<16xi32>
      %parallel_loop3A_80 = arith.constant 16 : i32
      %parallel_loop3A_81 = arith.muli %parallel_loop3A_68, %parallel_loop3A_80 : i32
      %parallel_loop3A_82 = arith.index_cast %parallel_loop3A_81 : i32 to index
      %parallel_loop3A_83 = tpu.vector_load %arg7[%parallel_loop3A_82] {strides = array<i32>} : memref<2064xi32, #tpu.memory_space<vmem>>, vector<16xi32>,
      tpu.vector_store %arg7[%parallel_loop3A_82], %parallel_loop3A_79 {strides = array<i32>} : memref<2064xi32, #tpu.memory_space<vmem>>, vector<16xi32>,
    } {sc.loop_unroll_factor = 4 : i64, sc.parallel_access}
    %scan3A_46 = arith.constant 0 : i32
    %scan3A_47 = arith.constant 0 : i32
    %scan3A_48 = arith.constant 128 : i32
    %scan3A_49 = arith.addi %scan3A_47, %scan3A_48 : i32
    %scan3A_50 = arith.constant 1 : i32
    scf.for %scan3A_68 = %scan3A_47 to %scan3A_49 step %scan3A_50  : i32 {
      %sub3A = arith.constant 127 : i32
      %sub3A_69 = arith.subi %sub3A, %scan3A_68 : i32
      %mul3A_70 = arith.constant 16 : i32
      %mul3A_71 = arith.muli %sub3A_69, %mul3A_70 : i32
      %get3A = arith.index_cast %mul3A_71 : i32 to index
      %get3A_72 = tpu.vector_load %arg5[%get3A] {strides = array<i32>} : memref<2048xi32, #tpu.memory_space<vmem>>, vector<16xi32>,
      %rev3A = arith.constant 15 : i32
      %rev3A_73 = vector.broadcast %rev3A : i32 to vector<16xi32>
      %rev3A_74 = tpu.iota {dimensions = array<i32: 0>} : vector<16xi32>
      %rev3A_75 = arith.subi %rev3A_73, %rev3A_74 : vector<16xi32>
      %rev3A_76 = tpu.dynamic_gather %get3A_72[%rev3A_75] in [0] : vector<16xi32>, vector<16xi32> -> vector<16xi32>
      %broadcast_in_dim3A_77 = arith.constant true
      %broadcast_in_dim3A_78 = vector.broadcast %broadcast_in_dim3A_77 : i1 to vector<16xi1>
      %unique3A, %unique3A_79 = tpu.scan_count mask(%broadcast_in_dim3A_78 : vector<16xi1>) value(%rev3A_76 : vector<16xi32>) : vector<16xi1>, vector<16xi32>
      %mul3A_80 = arith.constant 16 : i32
      %mul3A_81 = arith.muli %sub3A_69, %mul3A_80 : i32
      %sub3A_82 = arith.constant 15 : i32
      %sub3A_83 = vector.broadcast %sub3A_82 : i32 to vector<16xi32>
      %sub3A_84 = arith.subi %sub3A_83, %iota3A : vector<16xi32>
      %add3A_85 = vector.broadcast %mul3A_81 : i32 to vector<16xi32>
      %add3A_86 = arith.addi %add3A_85, %sub3A_84 : vector<16xi32>
      tpu.vector_store_idx %arg4[%rev3A_76], %add3A_86 masked %unique3A : memref<100000xi32, #tpu.memory_space<vmem>>[vector<16xi32>], vector<16xi32>, vector<16xi1>
    }
    %scan3A_51 = arith.constant 128 : i32
    %parallel_loop3A_52 = arith.constant 0 : i32
    %parallel_loop3A_53 = arith.constant 128 : i32
    %parallel_loop3A_54 = arith.constant 1 : i32
    scf.for %parallel_loop3A_68 = %parallel_loop3A_52 to %parallel_loop3A_53 step %parallel_loop3A_54  : i32 {
      %parallel_loop3A_69 = arith.constant 16 : i32
      %parallel_loop3A_70 = arith.muli %parallel_loop3A_68, %parallel_loop3A_69 : i32
      %parallel_loop3A_71 = arith.index_cast %parallel_loop3A_70 : i32 to index
      %parallel_loop3A_72 = tpu.vector_load %arg5[%parallel_loop3A_71] {strides = array<i32>} : memref<2048xi32, #tpu.memory_space<vmem>>, vector<16xi32>,
      %parallel_loop3A_73 = tpu.vector_load_idx %arg4[%parallel_loop3A_72] : memref<100000xi32, #tpu.memory_space<vmem>>[vector<16xi32>], vector<16xi32>,
      %parallel_loop3A_74 = arith.constant 16 : i32
      %parallel_loop3A_75 = arith.muli %parallel_loop3A_68, %parallel_loop3A_74 : i32
      %parallel_loop3A_76 = arith.index_cast %parallel_loop3A_75 : i32 to index
      %parallel_loop3A_77 = tpu.vector_load %arg7[%parallel_loop3A_76] {strides = array<i32>} : memref<2064xi32, #tpu.memory_space<vmem>>, vector<16xi32>,
      %parallel_loop3A_78 = arith.constant 16 : i32
      %parallel_loop3A_79 = arith.muli %parallel_loop3A_68, %parallel_loop3A_78 : i32
      %parallel_loop3A_80 = vector.broadcast %parallel_loop3A_79 : i32 to vector<16xi32>
      %parallel_loop3A_81 = arith.addi %parallel_loop3A_80, %iota3A : vector<16xi32>
      %parallel_loop3A_82 = arith.cmpi ne, %parallel_loop3A_73, %parallel_loop3A_81 : vector<16xi32>
      %parallel_loop3A_83 = arith.extui %parallel_loop3A_82 : vector<16xi1> to vector<16xi32>
      %parallel_loop3A_84 = arith.ori %parallel_loop3A_77, %parallel_loop3A_83 : vector<16xi32>
      %parallel_loop3A_85 = arith.constant 16 : i32
      %parallel_loop3A_86 = arith.muli %parallel_loop3A_68, %parallel_loop3A_85 : i32
      %parallel_loop3A_87 = arith.index_cast %parallel_loop3A_86 : i32 to index
      %parallel_loop3A_88 = tpu.vector_load %arg7[%parallel_loop3A_87] {strides = array<i32>} : memref<2064xi32, #tpu.memory_space<vmem>>, vector<16xi32>,
      tpu.vector_store %arg7[%parallel_loop3A_87], %parallel_loop3A_84 {strides = array<i32>} : memref<2064xi32, #tpu.memory_space<vmem>>, vector<16xi32>,
    } {sc.loop_unroll_factor = 4 : i64, sc.parallel_access}
    %parallel_loop3A_55 = arith.constant 0 : i32
    %parallel_loop3A_56 = arith.constant 128 : i32
    %parallel_loop3A_57 = arith.constant 1 : i32
    %parallel_loop3A_58 = arith.constant 0 : i32
    %parallel_loop3A_59 = scf.for %parallel_loop3A_68 = %parallel_loop3A_55 to %parallel_loop3A_56 step %parallel_loop3A_57 iter_args(%parallel_loop3A_69 = %parallel_loop3A_58) -> (i32)  : i32 {
      %parallel_loop3A_70 = arith.constant 16 : i32
      %parallel_loop3A_71 = arith.muli %parallel_loop3A_68, %parallel_loop3A_70 : i32
      %parallel_loop3A_72 = arith.index_cast %parallel_loop3A_71 : i32 to index
      %parallel_loop3A_73 = tpu.vector_load %arg7[%parallel_loop3A_72] {strides = array<i32>} : memref<2064xi32, #tpu.memory_space<vmem>>, vector<16xi32>,
      %parallel_loop3A_74 = arith.constant 16 : i32
      %parallel_loop3A_75 = arith.muli %parallel_loop3A_68, %parallel_loop3A_74 : i32
      %parallel_loop3A_76 = arith.constant 1 : i32
      %parallel_loop3A_77 = arith.addi %parallel_loop3A_75, %parallel_loop3A_76 : i32
      %parallel_loop3A_78 = arith.index_cast %parallel_loop3A_77 : i32 to index
      %parallel_loop3A_79 = tpu.vector_load %arg7[%parallel_loop3A_78] {strides = array<i32>} : memref<2064xi32, #tpu.memory_space<vmem>>, vector<16xi32>,
      %parallel_loop3A_80 = arith.andi %parallel_loop3A_73, %parallel_loop3A_79 : vector<16xi32>
      %parallel_loop3A_81 = arith.constant 16 : i32
      %parallel_loop3A_82 = arith.muli %parallel_loop3A_68, %parallel_loop3A_81 : i32
      %parallel_loop3A_83 = arith.constant 2 : i32
      %parallel_loop3A_84 = arith.addi %parallel_loop3A_82, %parallel_loop3A_83 : i32
      %parallel_loop3A_85 = arith.index_cast %parallel_loop3A_84 : i32 to index
      %parallel_loop3A_86 = tpu.vector_load %arg7[%parallel_loop3A_85] {strides = array<i32>} : memref<2064xi32, #tpu.memory_space<vmem>>, vector<16xi32>,
      %parallel_loop3A_87 = arith.andi %parallel_loop3A_80, %parallel_loop3A_86 : vector<16xi32>
      %parallel_loop3A_88 = arith.constant 16 : i32
      %parallel_loop3A_89 = arith.muli %parallel_loop3A_68, %parallel_loop3A_88 : i32
      %parallel_loop3A_90 = arith.constant 3 : i32
      %parallel_loop3A_91 = arith.addi %parallel_loop3A_89, %parallel_loop3A_90 : i32
      %parallel_loop3A_92 = arith.index_cast %parallel_loop3A_91 : i32 to index
      %parallel_loop3A_93 = tpu.vector_load %arg7[%parallel_loop3A_92] {strides = array<i32>} : memref<2064xi32, #tpu.memory_space<vmem>>, vector<16xi32>,
      %parallel_loop3A_94 = arith.andi %parallel_loop3A_87, %parallel_loop3A_93 : vector<16xi32>
      %parallel_loop3A_95 = arith.constant 16 : i32
      %parallel_loop3A_96 = arith.muli %parallel_loop3A_68, %parallel_loop3A_95 : i32
      %parallel_loop3A_97 = vector.broadcast %parallel_loop3A_96 : i32 to vector<16xi32>
      %parallel_loop3A_98 = arith.addi %parallel_loop3A_97, %iota3A : vector<16xi32>
      %parallel_loop3A_99 = arith.constant 2045 : i32
      %parallel_loop3A_100 = vector.broadcast %parallel_loop3A_99 : i32 to vector<16xi32>
      %parallel_loop3A_101 = arith.cmpi slt, %parallel_loop3A_98, %parallel_loop3A_100 : vector<16xi32>
      %parallel_loop3A_102 = arith.constant 0 : i32
      %parallel_loop3A_103 = vector.broadcast %parallel_loop3A_102 : i32 to vector<16xi32>
      %parallel_loop3A_104 = arith.select %parallel_loop3A_101, %parallel_loop3A_94, %parallel_loop3A_103 : vector<16xi1>, vector<16xi32>
      %parallel_loop3A_105 = arith.constant true
      %parallel_loop3A_106 = vector.broadcast %parallel_loop3A_105 : i1 to vector<16xi1>
      %parallel_loop3A_107 = tpu.scan <sum>, %parallel_loop3A_104 masked %parallel_loop3A_106 : vector<16xi32>, vector<16xi1> -> vector<16xi32>
      %parallel_loop3A_108 = vector.extract %parallel_loop3A_107[15] : i32 from vector<16xi32>
      %parallel_loop3A_109 = arith.addi %parallel_loop3A_69, %parallel_loop3A_108 : i32
      scf.yield %parallel_loop3A_109 : i32
    } {sc.loop_unroll_factor = 4 : i64, sc.parallel_access}
    %eq3A_60 = arith.constant 0 : i32
    %eq3A_61 = arith.cmpi eq, %parallel_loop3A_59, %eq3A_60 : i32
    %convert_element_type3A_62 = arith.extui %eq3A_61 : i1 to i32
    %cond3A_63 = arith.constant 0 : i32
    %cond3A_64 = arith.cmpi ne, %convert_element_type3A_62, %cond3A_63 : i32
    %cond3A_65 = scf.if %cond3A_64 -> (vector<16xi32>) {
      %broadcast_in_dim3A_68 = arith.constant 2045 : i32
      %broadcast_in_dim3A_69 = vector.broadcast %broadcast_in_dim3A_68 : i32 to vector<16xi32>
      scf.yield %broadcast_in_dim3A_69 : vector<16xi32>
    } else {
      %scan3A_68 = arith.constant 0 : i32
      %scan3A_69 = arith.constant 0 : i32
      %scan3A_70 = arith.constant 128 : i32
      %scan3A_71 = arith.addi %scan3A_69, %scan3A_70 : i32
      %scan3A_72 = arith.constant 1 : i32
      scf.for %scan3A_202 = %scan3A_69 to %scan3A_71 step %scan3A_72  : i32 {
        %mul3A_203 = arith.constant 16 : i32
        %mul3A_204 = arith.muli %scan3A_202, %mul3A_203 : i32
        %get3A = arith.index_cast %mul3A_204 : i32 to index
        %get3A_205 = tpu.vector_load %arg5[%get3A] {strides = array<i32>} : memref<2048xi32, #tpu.memory_space<vmem>>, vector<16xi32>,
        %broadcast_in_dim3A_206 = arith.constant true
        %broadcast_in_dim3A_207 = vector.broadcast %broadcast_in_dim3A_206 : i1 to vector<16xi1>
        %unique3A, %unique3A_208 = tpu.scan_count mask(%broadcast_in_dim3A_207 : vector<16xi1>) value(%get3A_205 : vector<16xi32>) : vector<16xi1>, vector<16xi32>
        %mul3A_209 = arith.constant 16 : i32
        %mul3A_210 = arith.muli %scan3A_202, %mul3A_209 : i32
        %add3A_211 = vector.broadcast %mul3A_210 : i32 to vector<16xi32>
        %add3A_212 = arith.addi %add3A_211, %iota3A : vector<16xi32>
        tpu.vector_store_idx %arg4[%get3A_205], %add3A_212 masked %unique3A : memref<100000xi32, #tpu.memory_space<vmem>>[vector<16xi32>], vector<16xi32>, vector<16xi1>
      }
      %scan3A_73 = arith.constant 128 : i32
      %scan3A_74 = arith.constant 0 : i32
      %scan3A_75 = arith.constant 0 : i32
      %scan3A_76 = arith.constant 128 : i32
      %scan3A_77 = arith.addi %scan3A_75, %scan3A_76 : i32
      %scan3A_78 = arith.constant 1 : i32
      scf.for %scan3A_202 = %scan3A_75 to %scan3A_77 step %scan3A_78  : i32 {
        %mul3A_203 = arith.constant 16 : i32
        %mul3A_204 = arith.muli %scan3A_202, %mul3A_203 : i32
        %get3A = arith.index_cast %mul3A_204 : i32 to index
        %get3A_205 = tpu.vector_load %arg5[%get3A] {strides = array<i32>} : memref<2048xi32, #tpu.memory_space<vmem>>, vector<16xi32>,
        %gather3A = tpu.vector_load_idx %arg4[%get3A_205] : memref<100000xi32, #tpu.memory_space<vmem>>[vector<16xi32>], vector<16xi32>,
        %mul3A_206 = arith.constant 16 : i32
        %mul3A_207 = arith.muli %scan3A_202, %mul3A_206 : i32
        %swap3A_208 = arith.index_cast %mul3A_207 : i32 to index
        %swap3A_209 = tpu.vector_load %arg6[%swap3A_208] {strides = array<i32>} : memref<2064xi32, #tpu.memory_space<vmem>>, vector<16xi32>,
        tpu.vector_store %arg6[%swap3A_208], %gather3A {strides = array<i32>} : memref<2064xi32, #tpu.memory_space<vmem>>, vector<16xi32>,
      }
      %scan3A_79 = arith.constant 128 : i32
      %broadcast_in_dim3A_80 = arith.constant 2048 : i32
      %broadcast_in_dim3A_81 = vector.broadcast %broadcast_in_dim3A_80 : i32 to vector<16xi32>
      %swap3A_82 = arith.constant 2048 : index
      %swap3A_83 = tpu.vector_load %arg6[%swap3A_82] {strides = array<i32>} : memref<2064xi32, #tpu.memory_space<vmem>>, vector<16xi32>,
      tpu.vector_store %arg6[%swap3A_82], %broadcast_in_dim3A_81 {strides = array<i32>} : memref<2064xi32, #tpu.memory_space<vmem>>, vector<16xi32>,
      %scan3A_84 = arith.constant 0 : i32
      %scan3A_85 = arith.constant 0 : i32
      %scan3A_86 = arith.constant 128 : i32
      %scan3A_87 = arith.addi %scan3A_85, %scan3A_86 : i32
      %scan3A_88 = arith.constant 1 : i32
      scf.for %scan3A_202 = %scan3A_85 to %scan3A_87 step %scan3A_88  : i32 {
        %mul3A_203 = arith.constant 16 : i32
        %mul3A_204 = arith.muli %scan3A_202, %mul3A_203 : i32
        %add3A_205 = vector.broadcast %mul3A_204 : i32 to vector<16xi32>
        %add3A_206 = arith.addi %add3A_205, %iota3A : vector<16xi32>
        %lt3A = arith.constant 2045 : i32
        %lt3A_207 = vector.broadcast %lt3A : i32 to vector<16xi32>
        %lt3A_208 = arith.cmpi slt, %add3A_206, %lt3A_207 : vector<16xi32>
        %jit3A = arith.constant 2048 : i32
        %broadcast_in_dim3A_209 = vector.broadcast %jit3A : i32 to vector<16xi32>
        %select_n3A = arith.select %lt3A_208, %add3A_206, %broadcast_in_dim3A_209 : vector<16xi1>, vector<16xi32>
        %mul3A_210 = arith.constant 16 : i32
        %mul3A_211 = arith.muli %scan3A_202, %mul3A_210 : i32
        %swap3A_212 = arith.index_cast %mul3A_211 : i32 to index
        %swap3A_213 = tpu.vector_load %arg8[%swap3A_212] {strides = array<i32>} : memref<2064xi32, #tpu.memory_space<vmem>>, vector<16xi32>,
        tpu.vector_store %arg8[%swap3A_212], %select_n3A {strides = array<i32>} : memref<2064xi32, #tpu.memory_space<vmem>>, vector<16xi32>,
      }
      %scan3A_89 = arith.constant 128 : i32
      %scan3A_90 = arith.constant 0 : i32
      %scan3A_91 = arith.constant 0 : i32
      %scan3A_92 = arith.constant 129 : i32
      %scan3A_93 = arith.addi %scan3A_91, %scan3A_92 : i32
      %scan3A_94 = arith.constant 1 : i32
      scf.for %scan3A_202 = %scan3A_91 to %scan3A_93 step %scan3A_94  : i32 {
        %broadcast_in_dim3A_203 = arith.constant 0 : i32
        %broadcast_in_dim3A_204 = vector.broadcast %broadcast_in_dim3A_203 : i32 to vector<16xi32>
        %mul3A_205 = arith.constant 16 : i32
        %mul3A_206 = arith.muli %scan3A_202, %mul3A_205 : i32
        %swap3A_207 = arith.index_cast %mul3A_206 : i32 to index
        %swap3A_208 = tpu.vector_load %arg10[%swap3A_207] {strides = array<i32>} : memref<2064xi32, #tpu.memory_space<vmem>>, vector<16xi32>,
        tpu.vector_store %arg10[%swap3A_207], %broadcast_in_dim3A_204 {strides = array<i32>} : memref<2064xi32, #tpu.memory_space<vmem>>, vector<16xi32>,
      }
      %scan3A_95 = arith.constant 129 : i32
      %scan3A_96 = arith.constant 0 : i32
      %scan3A_97 = arith.constant 0 : i32
      %scan3A_98 = arith.constant 128 : i32
      %scan3A_99 = arith.addi %scan3A_97, %scan3A_98 : i32
      %scan3A_100 = arith.constant 1 : i32
      scf.for %scan3A_202 = %scan3A_97 to %scan3A_99 step %scan3A_100  : i32 {
        %mul3A_203 = arith.constant 16 : i32
        %mul3A_204 = arith.muli %scan3A_202, %mul3A_203 : i32
        %get3A = arith.index_cast %mul3A_204 : i32 to index
        %get3A_205 = tpu.vector_load %arg8[%get3A] {strides = array<i32>} : memref<2064xi32, #tpu.memory_space<vmem>>, vector<16xi32>,
        %add3A_206 = arith.constant 3 : i32
        %add3A_207 = vector.broadcast %add3A_206 : i32 to vector<16xi32>
        %add3A_208 = arith.addi %get3A_205, %add3A_207 : vector<16xi32>
        %gather3A = tpu.vector_load_idx %arg6[%add3A_208] : memref<2064xi32, #tpu.memory_space<vmem>>[vector<16xi32>], vector<16xi32>,
        %broadcast_in_dim3A_209 = arith.constant true
        %broadcast_in_dim3A_210 = vector.broadcast %broadcast_in_dim3A_209 : i1 to vector<16xi1>
        %unique3A, %unique3A_211 = tpu.scan_count mask(%broadcast_in_dim3A_210 : vector<16xi1>) value(%gather3A : vector<16xi32>) : vector<16xi1>, vector<16xi32>
        tpu.vector_store_idx %arg10[%gather3A], %unique3A_211 masked %unique3A {add = true} : memref<2064xi32, #tpu.memory_space<vmem>>[vector<16xi32>], vector<16xi32>, vector<16xi1>
      }
      %scan3A_101 = arith.constant 128 : i32
      %scan3A_102 = arith.constant 0 : i32
      %scan3A_103 = arith.constant 0 : i32
      %scan3A_104 = arith.constant 129 : i32
      %scan3A_105 = arith.addi %scan3A_103, %scan3A_104 : i32
      %scan3A_106 = arith.constant 1 : i32
      %scan3A_107 = scf.for %scan3A_202 = %scan3A_103 to %scan3A_105 step %scan3A_106 iter_args(%scan3A_203 = %scan3A_102) -> (i32)  : i32 {
        %mul3A_204 = arith.constant 16 : i32
        %mul3A_205 = arith.muli %scan3A_202, %mul3A_204 : i32
        %get3A = arith.index_cast %mul3A_205 : i32 to index
        %get3A_206 = tpu.vector_load %arg10[%get3A] {strides = array<i32>} : memref<2064xi32, #tpu.memory_space<vmem>>, vector<16xi32>,
        %broadcast_in_dim3A_207 = arith.constant true
        %broadcast_in_dim3A_208 = vector.broadcast %broadcast_in_dim3A_207 : i1 to vector<16xi1>
        %masked_cumsum3A = tpu.scan <sum>, %get3A_206 masked %broadcast_in_dim3A_208 : vector<16xi32>, vector<16xi1> -> vector<16xi32>
        %sub3A = arith.subi %masked_cumsum3A, %get3A_206 : vector<16xi32>
        %add3A_209 = vector.broadcast %scan3A_203 : i32 to vector<16xi32>
        %add3A_210 = arith.addi %sub3A, %add3A_209 : vector<16xi32>
        %mul3A_211 = arith.constant 16 : i32
        %mul3A_212 = arith.muli %scan3A_202, %mul3A_211 : i32
        %swap3A_213 = arith.index_cast %mul3A_212 : i32 to index
        %swap3A_214 = tpu.vector_load %arg10[%swap3A_213] {strides = array<i32>} : memref<2064xi32, #tpu.memory_space<vmem>>, vector<16xi32>,
        tpu.vector_store %arg10[%swap3A_213], %add3A_210 {strides = array<i32>} : memref<2064xi32, #tpu.memory_space<vmem>>, vector<16xi32>,
        %reduce_sum3A = arith.constant true
        %reduce_sum3A_215 = vector.broadcast %reduce_sum3A : i1 to vector<16xi1>
        %reduce_sum3A_216 = tpu.scan <sum>, %get3A_206 masked %reduce_sum3A_215 : vector<16xi32>, vector<16xi1> -> vector<16xi32>
        %reduce_sum3A_217 = vector.extract %reduce_sum3A_216[15] : i32 from vector<16xi32>
        %add3A_218 = arith.addi %scan3A_203, %reduce_sum3A_217 : i32
        scf.yield %add3A_218 : i32
      }
      %scan3A_108 = arith.constant 129 : i32
      %scan3A_109 = arith.constant 0 : i32
      %scan3A_110 = arith.constant 0 : i32
      %scan3A_111 = arith.constant 128 : i32
      %scan3A_112 = arith.addi %scan3A_110, %scan3A_111 : i32
      %scan3A_113 = arith.constant 1 : i32
      scf.for %scan3A_202 = %scan3A_110 to %scan3A_112 step %scan3A_113  : i32 {
        %mul3A_203 = arith.constant 16 : i32
        %mul3A_204 = arith.muli %scan3A_202, %mul3A_203 : i32
        %get3A = arith.index_cast %mul3A_204 : i32 to index
        %get3A_205 = tpu.vector_load %arg8[%get3A] {strides = array<i32>} : memref<2064xi32, #tpu.memory_space<vmem>>, vector<16xi32>,
        %add3A_206 = arith.constant 3 : i32
        %add3A_207 = vector.broadcast %add3A_206 : i32 to vector<16xi32>
        %add3A_208 = arith.addi %get3A_205, %add3A_207 : vector<16xi32>
        %gather3A = tpu.vector_load_idx %arg6[%add3A_208] : memref<2064xi32, #tpu.memory_space<vmem>>[vector<16xi32>], vector<16xi32>,
        %gather3A_209 = tpu.vector_load_idx %arg10[%gather3A] : memref<2064xi32, #tpu.memory_space<vmem>>[vector<16xi32>], vector<16xi32>,
        %broadcast_in_dim3A_210 = arith.constant true
        %broadcast_in_dim3A_211 = vector.broadcast %broadcast_in_dim3A_210 : i1 to vector<16xi1>
        %unique3A, %unique3A_212 = tpu.scan_count mask(%broadcast_in_dim3A_211 : vector<16xi1>) value(%gather3A : vector<16xi32>) : vector<16xi1>, vector<16xi32>
        %add3A_213 = arith.addi %gather3A_209, %unique3A_212 : vector<16xi32>
        %sub3A = arith.constant 1 : i32
        %sub3A_214 = vector.broadcast %sub3A : i32 to vector<16xi32>
        %sub3A_215 = arith.subi %add3A_213, %sub3A_214 : vector<16xi32>
        tpu.vector_store_idx %arg9[%sub3A_215], %get3A_205 : memref<2064xi32, #tpu.memory_space<vmem>>[vector<16xi32>], vector<16xi32>,
        tpu.vector_store_idx %arg10[%gather3A], %unique3A_212 masked %unique3A {add = true} : memref<2064xi32, #tpu.memory_space<vmem>>[vector<16xi32>], vector<16xi32>, vector<16xi1>
      }
      %scan3A_114 = arith.constant 128 : i32
      %scan3A_115 = arith.constant 0 : i32
      %scan3A_116 = arith.constant 0 : i32
      %scan3A_117 = arith.constant 129 : i32
      %scan3A_118 = arith.addi %scan3A_116, %scan3A_117 : i32
      %scan3A_119 = arith.constant 1 : i32
      scf.for %scan3A_202 = %scan3A_116 to %scan3A_118 step %scan3A_119  : i32 {
        %broadcast_in_dim3A_203 = arith.constant 0 : i32
        %broadcast_in_dim3A_204 = vector.broadcast %broadcast_in_dim3A_203 : i32 to vector<16xi32>
        %mul3A_205 = arith.constant 16 : i32
        %mul3A_206 = arith.muli %scan3A_202, %mul3A_205 : i32
        %swap3A_207 = arith.index_cast %mul3A_206 : i32 to index
        %swap3A_208 = tpu.vector_load %arg10[%swap3A_207] {strides = array<i32>} : memref<2064xi32, #tpu.memory_space<vmem>>, vector<16xi32>,
        tpu.vector_store %arg10[%swap3A_207], %broadcast_in_dim3A_204 {strides = array<i32>} : memref<2064xi32, #tpu.memory_space<vmem>>, vector<16xi32>,
      }
      %scan3A_120 = arith.constant 129 : i32
      %scan3A_121 = arith.constant 0 : i32
      %scan3A_122 = arith.constant 0 : i32
      %scan3A_123 = arith.constant 128 : i32
      %scan3A_124 = arith.addi %scan3A_122, %scan3A_123 : i32
      %scan3A_125 = arith.constant 1 : i32
      scf.for %scan3A_202 = %scan3A_122 to %scan3A_124 step %scan3A_125  : i32 {
        %mul3A_203 = arith.constant 16 : i32
        %mul3A_204 = arith.muli %scan3A_202, %mul3A_203 : i32
        %get3A = arith.index_cast %mul3A_204 : i32 to index
        %get3A_205 = tpu.vector_load %arg9[%get3A] {strides = array<i32>} : memref<2064xi32, #tpu.memory_space<vmem>>, vector<16xi32>,
        %add3A_206 = arith.constant 2 : i32
        %add3A_207 = vector.broadcast %add3A_206 : i32 to vector<16xi32>
        %add3A_208 = arith.addi %get3A_205, %add3A_207 : vector<16xi32>
        %gather3A = tpu.vector_load_idx %arg6[%add3A_208] : memref<2064xi32, #tpu.memory_space<vmem>>[vector<16xi32>], vector<16xi32>,
        %broadcast_in_dim3A_209 = arith.constant true
        %broadcast_in_dim3A_210 = vector.broadcast %broadcast_in_dim3A_209 : i1 to vector<16xi1>
        %unique3A, %unique3A_211 = tpu.scan_count mask(%broadcast_in_dim3A_210 : vector<16xi1>) value(%gather3A : vector<16xi32>) : vector<16xi1>, vector<16xi32>
        tpu.vector_store_idx %arg10[%gather3A], %unique3A_211 masked %unique3A {add = true} : memref<2064xi32, #tpu.memory_space<vmem>>[vector<16xi32>], vector<16xi32>, vector<16xi1>
      }
      %scan3A_126 = arith.constant 128 : i32
      %scan3A_127 = arith.constant 0 : i32
      %scan3A_128 = arith.constant 0 : i32
      %scan3A_129 = arith.constant 129 : i32
      %scan3A_130 = arith.addi %scan3A_128, %scan3A_129 : i32
      %scan3A_131 = arith.constant 1 : i32
      %scan3A_132 = scf.for %scan3A_202 = %scan3A_128 to %scan3A_130 step %scan3A_131 iter_args(%scan3A_203 = %scan3A_127) -> (i32)  : i32 {
        %mul3A_204 = arith.constant 16 : i32
        %mul3A_205 = arith.muli %scan3A_202, %mul3A_204 : i32
        %get3A = arith.index_cast %mul3A_205 : i32 to index
        %get3A_206 = tpu.vector_load %arg10[%get3A] {strides = array<i32>} : memref<2064xi32, #tpu.memory_space<vmem>>, vector<16xi32>,
        %broadcast_in_dim3A_207 = arith.constant true
        %broadcast_in_dim3A_208 = vector.broadcast %broadcast_in_dim3A_207 : i1 to vector<16xi1>
        %masked_cumsum3A = tpu.scan <sum>, %get3A_206 masked %broadcast_in_dim3A_208 : vector<16xi32>, vector<16xi1> -> vector<16xi32>
        %sub3A = arith.subi %masked_cumsum3A, %get3A_206 : vector<16xi32>
        %add3A_209 = vector.broadcast %scan3A_203 : i32 to vector<16xi32>
        %add3A_210 = arith.addi %sub3A, %add3A_209 : vector<16xi32>
        %mul3A_211 = arith.constant 16 : i32
        %mul3A_212 = arith.muli %scan3A_202, %mul3A_211 : i32
        %swap3A_213 = arith.index_cast %mul3A_212 : i32 to index
        %swap3A_214 = tpu.vector_load %arg10[%swap3A_213] {strides = array<i32>} : memref<2064xi32, #tpu.memory_space<vmem>>, vector<16xi32>,
        tpu.vector_store %arg10[%swap3A_213], %add3A_210 {strides = array<i32>} : memref<2064xi32, #tpu.memory_space<vmem>>, vector<16xi32>,
        %reduce_sum3A = arith.constant true
        %reduce_sum3A_215 = vector.broadcast %reduce_sum3A : i1 to vector<16xi1>
        %reduce_sum3A_216 = tpu.scan <sum>, %get3A_206 masked %reduce_sum3A_215 : vector<16xi32>, vector<16xi1> -> vector<16xi32>
        %reduce_sum3A_217 = vector.extract %reduce_sum3A_216[15] : i32 from vector<16xi32>
        %add3A_218 = arith.addi %scan3A_203, %reduce_sum3A_217 : i32
        scf.yield %add3A_218 : i32
      }
      %scan3A_133 = arith.constant 129 : i32
      %scan3A_134 = arith.constant 0 : i32
      %scan3A_135 = arith.constant 0 : i32
      %scan3A_136 = arith.constant 128 : i32
      %scan3A_137 = arith.addi %scan3A_135, %scan3A_136 : i32
      %scan3A_138 = arith.constant 1 : i32
      scf.for %scan3A_202 = %scan3A_135 to %scan3A_137 step %scan3A_138  : i32 {
        %mul3A_203 = arith.constant 16 : i32
        %mul3A_204 = arith.muli %scan3A_202, %mul3A_203 : i32
        %get3A = arith.index_cast %mul3A_204 : i32 to index
        %get3A_205 = tpu.vector_load %arg9[%get3A] {strides = array<i32>} : memref<2064xi32, #tpu.memory_space<vmem>>, vector<16xi32>,
        %add3A_206 = arith.constant 2 : i32
        %add3A_207 = vector.broadcast %add3A_206 : i32 to vector<16xi32>
        %add3A_208 = arith.addi %get3A_205, %add3A_207 : vector<16xi32>
        %gather3A = tpu.vector_load_idx %arg6[%add3A_208] : memref<2064xi32, #tpu.memory_space<vmem>>[vector<16xi32>], vector<16xi32>,
        %gather3A_209 = tpu.vector_load_idx %arg10[%gather3A] : memref<2064xi32, #tpu.memory_space<vmem>>[vector<16xi32>], vector<16xi32>,
        %broadcast_in_dim3A_210 = arith.constant true
        %broadcast_in_dim3A_211 = vector.broadcast %broadcast_in_dim3A_210 : i1 to vector<16xi1>
        %unique3A, %unique3A_212 = tpu.scan_count mask(%broadcast_in_dim3A_211 : vector<16xi1>) value(%gather3A : vector<16xi32>) : vector<16xi1>, vector<16xi32>
        %add3A_213 = arith.addi %gather3A_209, %unique3A_212 : vector<16xi32>
        %sub3A = arith.constant 1 : i32
        %sub3A_214 = vector.broadcast %sub3A : i32 to vector<16xi32>
        %sub3A_215 = arith.subi %add3A_213, %sub3A_214 : vector<16xi32>
        tpu.vector_store_idx %arg8[%sub3A_215], %get3A_205 : memref<2064xi32, #tpu.memory_space<vmem>>[vector<16xi32>], vector<16xi32>,
        tpu.vector_store_idx %arg10[%gather3A], %unique3A_212 masked %unique3A {add = true} : memref<2064xi32, #tpu.memory_space<vmem>>[vector<16xi32>], vector<16xi32>, vector<16xi1>
      }
      %scan3A_139 = arith.constant 128 : i32
      %scan3A_140 = arith.constant 0 : i32
      %scan3A_141 = arith.constant 0 : i32
      %scan3A_142 = arith.constant 129 : i32
      %scan3A_143 = arith.addi %scan3A_141, %scan3A_142 : i32
      %scan3A_144 = arith.constant 1 : i32
      scf.for %scan3A_202 = %scan3A_141 to %scan3A_143 step %scan3A_144  : i32 {
        %broadcast_in_dim3A_203 = arith.constant 0 : i32
        %broadcast_in_dim3A_204 = vector.broadcast %broadcast_in_dim3A_203 : i32 to vector<16xi32>
        %mul3A_205 = arith.constant 16 : i32
        %mul3A_206 = arith.muli %scan3A_202, %mul3A_205 : i32
        %swap3A_207 = arith.index_cast %mul3A_206 : i32 to index
        %swap3A_208 = tpu.vector_load %arg10[%swap3A_207] {strides = array<i32>} : memref<2064xi32, #tpu.memory_space<vmem>>, vector<16xi32>,
        tpu.vector_store %arg10[%swap3A_207], %broadcast_in_dim3A_204 {strides = array<i32>} : memref<2064xi32, #tpu.memory_space<vmem>>, vector<16xi32>,
      }
      %scan3A_145 = arith.constant 129 : i32
      %scan3A_146 = arith.constant 0 : i32
      %scan3A_147 = arith.constant 0 : i32
      %scan3A_148 = arith.constant 128 : i32
      %scan3A_149 = arith.addi %scan3A_147, %scan3A_148 : i32
      %scan3A_150 = arith.constant 1 : i32
      scf.for %scan3A_202 = %scan3A_147 to %scan3A_149 step %scan3A_150  : i32 {
        %mul3A_203 = arith.constant 16 : i32
        %mul3A_204 = arith.muli %scan3A_202, %mul3A_203 : i32
        %get3A = arith.index_cast %mul3A_204 : i32 to index
        %get3A_205 = tpu.vector_load %arg8[%get3A] {strides = array<i32>} : memref<2064xi32, #tpu.memory_space<vmem>>, vector<16xi32>,
        %add3A_206 = arith.constant 1 : i32
        %add3A_207 = vector.broadcast %add3A_206 : i32 to vector<16xi32>
        %add3A_208 = arith.addi %get3A_205, %add3A_207 : vector<16xi32>
        %gather3A = tpu.vector_load_idx %arg6[%add3A_208] : memref<2064xi32, #tpu.memory_space<vmem>>[vector<16xi32>], vector<16xi32>,
        %broadcast_in_dim3A_209 = arith.constant true
        %broadcast_in_dim3A_210 = vector.broadcast %broadcast_in_dim3A_209 : i1 to vector<16xi1>
        %unique3A, %unique3A_211 = tpu.scan_count mask(%broadcast_in_dim3A_210 : vector<16xi1>) value(%gather3A : vector<16xi32>) : vector<16xi1>, vector<16xi32>
        tpu.vector_store_idx %arg10[%gather3A], %unique3A_211 masked %unique3A {add = true} : memref<2064xi32, #tpu.memory_space<vmem>>[vector<16xi32>], vector<16xi32>, vector<16xi1>
      }
      %scan3A_151 = arith.constant 128 : i32
      %scan3A_152 = arith.constant 0 : i32
      %scan3A_153 = arith.constant 0 : i32
      %scan3A_154 = arith.constant 129 : i32
      %scan3A_155 = arith.addi %scan3A_153, %scan3A_154 : i32
      %scan3A_156 = arith.constant 1 : i32
      %scan3A_157 = scf.for %scan3A_202 = %scan3A_153 to %scan3A_155 step %scan3A_156 iter_args(%scan3A_203 = %scan3A_152) -> (i32)  : i32 {
        %mul3A_204 = arith.constant 16 : i32
        %mul3A_205 = arith.muli %scan3A_202, %mul3A_204 : i32
        %get3A = arith.index_cast %mul3A_205 : i32 to index
        %get3A_206 = tpu.vector_load %arg10[%get3A] {strides = array<i32>} : memref<2064xi32, #tpu.memory_space<vmem>>, vector<16xi32>,
        %broadcast_in_dim3A_207 = arith.constant true
        %broadcast_in_dim3A_208 = vector.broadcast %broadcast_in_dim3A_207 : i1 to vector<16xi1>
        %masked_cumsum3A = tpu.scan <sum>, %get3A_206 masked %broadcast_in_dim3A_208 : vector<16xi32>, vector<16xi1> -> vector<16xi32>
        %sub3A = arith.subi %masked_cumsum3A, %get3A_206 : vector<16xi32>
        %add3A_209 = vector.broadcast %scan3A_203 : i32 to vector<16xi32>
        %add3A_210 = arith.addi %sub3A, %add3A_209 : vector<16xi32>
        %mul3A_211 = arith.constant 16 : i32
        %mul3A_212 = arith.muli %scan3A_202, %mul3A_211 : i32
        %swap3A_213 = arith.index_cast %mul3A_212 : i32 to index
        %swap3A_214 = tpu.vector_load %arg10[%swap3A_213] {strides = array<i32>} : memref<2064xi32, #tpu.memory_space<vmem>>, vector<16xi32>,
        tpu.vector_store %arg10[%swap3A_213], %add3A_210 {strides = array<i32>} : memref<2064xi32, #tpu.memory_space<vmem>>, vector<16xi32>,
        %reduce_sum3A = arith.constant true
        %reduce_sum3A_215 = vector.broadcast %reduce_sum3A : i1 to vector<16xi1>
        %reduce_sum3A_216 = tpu.scan <sum>, %get3A_206 masked %reduce_sum3A_215 : vector<16xi32>, vector<16xi1> -> vector<16xi32>
        %reduce_sum3A_217 = vector.extract %reduce_sum3A_216[15] : i32 from vector<16xi32>
        %add3A_218 = arith.addi %scan3A_203, %reduce_sum3A_217 : i32
        scf.yield %add3A_218 : i32
      }
      %scan3A_158 = arith.constant 129 : i32
      %scan3A_159 = arith.constant 0 : i32
      %scan3A_160 = arith.constant 0 : i32
      %scan3A_161 = arith.constant 128 : i32
      %scan3A_162 = arith.addi %scan3A_160, %scan3A_161 : i32
      %scan3A_163 = arith.constant 1 : i32
      scf.for %scan3A_202 = %scan3A_160 to %scan3A_162 step %scan3A_163  : i32 {
        %mul3A_203 = arith.constant 16 : i32
        %mul3A_204 = arith.muli %scan3A_202, %mul3A_203 : i32
        %get3A = arith.index_cast %mul3A_204 : i32 to index
        %get3A_205 = tpu.vector_load %arg8[%get3A] {strides = array<i32>} : memref<2064xi32, #tpu.memory_space<vmem>>, vector<16xi32>,
        %add3A_206 = arith.constant 1 : i32
        %add3A_207 = vector.broadcast %add3A_206 : i32 to vector<16xi32>
        %add3A_208 = arith.addi %get3A_205, %add3A_207 : vector<16xi32>
        %gather3A = tpu.vector_load_idx %arg6[%add3A_208] : memref<2064xi32, #tpu.memory_space<vmem>>[vector<16xi32>], vector<16xi32>,
        %gather3A_209 = tpu.vector_load_idx %arg10[%gather3A] : memref<2064xi32, #tpu.memory_space<vmem>>[vector<16xi32>], vector<16xi32>,
        %broadcast_in_dim3A_210 = arith.constant true
        %broadcast_in_dim3A_211 = vector.broadcast %broadcast_in_dim3A_210 : i1 to vector<16xi1>
        %unique3A, %unique3A_212 = tpu.scan_count mask(%broadcast_in_dim3A_211 : vector<16xi1>) value(%gather3A : vector<16xi32>) : vector<16xi1>, vector<16xi32>
        %add3A_213 = arith.addi %gather3A_209, %unique3A_212 : vector<16xi32>
        %sub3A = arith.constant 1 : i32
        %sub3A_214 = vector.broadcast %sub3A : i32 to vector<16xi32>
        %sub3A_215 = arith.subi %add3A_213, %sub3A_214 : vector<16xi32>
        tpu.vector_store_idx %arg9[%sub3A_215], %get3A_205 : memref<2064xi32, #tpu.memory_space<vmem>>[vector<16xi32>], vector<16xi32>,
        tpu.vector_store_idx %arg10[%gather3A], %unique3A_212 masked %unique3A {add = true} : memref<2064xi32, #tpu.memory_space<vmem>>[vector<16xi32>], vector<16xi32>, vector<16xi1>
      }
      %scan3A_164 = arith.constant 128 : i32
      %scan3A_165 = arith.constant 0 : i32
      %scan3A_166 = arith.constant 0 : i32
      %scan3A_167 = arith.constant 129 : i32
      %scan3A_168 = arith.addi %scan3A_166, %scan3A_167 : i32
      %scan3A_169 = arith.constant 1 : i32
      scf.for %scan3A_202 = %scan3A_166 to %scan3A_168 step %scan3A_169  : i32 {
        %broadcast_in_dim3A_203 = arith.constant 0 : i32
        %broadcast_in_dim3A_204 = vector.broadcast %broadcast_in_dim3A_203 : i32 to vector<16xi32>
        %mul3A_205 = arith.constant 16 : i32
        %mul3A_206 = arith.muli %scan3A_202, %mul3A_205 : i32
        %swap3A_207 = arith.index_cast %mul3A_206 : i32 to index
        %swap3A_208 = tpu.vector_load %arg10[%swap3A_207] {strides = array<i32>} : memref<2064xi32, #tpu.memory_space<vmem>>, vector<16xi32>,
        tpu.vector_store %arg10[%swap3A_207], %broadcast_in_dim3A_204 {strides = array<i32>} : memref<2064xi32, #tpu.memory_space<vmem>>, vector<16xi32>,
      }
      %scan3A_170 = arith.constant 129 : i32
      %scan3A_171 = arith.constant 0 : i32
      %scan3A_172 = arith.constant 0 : i32
      %scan3A_173 = arith.constant 128 : i32
      %scan3A_174 = arith.addi %scan3A_172, %scan3A_173 : i32
      %scan3A_175 = arith.constant 1 : i32
      scf.for %scan3A_202 = %scan3A_172 to %scan3A_174 step %scan3A_175  : i32 {
        %mul3A_203 = arith.constant 16 : i32
        %mul3A_204 = arith.muli %scan3A_202, %mul3A_203 : i32
        %get3A = arith.index_cast %mul3A_204 : i32 to index
        %get3A_205 = tpu.vector_load %arg9[%get3A] {strides = array<i32>} : memref<2064xi32, #tpu.memory_space<vmem>>, vector<16xi32>,
        %add3A_206 = arith.constant 0 : i32
        %add3A_207 = vector.broadcast %add3A_206 : i32 to vector<16xi32>
        %add3A_208 = arith.addi %get3A_205, %add3A_207 : vector<16xi32>
        %gather3A = tpu.vector_load_idx %arg6[%add3A_208] : memref<2064xi32, #tpu.memory_space<vmem>>[vector<16xi32>], vector<16xi32>,
        %broadcast_in_dim3A_209 = arith.constant true
        %broadcast_in_dim3A_210 = vector.broadcast %broadcast_in_dim3A_209 : i1 to vector<16xi1>
        %unique3A, %unique3A_211 = tpu.scan_count mask(%broadcast_in_dim3A_210 : vector<16xi1>) value(%gather3A : vector<16xi32>) : vector<16xi1>, vector<16xi32>
        tpu.vector_store_idx %arg10[%gather3A], %unique3A_211 masked %unique3A {add = true} : memref<2064xi32, #tpu.memory_space<vmem>>[vector<16xi32>], vector<16xi32>, vector<16xi1>
      }
      %scan3A_176 = arith.constant 128 : i32
      %scan3A_177 = arith.constant 0 : i32
      %scan3A_178 = arith.constant 0 : i32
      %scan3A_179 = arith.constant 129 : i32
      %scan3A_180 = arith.addi %scan3A_178, %scan3A_179 : i32
      %scan3A_181 = arith.constant 1 : i32
      %scan3A_182 = scf.for %scan3A_202 = %scan3A_178 to %scan3A_180 step %scan3A_181 iter_args(%scan3A_203 = %scan3A_177) -> (i32)  : i32 {
        %mul3A_204 = arith.constant 16 : i32
        %mul3A_205 = arith.muli %scan3A_202, %mul3A_204 : i32
        %get3A = arith.index_cast %mul3A_205 : i32 to index
        %get3A_206 = tpu.vector_load %arg10[%get3A] {strides = array<i32>} : memref<2064xi32, #tpu.memory_space<vmem>>, vector<16xi32>,
        %broadcast_in_dim3A_207 = arith.constant true
        %broadcast_in_dim3A_208 = vector.broadcast %broadcast_in_dim3A_207 : i1 to vector<16xi1>
        %masked_cumsum3A = tpu.scan <sum>, %get3A_206 masked %broadcast_in_dim3A_208 : vector<16xi32>, vector<16xi1> -> vector<16xi32>
        %sub3A = arith.subi %masked_cumsum3A, %get3A_206 : vector<16xi32>
        %add3A_209 = vector.broadcast %scan3A_203 : i32 to vector<16xi32>
        %add3A_210 = arith.addi %sub3A, %add3A_209 : vector<16xi32>
        %mul3A_211 = arith.constant 16 : i32
        %mul3A_212 = arith.muli %scan3A_202, %mul3A_211 : i32
        %swap3A_213 = arith.index_cast %mul3A_212 : i32 to index
        %swap3A_214 = tpu.vector_load %arg10[%swap3A_213] {strides = array<i32>} : memref<2064xi32, #tpu.memory_space<vmem>>, vector<16xi32>,
        tpu.vector_store %arg10[%swap3A_213], %add3A_210 {strides = array<i32>} : memref<2064xi32, #tpu.memory_space<vmem>>, vector<16xi32>,
        %reduce_sum3A = arith.constant true
        %reduce_sum3A_215 = vector.broadcast %reduce_sum3A : i1 to vector<16xi1>
        %reduce_sum3A_216 = tpu.scan <sum>, %get3A_206 masked %reduce_sum3A_215 : vector<16xi32>, vector<16xi1> -> vector<16xi32>
        %reduce_sum3A_217 = vector.extract %reduce_sum3A_216[15] : i32 from vector<16xi32>
        %add3A_218 = arith.addi %scan3A_203, %reduce_sum3A_217 : i32
        scf.yield %add3A_218 : i32
      }
      %scan3A_183 = arith.constant 129 : i32
      %scan3A_184 = arith.constant 0 : i32
      %scan3A_185 = arith.constant 0 : i32
      %scan3A_186 = arith.constant 128 : i32
      %scan3A_187 = arith.addi %scan3A_185, %scan3A_186 : i32
      %scan3A_188 = arith.constant 1 : i32
      scf.for %scan3A_202 = %scan3A_185 to %scan3A_187 step %scan3A_188  : i32 {
        %mul3A_203 = arith.constant 16 : i32
        %mul3A_204 = arith.muli %scan3A_202, %mul3A_203 : i32
        %get3A = arith.index_cast %mul3A_204 : i32 to index
        %get3A_205 = tpu.vector_load %arg9[%get3A] {strides = array<i32>} : memref<2064xi32, #tpu.memory_space<vmem>>, vector<16xi32>,
        %add3A_206 = arith.constant 0 : i32
        %add3A_207 = vector.broadcast %add3A_206 : i32 to vector<16xi32>
        %add3A_208 = arith.addi %get3A_205, %add3A_207 : vector<16xi32>
        %gather3A = tpu.vector_load_idx %arg6[%add3A_208] : memref<2064xi32, #tpu.memory_space<vmem>>[vector<16xi32>], vector<16xi32>,
        %gather3A_209 = tpu.vector_load_idx %arg10[%gather3A] : memref<2064xi32, #tpu.memory_space<vmem>>[vector<16xi32>], vector<16xi32>,
        %broadcast_in_dim3A_210 = arith.constant true
        %broadcast_in_dim3A_211 = vector.broadcast %broadcast_in_dim3A_210 : i1 to vector<16xi1>
        %unique3A, %unique3A_212 = tpu.scan_count mask(%broadcast_in_dim3A_211 : vector<16xi1>) value(%gather3A : vector<16xi32>) : vector<16xi1>, vector<16xi32>
        %add3A_213 = arith.addi %gather3A_209, %unique3A_212 : vector<16xi32>
        %sub3A = arith.constant 1 : i32
        %sub3A_214 = vector.broadcast %sub3A : i32 to vector<16xi32>
        %sub3A_215 = arith.subi %add3A_213, %sub3A_214 : vector<16xi32>
        tpu.vector_store_idx %arg8[%sub3A_215], %get3A_205 : memref<2064xi32, #tpu.memory_space<vmem>>[vector<16xi32>], vector<16xi32>,
        tpu.vector_store_idx %arg10[%gather3A], %unique3A_212 masked %unique3A {add = true} : memref<2064xi32, #tpu.memory_space<vmem>>[vector<16xi32>], vector<16xi32>, vector<16xi1>
      }
      %scan3A_189 = arith.constant 128 : i32
      %broadcast_in_dim3A_190 = arith.constant 2048 : i32
      %broadcast_in_dim3A_191 = vector.broadcast %broadcast_in_dim3A_190 : i32 to vector<16xi32>
      %swap3A_192 = arith.constant 2048 : index
      %swap3A_193 = tpu.vector_load %arg8[%swap3A_192] {strides = array<i32>} : memref<2064xi32, #tpu.memory_space<vmem>>, vector<16xi32>,
      tpu.vector_store %arg8[%swap3A_192], %broadcast_in_dim3A_191 {strides = array<i32>} : memref<2064xi32, #tpu.memory_space<vmem>>, vector<16xi32>,
      %broadcast_in_dim3A_194 = arith.constant 0 : i32
      %broadcast_in_dim3A_195 = vector.broadcast %broadcast_in_dim3A_194 : i32 to vector<16xi32>
      %scan3A_196 = arith.constant 0 : i32
      %scan3A_197 = arith.constant 128 : i32
      %scan3A_198 = arith.addi %scan3A_196, %scan3A_197 : i32
      %scan3A_199 = arith.constant 1 : i32
      %scan3A_200 = scf.for %scan3A_202 = %scan3A_196 to %scan3A_198 step %scan3A_199 iter_args(%scan3A_203 = %broadcast_in_dim3A_195) -> (vector<16xi32>)  : i32 {
        %mul3A_204 = arith.constant 16 : i32
        %mul3A_205 = arith.muli %scan3A_202, %mul3A_204 : i32
        %get3A = arith.index_cast %mul3A_205 : i32 to index
        %get3A_206 = tpu.vector_load %arg8[%get3A] {strides = array<i32>} : memref<2064xi32, #tpu.memory_space<vmem>>, vector<16xi32>,
        %mul3A_207 = arith.constant 16 : i32
        %mul3A_208 = arith.muli %scan3A_202, %mul3A_207 : i32
        %add3A_209 = arith.constant 1 : i32
        %add3A_210 = arith.addi %mul3A_208, %add3A_209 : i32
        %get3A_211 = arith.index_cast %add3A_210 : i32 to index
        %get3A_212 = tpu.vector_load %arg8[%get3A_211] {strides = array<i32>} : memref<2064xi32, #tpu.memory_space<vmem>>, vector<16xi32>,
        %broadcast_in_dim3A_213 = arith.constant false
        %broadcast_in_dim3A_214 = vector.broadcast %broadcast_in_dim3A_213 : i1 to vector<16xi1>
        %add3A_215 = arith.constant 0 : i32
        %add3A_216 = vector.broadcast %add3A_215 : i32 to vector<16xi32>
        %add3A_217 = arith.addi %get3A_206, %add3A_216 : vector<16xi32>
        %gather3A = tpu.vector_load_idx %arg6[%add3A_217] : memref<2064xi32, #tpu.memory_space<vmem>>[vector<16xi32>], vector<16xi32>,
        %add3A_218 = arith.constant 0 : i32
        %add3A_219 = vector.broadcast %add3A_218 : i32 to vector<16xi32>
        %add3A_220 = arith.addi %get3A_212, %add3A_219 : vector<16xi32>
        %gather3A_221 = tpu.vector_load_idx %arg6[%add3A_220] : memref<2064xi32, #tpu.memory_space<vmem>>[vector<16xi32>], vector<16xi32>,
        %ne3A = arith.cmpi ne, %gather3A, %gather3A_221 : vector<16xi32>
        %or3A = arith.ori %broadcast_in_dim3A_214, %ne3A : vector<16xi1>
        %add3A_222 = arith.constant 1 : i32
        %add3A_223 = vector.broadcast %add3A_222 : i32 to vector<16xi32>
        %add3A_224 = arith.addi %get3A_206, %add3A_223 : vector<16xi32>
        %gather3A_225 = tpu.vector_load_idx %arg6[%add3A_224] : memref<2064xi32, #tpu.memory_space<vmem>>[vector<16xi32>], vector<16xi32>,
        %add3A_226 = arith.constant 1 : i32
        %add3A_227 = vector.broadcast %add3A_226 : i32 to vector<16xi32>
        %add3A_228 = arith.addi %get3A_212, %add3A_227 : vector<16xi32>
        %gather3A_229 = tpu.vector_load_idx %arg6[%add3A_228] : memref<2064xi32, #tpu.memory_space<vmem>>[vector<16xi32>], vector<16xi32>,
        %ne3A_230 = arith.cmpi ne, %gather3A_225, %gather3A_229 : vector<16xi32>
        %or3A_231 = arith.ori %or3A, %ne3A_230 : vector<16xi1>
        %add3A_232 = arith.constant 2 : i32
        %add3A_233 = vector.broadcast %add3A_232 : i32 to vector<16xi32>
        %add3A_234 = arith.addi %get3A_206, %add3A_233 : vector<16xi32>
        %gather3A_235 = tpu.vector_load_idx %arg6[%add3A_234] : memref<2064xi32, #tpu.memory_space<vmem>>[vector<16xi32>], vector<16xi32>,
        %add3A_236 = arith.constant 2 : i32
        %add3A_237 = vector.broadcast %add3A_236 : i32 to vector<16xi32>
        %add3A_238 = arith.addi %get3A_212, %add3A_237 : vector<16xi32>
        %gather3A_239 = tpu.vector_load_idx %arg6[%add3A_238] : memref<2064xi32, #tpu.memory_space<vmem>>[vector<16xi32>], vector<16xi32>,
        %ne3A_240 = arith.cmpi ne, %gather3A_235, %gather3A_239 : vector<16xi32>
        %or3A_241 = arith.ori %or3A_231, %ne3A_240 : vector<16xi1>
        %add3A_242 = arith.constant 3 : i32
        %add3A_243 = vector.broadcast %add3A_242 : i32 to vector<16xi32>
        %add3A_244 = arith.addi %get3A_206, %add3A_243 : vector<16xi32>
        %gather3A_245 = tpu.vector_load_idx %arg6[%add3A_244] : memref<2064xi32, #tpu.memory_space<vmem>>[vector<16xi32>], vector<16xi32>,
        %add3A_246 = arith.constant 3 : i32
        %add3A_247 = vector.broadcast %add3A_246 : i32 to vector<16xi32>
        %add3A_248 = arith.addi %get3A_212, %add3A_247 : vector<16xi32>
        %gather3A_249 = tpu.vector_load_idx %arg6[%add3A_248] : memref<2064xi32, #tpu.memory_space<vmem>>[vector<16xi32>], vector<16xi32>,
        %ne3A_250 = arith.cmpi ne, %gather3A_245, %gather3A_249 : vector<16xi32>
        %or3A_251 = arith.ori %or3A_241, %ne3A_250 : vector<16xi1>
        %all_reduce_population_count3A = tpu.all_reduce %or3A_251 {dim = 0 : i64, kind = #tpu.reduction_kind<sum>} : vector<16xi1> -> vector<16xi32>
        %add3A_252 = arith.addi %scan3A_203, %all_reduce_population_count3A : vector<16xi32>
        scf.yield %add3A_252 : vector<16xi32>
      }
      %scan3A_201 = arith.constant 128 : i32
      scf.yield %scan3A_200 : vector<16xi32>
    }
    %swap3A_66 = arith.constant 0 : index
    %swap3A_67 = tpu.vector_load %arg11[%swap3A_66] {strides = array<i32>} : memref<16xi32, #tpu.memory_space<vmem>>, vector<16xi32>,
    tpu.vector_store %arg11[%swap3A_66], %cond3A_65 {strides = array<i32>} : memref<16xi32, #tpu.memory_space<vmem>>, vector<16xi32>,
    "tpu.region"() ({
      %run_scoped3A = tpu.sem_alloc : memref<!tpu.dma_semaphore, #tpu.memory_space<semaphore_mem>>
      %dma_start3A = arith.constant 0 : i32
      %dma_start3A_68 = tpu.memref_slice %arg3[%add3A_36, %dma_start3A] : memref<64x16xi32, #tpu.memory_space<hbm>> -> memref<1x16xi32, #tpu.memory_space<hbm>>
      %dma_start3A_69 = tpu.memref_squeeze %dma_start3A_68 : memref<1x16xi32, #tpu.memory_space<hbm>> -> memref<16xi32, #tpu.memory_space<hbm>>
      %dma_start3A_70 = arith.constant 0 : i32
      %dma_start3A_71 = tpu.memref_slice %arg3[%add3A_36, %dma_start3A_70] : memref<64x16xi32, #tpu.memory_space<hbm>> -> memref<1x16xi32, #tpu.memory_space<hbm>>
      %dma_start3A_72 = tpu.memref_squeeze %dma_start3A_71 : memref<1x16xi32, #tpu.memory_space<hbm>> -> memref<16xi32, #tpu.memory_space<hbm>>
      tpu.enqueue_dma source(%arg11 : memref<16xi32, #tpu.memory_space<vmem>>) target(%dma_start3A_72 : memref<16xi32, #tpu.memory_space<hbm>>) target_semaphore(%run_scoped3A : memref<!tpu.dma_semaphore, #tpu.memory_space<semaphore_mem>>)
      %dma_wait3A = arith.constant 0 : i32
      %dma_wait3A_73 = tpu.memref_slice %arg3[%add3A_36, %dma_wait3A] : memref<64x16xi32, #tpu.memory_space<hbm>> -> memref<1x16xi32, #tpu.memory_space<hbm>>
      %dma_wait3A_74 = tpu.memref_squeeze %dma_wait3A_73 : memref<1x16xi32, #tpu.memory_space<hbm>> -> memref<16xi32, #tpu.memory_space<hbm>>
      %dma_wait3A_75 = arith.constant 0 : i32
      %dma_wait3A_76 = tpu.memref_slice %arg3[%add3A_36, %dma_wait3A_75] : memref<64x16xi32, #tpu.memory_space<hbm>> -> memref<1x16xi32, #tpu.memory_space<hbm>>
      %dma_wait3A_77 = tpu.memref_squeeze %dma_wait3A_76 : memref<1x16xi32, #tpu.memory_space<hbm>> -> memref<16xi32, #tpu.memory_space<hbm>>
      tpu.wait_dma2 semaphore(%run_scoped3A : memref<!tpu.dma_semaphore, #tpu.memory_space<semaphore_mem>>) src(%arg11 : memref<16xi32, #tpu.memory_space<vmem>>) dst(%dma_wait3A_77 : memref<16xi32, #tpu.memory_space<hbm>>)
      tpu.yield
    }) : () -> ()
    return
  }
}

#map = affine_map<(d0, d1) -> (0, 0)>
module attributes {stable_mosaic.version = 14 : i64} {
  func.func @freq_kernel(%arg0: i32, %arg1: i32, %arg2: memref<64x100000xf32, #tpu.memory_space<hbm>>, %arg3: memref<64x2048xi32, #tpu.memory_space<hbm>>, %arg4: memref<64x100000xf32, #tpu.memory_space<hbm>>, %arg5: memref<100000xf32, #tpu.memory_space<vmem>>, %arg6: memref<2048xi32, #tpu.memory_space<vmem>>) attributes {dimension_semantics = [#tpu.dimension_semantics<core_parallel>, #tpu.dimension_semantics<subcore_parallel>], iteration_bounds = array<i64: 2, 16>, scalar_prefetch = 0 : i64, scratch_operands = 2 : i64, tpu.core_type = #tpu.core_type<sc_vector_subcore>, window_params = [{transform_indices = #map}, {transform_indices = #map}, {transform_indices = #map}]} {
    %mul3A = arith.constant 2 : i32
    %mul3A_0 = arith.muli %arg1, %mul3A : i32
    %add3A = arith.addi %mul3A_0, %arg0 : i32
    %mul3A_1 = arith.constant 2 : i32
    %mul3A_2 = arith.muli %add3A, %mul3A_1 : i32
    %add3A_3 = arith.constant 0 : i32
    %add3A_4 = arith.addi %mul3A_2, %add3A_3 : i32
    "tpu.region"() ({
      %run_scoped3A = tpu.sem_alloc : memref<!tpu.dma_semaphore, #tpu.memory_space<semaphore_mem>>
      %dma_start3A = arith.constant 0 : i32
      %dma_start3A_14 = tpu.memref_slice %arg2[%add3A_4, %dma_start3A] : memref<64x100000xf32, #tpu.memory_space<hbm>> -> memref<1x100000xf32, #tpu.memory_space<hbm>>
      %dma_start3A_15 = tpu.memref_squeeze %dma_start3A_14 : memref<1x100000xf32, #tpu.memory_space<hbm>> -> memref<100000xf32, #tpu.memory_space<hbm>>
      %dma_start3A_16 = arith.constant 0 : i32
      %dma_start3A_17 = tpu.memref_slice %arg2[%add3A_4, %dma_start3A_16] : memref<64x100000xf32, #tpu.memory_space<hbm>> -> memref<1x100000xf32, #tpu.memory_space<hbm>>
      %dma_start3A_18 = tpu.memref_squeeze %dma_start3A_17 : memref<1x100000xf32, #tpu.memory_space<hbm>> -> memref<100000xf32, #tpu.memory_space<hbm>>
      tpu.enqueue_dma source(%dma_start3A_18 : memref<100000xf32, #tpu.memory_space<hbm>>) target(%arg5 : memref<100000xf32, #tpu.memory_space<vmem>>) target_semaphore(%run_scoped3A : memref<!tpu.dma_semaphore, #tpu.memory_space<semaphore_mem>>)
      %dma_wait3A = arith.constant 0 : i32
      %dma_wait3A_19 = tpu.memref_slice %arg2[%add3A_4, %dma_wait3A] : memref<64x100000xf32, #tpu.memory_space<hbm>> -> memref<1x100000xf32, #tpu.memory_space<hbm>>
      %dma_wait3A_20 = tpu.memref_squeeze %dma_wait3A_19 : memref<1x100000xf32, #tpu.memory_space<hbm>> -> memref<100000xf32, #tpu.memory_space<hbm>>
      %dma_wait3A_21 = arith.constant 0 : i32
      %dma_wait3A_22 = tpu.memref_slice %arg2[%add3A_4, %dma_wait3A_21] : memref<64x100000xf32, #tpu.memory_space<hbm>> -> memref<1x100000xf32, #tpu.memory_space<hbm>>
      %dma_wait3A_23 = tpu.memref_squeeze %dma_wait3A_22 : memref<1x100000xf32, #tpu.memory_space<hbm>> -> memref<100000xf32, #tpu.memory_space<hbm>>
      tpu.wait_dma2 semaphore(%run_scoped3A : memref<!tpu.dma_semaphore, #tpu.memory_space<semaphore_mem>>) src(%dma_wait3A_23 : memref<100000xf32, #tpu.memory_space<hbm>>) dst(%arg5 : memref<100000xf32, #tpu.memory_space<vmem>>)
      tpu.yield
    }) : () -> ()
    "tpu.region"() ({
      %run_scoped3A = tpu.sem_alloc : memref<!tpu.dma_semaphore, #tpu.memory_space<semaphore_mem>>
      %dma_start3A = arith.constant 0 : i32
      %dma_start3A_14 = tpu.memref_slice %arg3[%add3A_4, %dma_start3A] : memref<64x2048xi32, #tpu.memory_space<hbm>> -> memref<1x2048xi32, #tpu.memory_space<hbm>>
      %dma_start3A_15 = tpu.memref_squeeze %dma_start3A_14 : memref<1x2048xi32, #tpu.memory_space<hbm>> -> memref<2048xi32, #tpu.memory_space<hbm>>
      %dma_start3A_16 = arith.constant 0 : i32
      %dma_start3A_17 = tpu.memref_slice %arg3[%add3A_4, %dma_start3A_16] : memref<64x2048xi32, #tpu.memory_space<hbm>> -> memref<1x2048xi32, #tpu.memory_space<hbm>>
      %dma_start3A_18 = tpu.memref_squeeze %dma_start3A_17 : memref<1x2048xi32, #tpu.memory_space<hbm>> -> memref<2048xi32, #tpu.memory_space<hbm>>
      tpu.enqueue_dma source(%dma_start3A_18 : memref<2048xi32, #tpu.memory_space<hbm>>) target(%arg6 : memref<2048xi32, #tpu.memory_space<vmem>>) target_semaphore(%run_scoped3A : memref<!tpu.dma_semaphore, #tpu.memory_space<semaphore_mem>>)
      %dma_wait3A = arith.constant 0 : i32
      %dma_wait3A_19 = tpu.memref_slice %arg3[%add3A_4, %dma_wait3A] : memref<64x2048xi32, #tpu.memory_space<hbm>> -> memref<1x2048xi32, #tpu.memory_space<hbm>>
      %dma_wait3A_20 = tpu.memref_squeeze %dma_wait3A_19 : memref<1x2048xi32, #tpu.memory_space<hbm>> -> memref<2048xi32, #tpu.memory_space<hbm>>
      %dma_wait3A_21 = arith.constant 0 : i32
      %dma_wait3A_22 = tpu.memref_slice %arg3[%add3A_4, %dma_wait3A_21] : memref<64x2048xi32, #tpu.memory_space<hbm>> -> memref<1x2048xi32, #tpu.memory_space<hbm>>
      %dma_wait3A_23 = tpu.memref_squeeze %dma_wait3A_22 : memref<1x2048xi32, #tpu.memory_space<hbm>> -> memref<2048xi32, #tpu.memory_space<hbm>>
      tpu.wait_dma2 semaphore(%run_scoped3A : memref<!tpu.dma_semaphore, #tpu.memory_space<semaphore_mem>>) src(%dma_wait3A_23 : memref<2048xi32, #tpu.memory_space<hbm>>) dst(%arg6 : memref<2048xi32, #tpu.memory_space<vmem>>)
      tpu.yield
    }) : () -> ()
    %parallel_loop3A = arith.constant 0 : i32
    %parallel_loop3A_5 = arith.constant 128 : i32
    %parallel_loop3A_6 = arith.constant 1 : i32
    scf.for %parallel_loop3A_14 = %parallel_loop3A to %parallel_loop3A_5 step %parallel_loop3A_6  : i32 {
      %parallel_loop3A_15 = arith.constant 16 : i32
      %parallel_loop3A_16 = arith.muli %parallel_loop3A_14, %parallel_loop3A_15 : i32
      %parallel_loop3A_17 = arith.index_cast %parallel_loop3A_16 : i32 to index
      %parallel_loop3A_18 = tpu.vector_load %arg6[%parallel_loop3A_17] {strides = array<i32>} : memref<2048xi32, #tpu.memory_space<vmem>>, vector<16xi32>,
      %parallel_loop3A_19 = arith.constant true
      %parallel_loop3A_20 = vector.broadcast %parallel_loop3A_19 : i1 to vector<16xi1>
      %parallel_loop3A_21, %parallel_loop3A_22 = tpu.scan_count mask(%parallel_loop3A_20 : vector<16xi1>) value(%parallel_loop3A_18 : vector<16xi32>) : vector<16xi1>, vector<16xi32>
      %parallel_loop3A_23 = arith.sitofp %parallel_loop3A_22 : vector<16xi32> to vector<16xf32>
      %parallel_loop3A_24 = arith.constant -4.88281257E-5 : f32
      %parallel_loop3A_25 = vector.broadcast %parallel_loop3A_24 : f32 to vector<16xf32>
      %parallel_loop3A_26 = arith.mulf %parallel_loop3A_23, %parallel_loop3A_25 : vector<16xf32>
      tpu.vector_store_idx %arg5[%parallel_loop3A_18], %parallel_loop3A_26 masked %parallel_loop3A_21 {add = true} : memref<100000xf32, #tpu.memory_space<vmem>>[vector<16xi32>], vector<16xf32>, vector<16xi1>
    } {sc.loop_unroll_factor = 4 : i64, sc.parallel_access}
    "tpu.region"() ({
      %run_scoped3A = tpu.sem_alloc : memref<!tpu.dma_semaphore, #tpu.memory_space<semaphore_mem>>
      %dma_start3A = arith.constant 0 : i32
      %dma_start3A_14 = tpu.memref_slice %arg4[%add3A_4, %dma_start3A] : memref<64x100000xf32, #tpu.memory_space<hbm>> -> memref<1x100000xf32, #tpu.memory_space<hbm>>
      %dma_start3A_15 = tpu.memref_squeeze %dma_start3A_14 : memref<1x100000xf32, #tpu.memory_space<hbm>> -> memref<100000xf32, #tpu.memory_space<hbm>>
      %dma_start3A_16 = arith.constant 0 : i32
      %dma_start3A_17 = tpu.memref_slice %arg4[%add3A_4, %dma_start3A_16] : memref<64x100000xf32, #tpu.memory_space<hbm>> -> memref<1x100000xf32, #tpu.memory_space<hbm>>
      %dma_start3A_18 = tpu.memref_squeeze %dma_start3A_17 : memref<1x100000xf32, #tpu.memory_space<hbm>> -> memref<100000xf32, #tpu.memory_space<hbm>>
      tpu.enqueue_dma source(%arg5 : memref<100000xf32, #tpu.memory_space<vmem>>) target(%dma_start3A_18 : memref<100000xf32, #tpu.memory_space<hbm>>) target_semaphore(%run_scoped3A : memref<!tpu.dma_semaphore, #tpu.memory_space<semaphore_mem>>)
      %dma_wait3A = arith.constant 0 : i32
      %dma_wait3A_19 = tpu.memref_slice %arg4[%add3A_4, %dma_wait3A] : memref<64x100000xf32, #tpu.memory_space<hbm>> -> memref<1x100000xf32, #tpu.memory_space<hbm>>
      %dma_wait3A_20 = tpu.memref_squeeze %dma_wait3A_19 : memref<1x100000xf32, #tpu.memory_space<hbm>> -> memref<100000xf32, #tpu.memory_space<hbm>>
      %dma_wait3A_21 = arith.constant 0 : i32
      %dma_wait3A_22 = tpu.memref_slice %arg4[%add3A_4, %dma_wait3A_21] : memref<64x100000xf32, #tpu.memory_space<hbm>> -> memref<1x100000xf32, #tpu.memory_space<hbm>>
      %dma_wait3A_23 = tpu.memref_squeeze %dma_wait3A_22 : memref<1x100000xf32, #tpu.memory_space<hbm>> -> memref<100000xf32, #tpu.memory_space<hbm>>
      tpu.wait_dma2 semaphore(%run_scoped3A : memref<!tpu.dma_semaphore, #tpu.memory_space<semaphore_mem>>) src(%arg5 : memref<100000xf32, #tpu.memory_space<vmem>>) dst(%dma_wait3A_23 : memref<100000xf32, #tpu.memory_space<hbm>>)
      tpu.yield
    }) : () -> ()
    %mul3A_7 = arith.constant 2 : i32
    %mul3A_8 = arith.muli %add3A, %mul3A_7 : i32
    %add3A_9 = arith.constant 1 : i32
    %add3A_10 = arith.addi %mul3A_8, %add3A_9 : i32
    "tpu.region"() ({
      %run_scoped3A = tpu.sem_alloc : memref<!tpu.dma_semaphore, #tpu.memory_space<semaphore_mem>>
      %dma_start3A = arith.constant 0 : i32
      %dma_start3A_14 = tpu.memref_slice %arg2[%add3A_10, %dma_start3A] : memref<64x100000xf32, #tpu.memory_space<hbm>> -> memref<1x100000xf32, #tpu.memory_space<hbm>>
      %dma_start3A_15 = tpu.memref_squeeze %dma_start3A_14 : memref<1x100000xf32, #tpu.memory_space<hbm>> -> memref<100000xf32, #tpu.memory_space<hbm>>
      %dma_start3A_16 = arith.constant 0 : i32
      %dma_start3A_17 = tpu.memref_slice %arg2[%add3A_10, %dma_start3A_16] : memref<64x100000xf32, #tpu.memory_space<hbm>> -> memref<1x100000xf32, #tpu.memory_space<hbm>>
      %dma_start3A_18 = tpu.memref_squeeze %dma_start3A_17 : memref<1x100000xf32, #tpu.memory_space<hbm>> -> memref<100000xf32, #tpu.memory_space<hbm>>
      tpu.enqueue_dma source(%dma_start3A_18 : memref<100000xf32, #tpu.memory_space<hbm>>) target(%arg5 : memref<100000xf32, #tpu.memory_space<vmem>>) target_semaphore(%run_scoped3A : memref<!tpu.dma_semaphore, #tpu.memory_space<semaphore_mem>>)
      %dma_wait3A = arith.constant 0 : i32
      %dma_wait3A_19 = tpu.memref_slice %arg2[%add3A_10, %dma_wait3A] : memref<64x100000xf32, #tpu.memory_space<hbm>> -> memref<1x100000xf32, #tpu.memory_space<hbm>>
      %dma_wait3A_20 = tpu.memref_squeeze %dma_wait3A_19 : memref<1x100000xf32, #tpu.memory_space<hbm>> -> memref<100000xf32, #tpu.memory_space<hbm>>
      %dma_wait3A_21 = arith.constant 0 : i32
      %dma_wait3A_22 = tpu.memref_slice %arg2[%add3A_10, %dma_wait3A_21] : memref<64x100000xf32, #tpu.memory_space<hbm>> -> memref<1x100000xf32, #tpu.memory_space<hbm>>
      %dma_wait3A_23 = tpu.memref_squeeze %dma_wait3A_22 : memref<1x100000xf32, #tpu.memory_space<hbm>> -> memref<100000xf32, #tpu.memory_space<hbm>>
      tpu.wait_dma2 semaphore(%run_scoped3A : memref<!tpu.dma_semaphore, #tpu.memory_space<semaphore_mem>>) src(%dma_wait3A_23 : memref<100000xf32, #tpu.memory_space<hbm>>) dst(%arg5 : memref<100000xf32, #tpu.memory_space<vmem>>)
      tpu.yield
    }) : () -> ()
    "tpu.region"() ({
      %run_scoped3A = tpu.sem_alloc : memref<!tpu.dma_semaphore, #tpu.memory_space<semaphore_mem>>
      %dma_start3A = arith.constant 0 : i32
      %dma_start3A_14 = tpu.memref_slice %arg3[%add3A_10, %dma_start3A] : memref<64x2048xi32, #tpu.memory_space<hbm>> -> memref<1x2048xi32, #tpu.memory_space<hbm>>
      %dma_start3A_15 = tpu.memref_squeeze %dma_start3A_14 : memref<1x2048xi32, #tpu.memory_space<hbm>> -> memref<2048xi32, #tpu.memory_space<hbm>>
      %dma_start3A_16 = arith.constant 0 : i32
      %dma_start3A_17 = tpu.memref_slice %arg3[%add3A_10, %dma_start3A_16] : memref<64x2048xi32, #tpu.memory_space<hbm>> -> memref<1x2048xi32, #tpu.memory_space<hbm>>
      %dma_start3A_18 = tpu.memref_squeeze %dma_start3A_17 : memref<1x2048xi32, #tpu.memory_space<hbm>> -> memref<2048xi32, #tpu.memory_space<hbm>>
      tpu.enqueue_dma source(%dma_start3A_18 : memref<2048xi32, #tpu.memory_space<hbm>>) target(%arg6 : memref<2048xi32, #tpu.memory_space<vmem>>) target_semaphore(%run_scoped3A : memref<!tpu.dma_semaphore, #tpu.memory_space<semaphore_mem>>)
      %dma_wait3A = arith.constant 0 : i32
      %dma_wait3A_19 = tpu.memref_slice %arg3[%add3A_10, %dma_wait3A] : memref<64x2048xi32, #tpu.memory_space<hbm>> -> memref<1x2048xi32, #tpu.memory_space<hbm>>
      %dma_wait3A_20 = tpu.memref_squeeze %dma_wait3A_19 : memref<1x2048xi32, #tpu.memory_space<hbm>> -> memref<2048xi32, #tpu.memory_space<hbm>>
      %dma_wait3A_21 = arith.constant 0 : i32
      %dma_wait3A_22 = tpu.memref_slice %arg3[%add3A_10, %dma_wait3A_21] : memref<64x2048xi32, #tpu.memory_space<hbm>> -> memref<1x2048xi32, #tpu.memory_space<hbm>>
      %dma_wait3A_23 = tpu.memref_squeeze %dma_wait3A_22 : memref<1x2048xi32, #tpu.memory_space<hbm>> -> memref<2048xi32, #tpu.memory_space<hbm>>
      tpu.wait_dma2 semaphore(%run_scoped3A : memref<!tpu.dma_semaphore, #tpu.memory_space<semaphore_mem>>) src(%dma_wait3A_23 : memref<2048xi32, #tpu.memory_space<hbm>>) dst(%arg6 : memref<2048xi32, #tpu.memory_space<vmem>>)
      tpu.yield
    }) : () -> ()
    %parallel_loop3A_11 = arith.constant 0 : i32
    %parallel_loop3A_12 = arith.constant 128 : i32
    %parallel_loop3A_13 = arith.constant 1 : i32
    scf.for %parallel_loop3A_14 = %parallel_loop3A_11 to %parallel_loop3A_12 step %parallel_loop3A_13  : i32 {
      %parallel_loop3A_15 = arith.constant 16 : i32
      %parallel_loop3A_16 = arith.muli %parallel_loop3A_14, %parallel_loop3A_15 : i32
      %parallel_loop3A_17 = arith.index_cast %parallel_loop3A_16 : i32 to index
      %parallel_loop3A_18 = tpu.vector_load %arg6[%parallel_loop3A_17] {strides = array<i32>} : memref<2048xi32, #tpu.memory_space<vmem>>, vector<16xi32>,
      %parallel_loop3A_19 = arith.constant true
      %parallel_loop3A_20 = vector.broadcast %parallel_loop3A_19 : i1 to vector<16xi1>
      %parallel_loop3A_21, %parallel_loop3A_22 = tpu.scan_count mask(%parallel_loop3A_20 : vector<16xi1>) value(%parallel_loop3A_18 : vector<16xi32>) : vector<16xi1>, vector<16xi32>
      %parallel_loop3A_23 = arith.sitofp %parallel_loop3A_22 : vector<16xi32> to vector<16xf32>
      %parallel_loop3A_24 = arith.constant -4.88281257E-5 : f32
      %parallel_loop3A_25 = vector.broadcast %parallel_loop3A_24 : f32 to vector<16xf32>
      %parallel_loop3A_26 = arith.mulf %parallel_loop3A_23, %parallel_loop3A_25 : vector<16xf32>
      tpu.vector_store_idx %arg5[%parallel_loop3A_18], %parallel_loop3A_26 masked %parallel_loop3A_21 {add = true} : memref<100000xf32, #tpu.memory_space<vmem>>[vector<16xi32>], vector<16xf32>, vector<16xi1>
    } {sc.loop_unroll_factor = 4 : i64, sc.parallel_access}
    "tpu.region"() ({
      %run_scoped3A = tpu.sem_alloc : memref<!tpu.dma_semaphore, #tpu.memory_space<semaphore_mem>>
      %dma_start3A = arith.constant 0 : i32
      %dma_start3A_14 = tpu.memref_slice %arg4[%add3A_10, %dma_start3A] : memref<64x100000xf32, #tpu.memory_space<hbm>> -> memref<1x100000xf32, #tpu.memory_space<hbm>>
      %dma_start3A_15 = tpu.memref_squeeze %dma_start3A_14 : memref<1x100000xf32, #tpu.memory_space<hbm>> -> memref<100000xf32, #tpu.memory_space<hbm>>
      %dma_start3A_16 = arith.constant 0 : i32
      %dma_start3A_17 = tpu.memref_slice %arg4[%add3A_10, %dma_start3A_16] : memref<64x100000xf32, #tpu.memory_space<hbm>> -> memref<1x100000xf32, #tpu.memory_space<hbm>>
      %dma_start3A_18 = tpu.memref_squeeze %dma_start3A_17 : memref<1x100000xf32, #tpu.memory_space<hbm>> -> memref<100000xf32, #tpu.memory_space<hbm>>
      tpu.enqueue_dma source(%arg5 : memref<100000xf32, #tpu.memory_space<vmem>>) target(%dma_start3A_18 : memref<100000xf32, #tpu.memory_space<hbm>>) target_semaphore(%run_scoped3A : memref<!tpu.dma_semaphore, #tpu.memory_space<semaphore_mem>>)
      %dma_wait3A = arith.constant 0 : i32
      %dma_wait3A_19 = tpu.memref_slice %arg4[%add3A_10, %dma_wait3A] : memref<64x100000xf32, #tpu.memory_space<hbm>> -> memref<1x100000xf32, #tpu.memory_space<hbm>>
      %dma_wait3A_20 = tpu.memref_squeeze %dma_wait3A_19 : memref<1x100000xf32, #tpu.memory_space<hbm>> -> memref<100000xf32, #tpu.memory_space<hbm>>
      %dma_wait3A_21 = arith.constant 0 : i32
      %dma_wait3A_22 = tpu.memref_slice %arg4[%add3A_10, %dma_wait3A_21] : memref<64x100000xf32, #tpu.memory_space<hbm>> -> memref<1x100000xf32, #tpu.memory_space<hbm>>
      %dma_wait3A_23 = tpu.memref_squeeze %dma_wait3A_22 : memref<1x100000xf32, #tpu.memory_space<hbm>> -> memref<100000xf32, #tpu.memory_space<hbm>>
      tpu.wait_dma2 semaphore(%run_scoped3A : memref<!tpu.dma_semaphore, #tpu.memory_space<semaphore_mem>>) src(%arg5 : memref<100000xf32, #tpu.memory_space<vmem>>) dst(%dma_wait3A_23 : memref<100000xf32, #tpu.memory_space<hbm>>)
      tpu.yield
    }) : () -> ()
    return
  }
}

module attributes {stable_mosaic.version = 14 : i64} {
  func.func @_sim_temp_body(%arg0: memref<64x2048xf32, #tpu.memory_space<vmem>>, %arg1: memref<64x2048xf32, #tpu.memory_space<vmem>>, %arg2: memref<2048x2048xf32, #tpu.memory_space<vmem>>, %arg3: memref<64x16xi32, #tpu.memory_space<vmem>>, %arg4: memref<1x64xf32, #tpu.memory_space<vmem>>) attributes {dimension_semantics = [], scalar_prefetch = 0 : i64, scratch_operands = 0 : i64, tpu.core_type = #tpu.core_type<tc>} {
    %get3A = arith.constant 0 : index
    %get3A_0 = arith.constant 0 : index
    %get3A_1 = vector.load %arg0[%get3A, %get3A_0] : memref<64x2048xf32, #tpu.memory_space<vmem>>, vector<64x2048xf32>
    %get3A_2 = arith.constant 0 : index
    %get3A_3 = arith.constant 0 : index
    %get3A_4 = vector.load %arg2[%get3A_2, %get3A_3] : memref<2048x2048xf32, #tpu.memory_space<vmem>>, vector<2048x2048xf32>
    %dot_general3A = arith.constant dense<0.000000e+00> : vector<64x2048xf32>
    %dot_general3A_5 = tpu.matmul %get3A_1, %get3A_4, %dot_general3A {dimension_numbers = #tpu.dot_dimension_numbers<[1], [1], [0], [0], [0, 0, 1, 0], [], []>, transpose_lhs_hint = false} : vector<64x2048xf32>, vector<2048x2048xf32>, vector<64x2048xf32> -> vector<64x2048xf32>
    %get3A_6 = arith.constant 0 : index
    %get3A_7 = arith.constant 0 : index
    %get3A_8 = vector.load %arg1[%get3A_6, %get3A_7] : memref<64x2048xf32, #tpu.memory_space<vmem>>, vector<64x2048xf32>
    %get3A_9 = arith.constant 0 : index
    %get3A_10 = arith.constant 0 : index
    %get3A_11 = vector.load %arg2[%get3A_9, %get3A_10] : memref<2048x2048xf32, #tpu.memory_space<vmem>>, vector<2048x2048xf32>
    %dot_general3A_12 = arith.constant dense<0.000000e+00> : vector<64x2048xf32>
    %dot_general3A_13 = tpu.matmul %get3A_8, %get3A_11, %dot_general3A_12 {dimension_numbers = #tpu.dot_dimension_numbers<[1], [1], [0], [0], [0, 0, 1, 0], [], []>, transpose_lhs_hint = false} : vector<64x2048xf32>, vector<2048x2048xf32>, vector<64x2048xf32> -> vector<64x2048xf32>
    %mul3A = arith.mulf %dot_general3A_5, %dot_general3A_13 : vector<64x2048xf32>
    %reduce_sum3A = arith.constant dense<0.000000e+00> : vector<64xf32>
    %reduce_sum3A_14 = vector.multi_reduction <add>, %mul3A, %reduce_sum3A [1] : vector<64x2048xf32> to vector<64xf32>
    %mul3A_15 = arith.mulf %dot_general3A_5, %dot_general3A_5 : vector<64x2048xf32>
    %reduce_sum3A_16 = arith.constant dense<0.000000e+00> : vector<64xf32>
    %reduce_sum3A_17 = vector.multi_reduction <add>, %mul3A_15, %reduce_sum3A_16 [1] : vector<64x2048xf32> to vector<64xf32>
    %sqrt3A = math.sqrt %reduce_sum3A_17 : vector<64xf32>
    %max3A = arith.constant 9.99999993E-9 : f32
    %max3A_18 = vector.broadcast %max3A : f32 to vector<64xf32>
    %max3A_19 = arith.maximumf %sqrt3A, %max3A_18 : vector<64xf32>
    %mul3A_20 = arith.mulf %dot_general3A_13, %dot_general3A_13 : vector<64x2048xf32>
    %reduce_sum3A_21 = arith.constant dense<0.000000e+00> : vector<64xf32>
    %reduce_sum3A_22 = vector.multi_reduction <add>, %mul3A_20, %reduce_sum3A_21 [1] : vector<64x2048xf32> to vector<64xf32>
    %sqrt3A_23 = math.sqrt %reduce_sum3A_22 : vector<64xf32>
    %max3A_24 = arith.constant 9.99999993E-9 : f32
    %max3A_25 = vector.broadcast %max3A_24 : f32 to vector<64xf32>
    %max3A_26 = arith.maximumf %sqrt3A_23, %max3A_25 : vector<64xf32>
    %mul3A_27 = arith.mulf %max3A_19, %max3A_26 : vector<64xf32>
    %div3A = arith.divf %reduce_sum3A_14, %mul3A_27 : vector<64xf32>
    %jit3A = arith.constant 0.000000e+00 : f32
    %max3A_28 = vector.broadcast %jit3A : f32 to vector<64xf32>
    %max3A_29 = arith.maximumf %max3A_28, %div3A : vector<64xf32>
    %mul3A_30 = arith.constant 1.000000e-01 : f32
    %mul3A_31 = vector.broadcast %mul3A_30 : f32 to vector<64xf32>
    %mul3A_32 = arith.mulf %max3A_29, %mul3A_31 : vector<64xf32>
    %get3A_33 = arith.constant 0 : index
    %get3A_34 = arith.constant 0 : index
    %get3A_35 = vector.load %arg3[%get3A_33, %get3A_34] : memref<64x16xi32, #tpu.memory_space<vmem>>, vector<64x16xi32>
    %slice3A = vector.extract_strided_slice %get3A_35 {offsets = [0, 0], sizes = [64, 1], strides = [1, 1]} : vector<64x16xi32> to vector<64x1xi32>
    %squeeze3A = vector.shape_cast %slice3A : vector<64x1xi32> to vector<64xi32>
    %convert_element_type3A = arith.sitofp %squeeze3A : vector<64xi32> to vector<64xf32>
    %sub3A = arith.constant 2.045000e+03 : f32
    %sub3A_36 = vector.broadcast %sub3A : f32 to vector<64xf32>
    %sub3A_37 = arith.subf %sub3A_36, %convert_element_type3A : vector<64xf32>
    %div3A_38 = arith.constant 2.045000e+03 : f32
    %div3A_39 = vector.broadcast %div3A_38 : f32 to vector<64xf32>
    %div3A_40 = arith.divf %sub3A_37, %div3A_39 : vector<64xf32>
    %add3A = arith.addf %div3A_40, %mul3A_32 : vector<64xf32>
    %mul3A_41 = arith.constant 5.000000e-01 : f32
    %mul3A_42 = vector.broadcast %mul3A_41 : f32 to vector<64xf32>
    %mul3A_43 = arith.mulf %add3A, %mul3A_42 : vector<64xf32>
    %add3A_44 = arith.constant 1.000000e+00 : f32
    %add3A_45 = vector.broadcast %add3A_44 : f32 to vector<64xf32>
    %add3A_46 = arith.addf %add3A_45, %mul3A_43 : vector<64xf32>
    %broadcast_in_dim3A = vector.shape_cast %add3A_46 : vector<64xf32> to vector<1x64xf32>
    %swap3A = arith.constant 0 : index
    %swap3A_47 = arith.constant 0 : index
    %swap3A_48 = vector.load %arg4[%swap3A, %swap3A_47] : memref<1x64xf32, #tpu.memory_space<vmem>>, vector<1x64xf32>
    tpu.vector_store %arg4[%swap3A, %swap3A_47], %broadcast_in_dim3A {strides = array<i32>} : memref<1x64xf32, #tpu.memory_space<vmem>>, vector<1x64xf32>,
    return
  }
}

module attributes {stable_mosaic.version = 14 : i64} {
  func.func @_bias_body(%arg0: i32, %arg1: memref<64x12800xf32, #tpu.memory_space<vmem>>, %arg2: memref<1x12800xf32, #tpu.memory_space<vmem>>, %arg3: memref<64x12800xf32, #tpu.memory_space<vmem>>) attributes {dimension_semantics = [#tpu.dimension_semantics<arbitrary>], iteration_bounds = array<i64: 8>, scalar_prefetch = 0 : i64, scratch_operands = 0 : i64, tpu.core_type = #tpu.core_type<tc>, window_params = [{transform_indices = @transform_0, window_bounds = array<i64: 64, 12800>}, {transform_indices = @transform_1, window_bounds = array<i64: 1, 12800>}, {transform_indices = @transform_2, window_bounds = array<i64: 64, 12800>}]} {
    %get3A = arith.constant 0 : index
    %get3A_0 = arith.constant 0 : index
    %get3A_1 = vector.load %arg1[%get3A, %get3A_0] : memref<64x12800xf32, #tpu.memory_space<vmem>>, vector<64x12800xf32>
    %get3A_2 = arith.constant 0 : index
    %get3A_3 = arith.constant 0 : index
    %get3A_4 = vector.load %arg2[%get3A_2, %get3A_3] : memref<1x12800xf32, #tpu.memory_space<vmem>>, vector<1x12800xf32>
    %add3A = vector.broadcast %get3A_4 : vector<1x12800xf32> to vector<64x12800xf32>
    %add3A_5 = arith.addf %get3A_1, %add3A : vector<64x12800xf32>
    %swap3A = arith.constant 0 : index
    %swap3A_6 = arith.constant 0 : index
    %swap3A_7 = vector.load %arg3[%swap3A, %swap3A_6] : memref<64x12800xf32, #tpu.memory_space<vmem>>, vector<64x12800xf32>
    tpu.vector_store %arg3[%swap3A, %swap3A_6], %add3A_5 {strides = array<i32>} : memref<64x12800xf32, #tpu.memory_space<vmem>>, vector<64x12800xf32>,
    return
  }
  func.func @transform_0(%arg0: i32) -> (i32, i32) {
    %c0_i32 = arith.constant 0 : i32
    %c0_i32_0 = arith.constant 0 : i32
    return %c0_i32, %arg0 : i32, i32
  }
  func.func @transform_1(%arg0: i32) -> (i32, i32) {
    %c0_i32 = arith.constant 0 : i32
    %c0_i32_0 = arith.constant 0 : i32
    return %c0_i32, %arg0 : i32, i32
  }
  func.func @transform_2(%arg0: i32) -> (i32, i32) {
    %c0_i32 = arith.constant 0 : i32
    %c0_i32_0 = arith.constant 0 : i32
    return %c0_i32, %arg0 : i32, i32
  }
}

</mosaic_0001>

<sc_bundles>
// kernel: kernel.6.cloned.1.call-start
scs
__scs_entry_jumppad:
0x0: {  	(pc) =	sbr.rel $0x88, $3  }
0x1: {  	(tag) =	ssettag $0x0;
	lr =	simm.s32 $0x1  }
0x2: {  	[smem:$0x3F9B] =	sst lr;
	_ =	strace $0xD0000000  }
0x3: {  	_ = 	snop  }
0x4: {  	_ = 	snop  }
0x5: {  	_ = 	snop  }
0x6: {  	_ = 	snop  }
0x7: {  	_ = 	snop  }
__scs_overlays_trampoline_lowered:
0x8: {  	[smem:$0x3FAA] =	sst s0  }
0x9: {  	[smem:$0x3FAB] =	sst s1  }
0xa: {  	[smem:$0x3FAC] =	sst s2  }
0xb: {  	[smem:$0x3FAD] =	sst s3  }
0xc: {  	[smem:$0x3FAE] =	sst s4  }
0xd: {  	[smem:$0x3FAF] =	sst s5  }
0xe: {  	[smem:$0x3FB0] =	sst s6  }
0xf: {  	[smem:$0x3FB1] =	sst s7  }
0x10: {  	[smem:$0x3FB2] =	sst s8  }
0x11: {  	[smem:$0x3FB3] =	sst s9;
	s0 =	simm.s32 @!p0 $0x0  }
0x12: {  	s1 =	sld [smem:$0x3F99];
	s0 =	simm.s32 @p0 $0x1  }
0x13: {  	[smem:$0x3FB4] =	sst s0;
	s0 =	simm.s32 @!p1 $0x0  }
0x14: {  	s2 =	sld [smem:$0x3F98];
	s0 =	simm.s32 @p1 $0x1  }
0x15: {  	[smem:$0x3FB5] =	sst s0;
	s0 =	simm.s32 @!p2 $0x0  }
0x16: {  	s3 =	sld [smem:$0x3FDB];
	s0 =	simm.s32 @p2 $0x1  }
0x17: {  	s4 =	simm.s32 $0x1BF5;
	[smem:$0x3FB7] =	sst s0  }
0x18: {  	s0 =	sld [smem:$0x3F9A];
	_ =	swait.ge [sflag:s4], $0x0  }
0x19: {  	s7 =	sld [smem:$0x3F9B]  }
0x1a: {  	s8 =	sadd.s32 $0xFFFFE003, lr  }
0x1b: {  	s9 =	sadd.s32 $0xFFFFFEF7, lr;
	s5 =	simm.s32 $0xFFFFFFFF;
	p2 =	slt.u32 s8, $0xFFFFF086  }
0x1c: {  	p1 =	slt.u32 s9, $0xF7A;
	s5 =	simm.s32 @!p2 $0x0  }
0x1d: {  	s5 =	simm.s32 @p1 $0x1;
	p0 =	seq.s32 s7, s2  }
0x1e: {  	s7 =	smul.u32 @!p0 $0xF7A, s2;
	p2 =	seq.s32 @!p0 s5, $0x0  }
0x1f: {  	s9 =	smul.u32 $0xF7A, s1;
	s8 =	simm.s32 @!p0 $0x1BF5;
	p2 =	por !p2, p0  }
0x20: {  	[sflag:s8] =	ssyncset.s32 @!p0 $0xFFFFF086;
	s6 =	sadd.s32 @!p0 s3, s7;
	s7 =	simm.s32 @!p0 $0x108  }
0x21: {  	s3 =	sadd.s32 s3, s9;
	s6 =	sadd.s32 @!p0 $0x88, s6;
	s7 =	simm.s32 @p2 $0x1082  }
0x22: {  	[simem:s7], [sflag:s8] =	dma.local @!p0 [hbm:s6], $0xF7A  }
0x23: {  	s9 =	sor.u32 $0xD0000000, s2;
	s6 =	simm.s32 $0x108;
	_ =	swait.ge @!p0 [sflag:s8], $0x0  }
0x24: {  	s3 =	sadd.s32 $0x88, s3;
	s6 =	simm.s32 @!p1 $0x1082;
	[sflag:s4] =	ssyncset.s32 $0xFFFFF086  }
0x25: {  	[simem:s6], [sflag:s4] =	dma.local [hbm:s3], $0xF7A  }
0x26: {  	[smem:$0x3F9B] =	sst s1;
	(tag) =	ssettag s2;
	_ =	strace s9  }
0x27: {  	s1 =	sld [smem:$0x3FAB]  }
0x28: {  	s2 =	sld [smem:$0x3FAC]  }
0x29: {  	s4 =	sld [smem:$0x3FAE]  }
0x2a: {  	p0 =	seq.s32 s5, $0x0;
	s5 =	sld [smem:$0x3FAF]  }
0x2b: {  	s6 =	sld [smem:$0x3FB0]  }
0x2c: {  	s7 =	sld [smem:$0x3FB1]  }
0x2d: {  	s3 =	simm.s32 $0x108;
	s8 =	sld [smem:$0x3FB2]  }
0x2e: {  	s3 =	simm.s32 @!p0 $0x1082;
	s9 =	sld [smem:$0x3FB3]  }
0x2f: {  	lr =	sadd.s32 s0, s3;
	s0 =	sld [smem:$0x3FAA]  }
0x30: {  	s3 =	sld [smem:$0x3FAD]  }
0x31: {  	[smem:$0x3FB6] =	sst s10  }
0x32: {  	s10 =	sld [smem:$0x3FB4];
	_ =	sdelay $0x3  }
0x33: {  	p0 =	seq.s32 s10, $0x1;
	s10 =	sld [smem:$0x3FB6];
	_ =	sdelay $0x3  }
0x34: {  	[smem:$0x3FB6] =	sst s10  }
0x35: {  	s10 =	sld [smem:$0x3FB5];
	_ =	sdelay $0x3  }
0x36: {  	p1 =	seq.s32 s10, $0x1;
	s10 =	sld [smem:$0x3FB6];
	_ =	sdelay $0x3  }
0x37: {  	[smem:$0x3FB6] =	sst s10  }
0x38: {  	s10 =	sld [smem:$0x3FB7]  }
0x39: {  	_ = 	snop;
	(pc) =	sbr.ind lr, $3  }
0x3a: {  	_ = 	snop  }
0x3b: {  	_ = 	snop  }
0x3c: {  	p2 =	seq.s32 s10, $0x1;
	s10 =	sld [smem:$0x3FB6]  }
0x3d: {  	_ =	shalt  }
0x3e: {  	_ =	shalt  }
0x3f: {  	_ =	shalt  }
0x40: {  	_ =	shalt  }
0x41: {  	_ =	shalt  }
0x42: {  	_ =	shalt  }
0x43: {  	_ =	shalt  }
0x44: {  	_ =	shalt  }
0x45: {  	_ =	shalt  }
0x46: {  	_ =	shalt  }
0x47: {  	_ =	shalt  }
0x48: {  	_ =	shalt  }
0x49: {  	_ =	shalt  }
0x4a: {  	_ =	shalt  }
0x4b: {  	_ =	shalt  }
0x4c: {  	_ =	shalt  }
0x4d: {  	_ =	shalt  }
0x4e: {  	_ =	shalt  }
0x4f: {  	_ =	shalt  }
0x50: {  	_ =	shalt  }
0x51: {  	_ =	shalt  }
0x52: {  	_ =	shalt  }
0x53: {  	_ =	shalt  }
0x54: {  	_ =	shalt  }
0x55: {  	_ =	shalt  }
0x56: {  	_ =	shalt  }
0x57: {  	_ =	shalt  }
0x58: {  	_ =	shalt  }
0x59: {  	_ =	shalt  }
0x5a: {  	_ =	shalt  }
0x5b: {  	_ =	shalt  }
0x5c: {  	_ =	shalt  }
0x5d: {  	_ =	shalt  }
0x5e: {  	_ =	shalt  }
0x5f: {  	_ =	shalt  }
0x60: {  	_ =	shalt  }
0x61: {  	_ =	shalt  }
0x62: {  	_ =	shalt  }
0x63: {  	_ =	shalt  }
0x64: {  	_ =	shalt  }
0x65: {  	_ =	shalt  }
0x66: {  	_ =	shalt  }
0x67: {  	_ =	shalt  }
0x68: {  	_ =	shalt  }
0x69: {  	_ =	shalt  }
0x6a: {  	_ =	shalt  }
0x6b: {  	_ =	shalt  }
0x6c: {  	_ =	shalt  }
0x6d: {  	_ =	shalt  }
0x6e: {  	_ =	shalt  }
0x6f: {  	_ =	shalt  }
0x70: {  	_ =	shalt  }
0x71: {  	_ =	shalt  }
0x72: {  	_ =	shalt  }
0x73: {  	_ =	shalt  }
0x74: {  	_ =	shalt  }
0x75: {  	_ =	shalt  }
0x76: {  	_ =	shalt  }
0x77: {  	_ =	shalt  }
0x78: {  	_ =	shalt  }
0x79: {  	_ =	shalt  }
0x7a: {  	_ =	shalt  }
0x7b: {  	_ =	shalt  }
0x7c: {  	_ =	shalt  }
0x7d: {  	_ =	shalt  }
0x7e: {  	_ =	shalt  }
0x7f: {  	_ =	shalt  }
0x80: {  	_ =	shalt  }
0x81: {  	_ =	shalt  }
0x82: {  	_ =	shalt  }
0x83: {  	_ =	shalt  }
0x84: {  	_ =	shalt  }
0x85: {  	_ =	shalt  }
0x86: {  	_ =	shalt  }
0x87: {  	_ =	shalt  }
.Lfunc_end0:
.L_simem_size_0:
called_computation_lowered:
.L_overlay_start_0:
0x88: {  	s2 =	sld [smem:$0x3FD9]  }
0x89: {  	s3 =	sld [smem:$0x3FFE];
	_ =	sdelay $0x1  }
0x8a: {  	s1 =	srdreg.scid  }
0x8b: {  	s0 =	sand.u32 $0x1, s1  }
0x8c: {  	s17 =	sshll.u32 s0, $0xA;
	s2 =	sadd.s32 s3, s2  }
0x8d: {  	s2 =	sadd.s32 s2, s17  }
0x8e: {  	[smem:$0x3FC2] =	sst s2  }
0x8f: {  	_ = 	snop  }
0x90: {  	s2 =	sld [smem:$0x3FC6];
	(tm) =	ssettm $0x1  }
0x91: {  	s18 =	sld [smem:$0x3FFB];
	_ =	sdelay $0x3  }
0x92: {  	_ =	strace s18  }
0x93: {  	s3 =	sld [smem:$0x3FFC];
	_ =	sdelay $0x3  }
0x94: {  	_ =	strace s3  }
0x95: {  	s3 =	sld [smem:$0x3FFD];
	_ =	sdelay $0x3  }
0x96: {  	_ =	strace s3  }
0x97: {  	_ =	strace $0x8FFFFFFF  }
0x98: {  	s19 =	sld [smem:$0x3FDB];
	_ =	sdelay $0x1  }
0x99: {  	s4 =	simm.s32 $_scs_section_size  }
0x9a: {  	s5 =	simm.s32 $_size__tile_overlayer_lowered;
	s6 =	simm.s32 $_tile_overlayer_lowered  }
0x9b: {  	s22 =	simm.s32 $0x1BFF;
	s21 =	sshll.u32 s6, $0x1;
	s3 =	sadd.s32 s4, s19  }
0x9c: {  	s7 =	simm.s32 $0x0;
	s20 =	sshll.u32 s5, $0x1;
	s5 =	sadd.s32 s21, s3  }
0x9d: {  	[timem:s7], [sflag:s22] =	dma.local [hbm:s5], s20  }
0x9e: {  	_ =	swait.ge [sflag:s22], s20  }
0x9f: {  	s4 =	ssub.s32 $0x0, s20;
	[sflag:s22] =	ssyncset.done $0x0  }
0xa0: {  	[sflag:s22] =	ssyncadd.s32 s4;
	_ =	sdelay $0x1  }
0xa1: {  	s23 =	simm.s32 $0x1B8B  }
0xa2: {  	_ =	swait.ge [sflag:s23], $0x1  }
0xa3: {  	[sflag:s23] =	ssyncset.done $0x0  }
0xa4: {  	s25 =	simm.s32 $0x1B8E;
	s24 =	sld [smem:$0x3FFE];
	[sflag:s23] =	ssyncadd.s32 $0xFFFFFFFF  }
0xa5: {  	s26 =	simm.s32 $execute0_lowered;
	[smem:$0x3FD2] =	sst s25  }
0xa6: {  	s5 =	sshll.u32 s26, $0x1;
	_ =	strace $0x80000046;
	[dreg:$0x1] =	wrdreg $0xFFFFFFFF  }
0xa7: {  	s28 =	simm.s32 $_size_execute0_lowered;
	s3 =	sadd.s32 s3, s5;
	[dreg:$0x0] =	wrdreg $0x0  }
0xa8: {  	s5 =	sshll.u32 s28, $0x1;
	[dreg:$0x2] =	wrdreg s3  }
0xa9: {  	[dreg:$0x3] =	wrdreg s5  }
0xaa: {  	[dreg:$0x4] =	wrdreg $0xC0  }
0xab: {  	_ =	task [dreg:s7], $0x5FFFF  }
0xac: {  	[dreg:$0x1] =	wrdreg $0xFFFFFFFF  }
0xad: {  	[dreg:$0x0] =	wrdreg $0x60  }
0xae: {  	[dreg:$0x2] =	wrdreg s2  }
0xaf: {  	[dreg:$0x3] =	wrdreg s24  }
0xb0: {  	[dreg:$0x4] =	wrdreg $0x9  }
0xb1: {  	_ =	task.clear_ibuf [dreg:s7], $0x5FFFF;
	_ =	strace $0x90000046  }
0xb2: {  	s29 =	simm.s32 $0x9;
	_ =	strace $0x80000048  }
0xb3: {  	_ =	swait.ge [sflag:s29], $0x1  }
0xb4: {  	[sflag:s29] =	ssyncadd.s32 $0xFFFFFFFF  }
0xb5: {  	_ =	strace $0x90000048  }
0xb6: {  	_ =	sfence  }
0xb7: {  	s30 =	sld [smem:$0x0];
	_ =	sdelay $0x2  }
0xb8: {  	s31 =	sshll.u32 s1, $0xD;
	s1 =	sshrl.u32 s1, $0x2  }
0xb9: {  	s3 =	sand.u32 $0x4000, s31;
	s1 =	sadd.s32 s1, s30  }
0xba: {  	s0 =	sor.u32 s3, s0;
	s1 =	sshll.u32 s1, $0x11  }
0xbb: {  	s0 =	sor.u32 s1, s0  }
0xbc: {  	s0 =	sadd.s32 $0x8F2B, s0  }
0xbd: {  	[sflag:s0] =	ssyncadd.remote.s32 $0x1  }
0xbe: {  	_ =	sfence.sel $0xFFFF  }
0xbf: {  	[dreg:$0x0] =	wrdreg $0xFFFFFFFF;
	(pc) =	sbr.abs _section_cstart, $3  }
0xc0: {  	[dreg:$0x1] =	wrdreg $0xFFFFFFFF  }
0xc1: {  	_ =	task.clear_ibuf [dreg:s7], $0x2FFFF;
	_ =	strace $0x9FFFFFFF  }
0xc2: {  	(tm) =	ssettm $0x7FFFFFFF  }
0xc3: {  	_ =	shalt  }
tec
execute0_lowered:
.L_overlay_start_1:
0x0: {  	(tag) =	ssettag $0x1  }
0x1: {  	s5 =	rddreg [dreg:$0x0]  }
0x2: {  	s3 =	rddreg [dreg:$0x1]  }
0x3: {  	s0 =	rddreg [dreg:$0x2];
	s2 =	simm.s32 $0x0;
	s4 =	srdreg.scid  }
0x4: {  	s1 =	stileid.u32;
	s12 =	simm.s32 $0x18F00;
	s13 =	simm.s32 $0x1B100  }
0x5: {  	s14 =	simm.s32 $0x1A880;
	s15 =	simm.s32 $0x1A000;
	s16 =	simm.s32 $0x0  }
0x6: {  	[smem:$0x7FF] =	sst s2;
	s4 =	sand.u32 $0x1, s4;
	s6 =	sshll.u32 s1, $0x9  }
0x7: {  	s8 =	sshrl.u32 s1, $0x1;
	s9 =	sadd.s32 $0x1E00, s3;
	_ =	strace $0x80000047  }
0x8: {  	s7 =	sshll.u32 s4, $0x8;
	s6 =	sand.u32 $0x200, s6;
	s4 =	ssub.s32 $0x2, s4  }
0x9: {  	s28 =	sshll.u32 s8, $0xE;
	s6 =	sor.u32 s7, s6;
	s29 =	sshrl.u32 s4, $0x1  }
0xa: {  	s31 =	sshll.u32 s8, $0xA;
	s10 =	sor.u32 s28, s6;
	s11 =	ssub.s32 s4, s29  }
0xb: {  	s8 =	sor.u32 s31, s6;
	s6 =	sor.u32 $0x80, s6;
	s30 =	sshrl.u32 s10, $0x3  }
.Ltmp0:
0xc: {  	s8 =	sshrl.u32 s8, $0x3;
	s7 =	sor.u32 s28, s6;
	(pc) =	sbr.rel .LBB2_1-.Ltmp0, $4  }
0xd: {  	v0 =	vlaneseq.u32;
	s6 =	sor.u32 s31, s6;
	s10 =	simm.s32 $0x1;
	s3 =	sadd.s32 s5, s30  }
0xe: {  	v3 =	vmul.u32 $0xFFFFFFFF, v0;
	s4 =	sadd.s32 s9, s8;
	s7 =	sshrl.u32 s7, $0x3;
	s6 =	sshrl.u32 s6, $0x3  }
0xf: {  	v1 =	vimm.s32 $0x0;
	s8 =	simm.s32 $0x80;
	s5 =	sadd.s32 s5, s7;
	s6 =	sadd.s32 s9, s6  }
0x10: {  	v4 =	vimm.s32 $0x800;
	v2 =	vadd.s32 $0xF, v3;
	v3 =	vadd.s32 $0x7FD, v3;
	s7 =	smax.u32 s11, $0x1;
	s9 =	simm.s32 $0x400;
	s11 =	simm.s32 $0x1B980  }
.LBB2_65:
0x11: {  	v5 =	vimm.s32 $0x7FD  }
.LBB2_107:
0x12: {  	s16 =	sadd.s32 $0x1, s16  }
0x13: {  	p0 =	sne.s32 s16, s7  }
.Ltmp1:
0x14: {  	[tilespmem:$0x1B980] =	vst v5;
	(pc) =	sbr.rel @!p0 .LBB2_108-.Ltmp1, $4  }
0x15: {  	[hbm4b:s6+s2] =	stream.linear.scatter [tilespmem:s11], [sflag:$0x1], $0x80, $0x38;
	[tilespmem:$0x1BA00] =	vst v63  }
0x16: {  	_ =	swait.ge [sflag:s10], $0x80  }
0x17: {  	[sflag:s10] =	ssyncset.done $0x0  }
0x18: {  	[sflag:s10] =	ssyncadd.s32 $0xFFFFFF80  }
.LBB2_1:
0x19: {  	[tilespmem:$0x19F80] =	vst v1;
	s18 =	simm.s32 $0x18700  }
0x1a: {  	[tilespmem:s18], [sflag:$0x1] =	stream.strided.gather [hbm4b:s3+s8], $0x800, s9, s8, $0x38;
	[tilespmem:$0x1BA00] =	vst v63  }
0x1b: {  	_ =	swait.ge [sflag:s10], $0x800  }
0x1c: {  	[sflag:s10] =	ssyncset.done $0x0  }
0x1d: {  	s19 =	simm.s32 $0x0;
	[sflag:s10] =	ssyncadd.s32 $0xFFFFF800  }
.LBB2_2:
0x1e: {  	v5 =	vld [tilespmem:s18+$0x0];
	_ =	sdelay $0x4  }
0x1f: {  	(xrf1) =	vunique.msk.u32 $0xffff, v5;
	_ =	sdelay $0xd  }
0x20: {  	_, v6, vm0 =	vpop (xrf1)  }
0x21: {  	p0 =	sne.s32 s19, $0x7F0  }
.Ltmp2:
0x22: {  	_ = 	snop;
	(pc) =	sbr.rel @p0 .LBB2_2-.Ltmp2, $3  }
0x23: {  	_ =	sdelay $0x1  }
0x24: {  	s17 =	simm.s32 $0x0;
	v6 =	vor.u32 s19, v0  }
0x25: {  	s18 =	sadd.s32 $0x10, s18;
	s19 =	sadd.s32 $0x10, s19;
	[tilespmem:v5+s17+$0x0] =	vst.idx.msk vm0, v6  }
0x26: {  	s18 =	simm.s32 $0x18720  }
0x27: {  	v5 =	vld [tilespmem:s18+$0x10];
	_ =	sdelay $0x3  }
0x28: {  	v7 =	vld [tilespmem:s18+$0xFFFFFFE0]  }
0x29: {  	v8 =	vld [tilespmem:s18+$0xFFFFFFF0]  }
0x2a: {  	s30 =	simm.s32 $0x18760;
	v10 =	vld [tilespmem:s18+$0x0]  }
0x2b: {  	v15 =	vld [tilespmem:s30+$0x10]  }
0x2c: {  	v9 =	vld.idx.msk [tilespmem:v5+s2+$0x0], $0xffff  }
0x2d: {  	v6 =	vld [tilespmem:s30+$0xFFFFFFF0]  }
0x2e: {  	v13 =	vld [tilespmem:s30+$0xFFFFFFE0]  }
0x2f: {  	s31 =	simm.s32 $0x30;
	v5 =	vld [tilespmem:s30+$0x0]  }
0x30: {  	v12 =	vld.idx.msk [tilespmem:v7+s2+$0x0], $0xffff;
	v7 =	vor.u32 s31, v0  }
0x31: {  	s20 =	simm.s32 $0x10;
	v11 =	vld.idx.msk [tilespmem:v8+s2+$0x0], $0xffff;
	vm0 =	vne.s32 v9, v7  }
0x32: {  	s21 =	simm.s32 $0x20;
	s18 =	simm.s32 $0x197A0;
	v14 =	vor.u32 s20, v0;
	v8 =	vld.idx.msk [tilespmem:v10+s2+$0x0], $0xffff;
	v10 =	vsel vm0, $0x1, v1  }
0x33: {  	s19 =	simm.s32 $0x4;
	s20 =	simm.s32 $0x187A0;
	v9 =	vor.u32 s17, v0;
	v7 =	vor.u32 s21, v0;
	[tilespmem:s18+$0x10] =	vst v10;
	v10 =	vld.idx.msk [tilespmem:v15+s2+$0x0], $0xffff  }
.LBB2_4:
0x34: {  	v15 =	vld [tilespmem:s20+$0x10];
	s19 =	sadd.s32 $0x4, s19  }
0x35: {  	vm0 =	vne.s32 v12, v9;
	v16 =	vld [tilespmem:s20+$0xFFFFFFF0];
	p0 =	slt.u32 s19, $0x7C  }
0x36: {  	s17 =	sadd.s32 $0x40, s17;
	v12 =	vsel vm0, $0x1, v1;
	vm0 =	vne.s32 v11, v14;
	v17 =	vld [tilespmem:s20+$0x0]  }
0x37: {  	v9 =	vor.u32 s17, v0;
	s21 =	sadd.s32 $0x10, s17;
	s22 =	sadd.s32 $0x20, s17;
	s23 =	sadd.s32 $0x30, s17;
	v19 =	vsel vm0, $0x1, v1;
	vm0 =	vne.s32 v8, v7;
	v18 =	vld [tilespmem:s20+$0xFFFFFFE0];
	[tilespmem:s18+$0xFFFFFFE0] =	vst v12  }
.Ltmp3:
0x38: {  	v14 =	vor.u32 s21, v0;
	v7 =	vor.u32 s22, v0;
	v8 =	vor.u32 s23, v0;
	v12 =	vld.idx.msk [tilespmem:v13+s2+$0x0], $0xffff;
	(pc) =	sbr.rel @p0 .LBB2_4-.Ltmp3, $4  }
0x39: {  	vm1 =	vne.s32 v10, v8;
	v10 =	vsel vm0, $0x1, v1;
	v11 =	vld.idx.msk [tilespmem:v6+s2+$0x0], $0xffff;
	[tilespmem:s18+$0xFFFFFFF0] =	vst v19  }
0x3a: {  	v19 =	vsel vm1, $0x1, v1;
	v8 =	vld.idx.msk [tilespmem:v5+s2+$0x0], $0xffff;
	[tilespmem:s18+$0x0] =	vst v10;
	s18 =	sadd.s32 $0x40, s18;
	v6 =	vmov v16  }
0x3b: {  	[tilespmem:s18+$0x10] =	vst v19;
	v5 =	vmov v17  }
0x3c: {  	s20 =	sadd.s32 $0x40, s20;
	v10 =	vld.idx.msk [tilespmem:v15+s2+$0x0], $0xffff;
	v13 =	vmov v18  }
0x3d: {  	_ =	sdelay $0x3  }
0x3e: {  	v13 =	vld.idx.msk [tilespmem:v13+s2+$0x0], $0xffff  }
0x3f: {  	vm0 =	vne.s32 v12, v9;
	s17 =	sadd.s32 $0x40, s17;
	v6 =	vld.idx.msk [tilespmem:v6+s2+$0x0], $0xffff  }
0x40: {  	v5 =	vld.idx.msk [tilespmem:v5+s2+$0x0], $0xffff;
	v9 =	vsel vm0, $0x1, v1;
	vm11 =	vne.s32 v11, v14;
	s19 =	sadd.s32 $0x30, s17  }
0x41: {  	[tilespmem:s18+$0xFFFFFFE0] =	vst v9;
	v61 =	vsel vm11, $0x1, v1;
	vm12 =	vne.s32 v8, v7;
	v7 =	vor.u32 s19, v0  }
0x42: {  	v62 =	vor.u32 s17, v0;
	s31 =	sadd.s32 $0x10, s17;
	[tilespmem:s18+$0xFFFFFFF0] =	vst v61;
	vm1 =	vne.s32 v10, v7;
	v7 =	vsel vm12, $0x1, v1  }
0x43: {  	s20 =	sadd.s32 $0x40, s18;
	s17 =	sadd.s32 $0x20, s17;
	v63 =	vor.u32 s31, v0;
	v10 =	vsel vm1, $0x1, v1;
	[tilespmem:s18+$0x0] =	vst v7;
	vm13 =	vne.s32 v13, v62  }
0x44: {  	v7 =	vor.u32 s17, v0;
	vm14 =	vne.s32 v6, v63;
	[tilespmem:s20+$0x10] =	vst v10;
	v8 =	vsel vm13, $0x1, v1  }
0x45: {  	v6 =	vsel vm14, $0x1, v1;
	vm15 =	vne.s32 v5, v7;
	[tilespmem:s20+$0xFFFFFFE0] =	vst v8  }
0x46: {  	[tilespmem:s20+$0xFFFFFFF0] =	vst v6;
	v5 =	vsel vm15, $0x1, v1  }
0x47: {  	s19 =	simm.s32 $0x18EF0;
	s18 =	simm.s32 $0x7F0;
	[tilespmem:s20+$0x0] =	vst v5  }
.LBB2_6:
0x48: {  	v5 =	vld [tilespmem:s19+$0x0];
	_ =	sdelay $0x4  }
0x49: {  	v5 =	vperm.xlane v5, v2;
	_ =	sdelay $0x1  }
0x4a: {  	(xrf1) =	vunique.msk.u32 $0xffff, v5;
	_ =	sdelay $0xd  }
0x4b: {  	_, v6, vm0 =	vpop (xrf1)  }
0x4c: {  	p0 =	sne.s32 s18, $0x0  }
.Ltmp4:
0x4d: {  	_ = 	snop;
	(pc) =	sbr.rel @p0 .LBB2_6-.Ltmp4, $3  }
0x4e: {  	_ =	sdelay $0x1  }
0x4f: {  	s17 =	simm.s32 $0x0;
	v6 =	vor.u32 s18, v2  }
0x50: {  	s19 =	sadd.s32 $0xFFFFFFF0, s19;
	s18 =	sadd.s32 $0xFFFFFFF0, s18;
	[tilespmem:v5+s17+$0x0] =	vst.idx.msk vm0, v6  }
0x51: {  	s18 =	simm.s32 $0x18720  }
0x52: {  	v5 =	vld [tilespmem:s18+$0x10]  }
0x53: {  	v6 =	vld [tilespmem:s18+$0xFFFFFFF0]  }
0x54: {  	v7 =	vld [tilespmem:s18+$0x0]  }
0x55: {  	s19 =	simm.s32 $0x18760;
	v8 =	vld [tilespmem:s18+$0xFFFFFFE0]  }
0x56: {  	v13 =	vld [tilespmem:s19+$0x10]  }
0x57: {  	v14 =	vld [tilespmem:s19+$0xFFFFFFF0]  }
0x58: {  	s18 =	simm.s32 $0x197A0;
	v15 =	vld [tilespmem:s19+$0x0]  }
0x59: {  	v12 =	vld [tilespmem:s18+$0x10]  }
0x5a: {  	v9 =	vld [tilespmem:s18+$0xFFFFFFE0]  }
0x5b: {  	v17 =	vld [tilespmem:s18+$0xFFFFFFF0]  }
0x5c: {  	v10 =	vld.idx.msk [tilespmem:v5+s17+$0x0], $0xffff  }
0x5d: {  	v6 =	vld.idx.msk [tilespmem:v6+s17+$0x0], $0xffff  }
0x5e: {  	v7 =	vld.idx.msk [tilespmem:v7+s17+$0x0], $0xffff  }
0x5f: {  	v16 =	vld.idx.msk [tilespmem:v8+s17+$0x0], $0xffff  }
0x60: {  	s20 =	simm.s32 $0x30;
	v5 =	vld [tilespmem:s19+$0xFFFFFFE0];
	s19 =	simm.s32 $0x10  }
0x61: {  	s21 =	simm.s32 $0x20;
	v18 =	vor.u32 s20, v0;
	v11 =	vld [tilespmem:s18+$0x0];
	v8 =	vor.u32 s19, v0  }
0x62: {  	vm0 =	vne.s32 v10, v18;
	vm1 =	vne.s32 v6, v8;
	v6 =	vor.u32 s21, v0;
	v8 =	vld.idx.msk [tilespmem:v13+s17+$0x0], $0xffff  }
0x63: {  	v13 =	vor.u32 s17, v0;
	v10 =	vsel vm0, $0x1, v1;
	vm14 =	vne.s32 v7, v6;
	v7 =	vld.idx.msk [tilespmem:v14+s17+$0x0], $0xffff  }
0x64: {  	s25 =	simm.s32 $0x4;
	s22 =	simm.s32 $0x197E0;
	v63 =	vsel vm1, $0x1, v1;
	v6 =	vld.idx.msk [tilespmem:v15+s17+$0x0], $0xffff;
	vm15 =	vne.s32 v16, v13;
	v10 =	vor.u32 v10, v12  }
0x65: {  	s26 =	simm.s32 $0x187A0;
	s24 =	simm.s32 $0x40;
	s23 =	simm.s32 $0x197A0;
	v12 =	vsel vm14, $0x1, v1;
	v14 =	vsel vm15, $0x1, v1;
	v13 =	vor.u32 v63, v17;
	[tilespmem:s18+$0x10] =	vst v10;
	v10 =	vld [tilespmem:s22+$0x10]  }
.LBB2_8:
0x66: {  	v15 =	vld [tilespmem:s26+$0x10];
	s25 =	sadd.s32 $0x4, s25;
	v16 =	vor.u32 s24, v0;
	s28 =	sadd.s32 $0x10, s24;
	s29 =	sadd.s32 $0x30, s24;
	v9 =	vor.u32 v14, v9;
	[tilespmem:s23+$0xFFFFFFF0] =	vst v13;
	v11 =	vor.u32 v12, v11  }
0x67: {  	v13 =	vld [tilespmem:s26+$0xFFFFFFF0];
	p0 =	slt.u32 s25, $0x7C;
	v12 =	vor.u32 s28, v0;
	s28 =	sadd.s32 $0x20, s24;
	v14 =	vor.u32 s29, v0;
	[tilespmem:s23+$0xFFFFFFE0] =	vst v9  }
0x68: {  	v17 =	vld [tilespmem:s26+$0x0];
	v9 =	vor.u32 s28, v0;
	vm0 =	vne.s32 v8, v14;
	[tilespmem:s23+$0x0] =	vst v11;
	s23 =	smov.u32 s22  }
0x69: {  	vm1 =	vne.s32 v7, v12;
	v14 =	vld [tilespmem:s26+$0xFFFFFFE0];
	v7 =	vsel vm0, $0x1, v1  }
0x6a: {  	v19 =	vsel vm1, $0x1, v1;
	vm0 =	vne.s32 v6, v9;
	v18 =	vld.idx.msk [tilespmem:v5+s17+$0x0], $0xffff;
	v5 =	vor.u32 v7, v10  }
0x6b: {  	v12 =	vsel vm0, $0x1, v1;
	v9 =	vld [tilespmem:s22+$0xFFFFFFE0];
	[tilespmem:s22+$0x10] =	vst v5  }
0x6c: {  	v20 =	vld [tilespmem:s22+$0xFFFFFFF0]  }
.Ltmp5:
0x6d: {  	v11 =	vld [tilespmem:s22+$0x0];
	(pc) =	sbr.rel @p0 .LBB2_8-.Ltmp5, $4  }
0x6e: {  	v8 =	vld.idx.msk [tilespmem:v15+s17+$0x0], $0xffff;
	v5 =	vmov v14  }
0x6f: {  	v7 =	vld.idx.msk [tilespmem:v13+s17+$0x0], $0xffff  }
0x70: {  	s22 =	sadd.s32 $0x40, s22;
	vm0 =	vne.s32 v18, v16;
	v6 =	vld.idx.msk [tilespmem:v17+s17+$0x0], $0xffff  }
0x71: {  	s24 =	sadd.s32 $0x40, s24;
	s26 =	sadd.s32 $0x40, s26;
	v14 =	vsel vm0, $0x1, v1;
	v10 =	vld [tilespmem:s22+$0x10];
	v13 =	vor.u32 v19, v20  }
0x72: {  	_ =	sdelay $0x3  }
0x73: {  	v5 =	vld.idx.msk [tilespmem:v5+s17+$0x0], $0xffff  }
0x74: {  	s25 =	sadd.s32 $0x30, s24;
	v15 =	vld [tilespmem:s22+$0xFFFFFFF0]  }
0x75: {  	v16 =	vor.u32 s24, v0;
	s26 =	sadd.s32 $0x10, s24;
	v9 =	vor.u32 v14, v9;
	v17 =	vld [tilespmem:s22+$0xFFFFFFE0];
	v14 =	vor.u32 s25, v0  }
0x76: {  	[tilespmem:s23+$0xFFFFFFF0] =	vst v13;
	v11 =	vor.u32 v12, v11;
	v12 =	vor.u32 s26, v0;
	s26 =	sadd.s32 $0x20, s24;
	vm0 =	vne.s32 v8, v14;
	v8 =	vld [tilespmem:s22+$0x0]  }
0x77: {  	[tilespmem:s23+$0xFFFFFFE0] =	vst v9;
	v9 =	vor.u32 s26, v0;
	vm1 =	vne.s32 v7, v12;
	v7 =	vsel vm0, $0x1, v1  }
0x78: {  	[tilespmem:s23+$0x0] =	vst v11;
	v11 =	vsel vm1, $0x1, v1;
	v7 =	vor.u32 v7, v10;
	vm0 =	vne.s32 v5, v16  }
0x79: {  	vm1 =	vne.s32 v6, v9;
	[tilespmem:s22+$0x10] =	vst v7;
	v6 =	vor.u32 v11, v15;
	v5 =	vsel vm0, $0x1, v1  }
0x7a: {  	v7 =	vsel vm1, $0x1, v1;
	[tilespmem:s22+$0xFFFFFFF0] =	vst v6;
	v5 =	vor.u32 v5, v17  }
0x7b: {  	v6 =	vor.u32 v7, v8;
	[tilespmem:s22+$0xFFFFFFE0] =	vst v5  }
0x7c: {  	[tilespmem:s22+$0x0] =	vst v6  }
0x7d: {  	v9 =	vld [tilespmem:s18+$0x3]  }
0x7e: {  	v8 =	vld [tilespmem:s18+$0xFFFFFFF3]  }
0x7f: {  	v6 =	vld [tilespmem:s18+$0x10]  }
0x80: {  	v7 =	vld [tilespmem:s18+$0x11]  }
0x81: {  	v10 =	vld [tilespmem:s18+$0xFFFFFFE3]  }
0x82: {  	v12 =	vld [tilespmem:s18+$0x0]  }
0x83: {  	v13 =	vld [tilespmem:s18+$0xFFFFFFE2]  }
0x84: {  	v14 =	vld [tilespmem:s18+$0xFFFFFFF0]  }
0x85: {  	v5 =	vld [tilespmem:s18+$0xFFFFFFE0]  }
0x86: {  	v15 =	vld [tilespmem:s18+$0xFFFFFFE1]  }
0x87: {  	v16 =	vld [tilespmem:s18+$0xFFFFFFF1]  }
0x88: {  	v17 =	vld [tilespmem:s18+$0x1]  }
0x89: {  	v11 =	vld [tilespmem:s18+$0xFFFFFFF2]  }
0x8a: {  	v18 =	vmov s17;
	v20 =	vmov s20;
	v19 =	vld [tilespmem:s18+$0x2]  }
0x8b: {  	v21 =	vmov s21;
	vm0 =	vlt.u32 v18, v3;
	v18 =	vmov s19;
	v22 =	vld [tilespmem:s18+$0x12]  }
0x8c: {  	s28 =	simm.s32 $0x197E0;
	vm2 =	vlt.u32 v21, v3;
	vm1 =	vlt.u32 v18, v3;
	v18 =	vld [tilespmem:s18+$0x13];
	v15 =	vand.u32 v5, v15  }
0x8d: {  	v5 =	vld [tilespmem:s28+$0x3];
	v14 =	vand.u32 v14, v16;
	v12 =	vand.u32 v12, v17;
	v13 =	vand.u32 v13, v15  }
0x8e: {  	v16 =	vld [tilespmem:s28+$0x1];
	v15 =	vand.u32 v6, v7;
	v11 =	vand.u32 v11, v14;
	v10 =	vand.u32 v10, v13  }
0x8f: {  	v17 =	vld [tilespmem:s28+$0x2];
	v12 =	vand.u32 v19, v12;
	v11 =	vand.u32 v8, v11;
	v10 =	vnsel vm0, $0x0, v10  }
0x90: {  	v6 =	vld [tilespmem:s28+$0x10];
	v12 =	vand.u32 v9, v12;
	v13 =	vand.u32 v22, v15;
	v11 =	vnsel vm1, $0x0, v11;
	(xrf0) =	vadd.scan.msk.s32 $0xffff, v10  }
0x91: {  	v19 =	vld [tilespmem:s28+$0xFFFFFFE0];
	v12 =	vnsel vm2, $0x0, v12;
	v13 =	vand.u32 v18, v13;
	vm0 =	vlt.u32 v20, v3;
	(xrf0) =	vadd.scan.msk.s32 $0xffff, v11  }
0x92: {  	v8 =	vld [tilespmem:s28+$0x11];
	v13 =	vnsel vm0, $0x0, v13;
	(xrf0) =	vadd.scan.msk.s32 $0xffff, v12  }
0x93: {  	v9 =	vld [tilespmem:s28+$0xFFFFFFE3];
	(xrf0) =	vadd.scan.msk.s32 $0xffff, v13  }
0x94: {  	v15 =	vld [tilespmem:s28+$0xFFFFFFF1]  }
0x95: {  	v20 =	vld [tilespmem:s28+$0xFFFFFFE1]  }
0x96: {  	v10 =	vld [tilespmem:s28+$0xFFFFFFF2];
	v14, _, _ =	vpop (xrf0)  }
0x97: {  	v12 =	vld [tilespmem:s28+$0xFFFFFFE2];
	(v2sf) =	vpush v14, $0xF;
	v14, _, _ =	vpop (xrf0)  }
0x98: {  	s18 =	simm.s32 $0x40;
	v13 =	vld [tilespmem:s28+$0xFFFFFFF0];
	(v2sf) =	vpush v14, $0xF;
	v14, _, _ =	vpop (xrf0)  }
0x99: {  	s30 =	simm.s32 $0x50;
	v21 =	vmov s18;
	v11 =	vld [tilespmem:s28+$0x0];
	(v2sf) =	vpush v14, $0xF;
	v18, _, _ =	vpop (xrf0)  }
0x9a: {  	s31 =	simm.s32 $0x60;
	v7 =	vld [tilespmem:s28+$0xFFFFFFF3];
	vm1 =	vlt.u32 v21, v3;
	v21 =	vmov s30;
	(v2sf) =	vpush v18, $0xF  }
0x9b: {  	s29 =	simm.s32 $0x70;
	v22 =	vmov s31;
	vm2 =	vlt.u32 v21, v3;
	v18 =	vld [tilespmem:s28+$0x12]  }
0x9c: {  	s20 =	simm.s32 $0x19820;
	s19 =	simm.s32 $0x4;
	vm0 =	vlt.u32 v22, v3;
	v20 =	vand.u32 v19, v20;
	v19 =	vld [tilespmem:s28+$0x13];
	v14 =	vmov s29  }
.LBB2_10:
0x9d: {  	v21 =	vld [tilespmem:s20+$0x3];
	v12 =	vand.u32 v12, v20;
	v13 =	vand.u32 v13, v15;
	v15 =	vand.u32 v6, v8  }
0x9e: {  	v20 =	vld [tilespmem:s20+$0xFFFFFFF3];
	v8 =	vand.u32 v9, v12;
	v9 =	vand.u32 v10, v13;
	v10 =	vand.u32 v11, v16  }
0x9f: {  	v6 =	vld [tilespmem:s20+$0x10];
	v11 =	vnsel vm1, $0x0, v8;
	v7 =	vand.u32 v7, v9;
	v9 =	vand.u32 v17, v10  }
0xa0: {  	v8 =	vld [tilespmem:s20+$0x11];
	v7 =	vnsel vm2, $0x0, v7;
	v16 =	vand.u32 v5, v9;
	v10 =	vand.u32 v18, v15;
	(xrf0) =	vadd.scan.msk.s32 $0xffff, v11  }
0xa1: {  	v9 =	vld [tilespmem:s20+$0xFFFFFFE3];
	v12 =	vnsel vm0, $0x0, v16;
	v11 =	vand.u32 v19, v10;
	vm0 =	vlt.u32 v14, v3;
	(xrf0) =	vadd.scan.msk.s32 $0xffff, v7  }
0xa2: {  	v10 =	vld [tilespmem:s20+$0xFFFFFFF2];
	v13 =	vnsel vm0, $0x0, v11;
	(xrf0) =	vadd.scan.msk.s32 $0xffff, v12;
	v5 =	vmov v21  }
0xa3: {  	v11 =	vld [tilespmem:s20+$0x0];
	(xrf0) =	vadd.scan.msk.s32 $0xffff, v13;
	v7 =	vmov v20  }
0xa4: {  	v12 =	vld [tilespmem:s20+$0xFFFFFFE2]  }
0xa5: {  	v13 =	vld [tilespmem:s20+$0xFFFFFFF0]  }
0xa6: {  	s18 =	sadd.s32 $0x40, s18;
	s19 =	sadd.s32 $0x4, s19;
	v19 =	vld [tilespmem:s20+$0xFFFFFFE0];
	v14, _, _ =	vpop (xrf0);
	s21 =	spop (v2sf)  }
0xa7: {  	p0 =	slt.u32 s19, $0x7C;
	v20 =	vld [tilespmem:s20+$0xFFFFFFE1];
	(v2sf) =	vpush v14, $0xF;
	v14, _, _ =	vpop (xrf0);
	s17 =	sadd.s32 s17, s21;
	s21 =	spop (v2sf)  }
.Ltmp6:
0xa8: {  	v15 =	vld [tilespmem:s20+$0xFFFFFFF1];
	(v2sf) =	vpush v14, $0xF;
	v14, _, _ =	vpop (xrf0);
	s17 =	sadd.s32 s21, s17;
	s21 =	spop (v2sf);
	(pc) =	sbr.rel @p0 .LBB2_10-.Ltmp6, $4  }
0xa9: {  	s22 =	sadd.s32 $0x30, s18;
	v16 =	vld [tilespmem:s20+$0x1];
	(v2sf) =	vpush v14, $0xF;
	v18, _, _ =	vpop (xrf0);
	s17 =	sadd.s32 s21, s17;
	s21 =	spop (v2sf)  }
0xaa: {  	s23 =	sadd.s32 $0x10, s18;
	s24 =	sadd.s32 $0x20, s18;
	v21 =	vmov s18;
	v14 =	vmov s22;
	v17 =	vld [tilespmem:s20+$0x2];
	(v2sf) =	vpush v18, $0xF;
	s17 =	sadd.s32 s21, s17  }
0xab: {  	v22 =	vmov s24;
	vm1 =	vlt.u32 v21, v3;
	v21 =	vmov s23;
	v18 =	vld [tilespmem:s20+$0x12]  }
0xac: {  	vm0 =	vlt.u32 v22, v3;
	vm2 =	vlt.u32 v21, v3;
	v20 =	vand.u32 v19, v20;
	v19 =	vld [tilespmem:s20+$0x13];
	s20 =	sadd.s32 $0x40, s20  }
0xad: {  	v12 =	vand.u32 v12, v20;
	v13 =	vand.u32 v13, v15;
	v6 =	vand.u32 v6, v8  }
0xae: {  	v60 =	vand.u32 v9, v12;
	v61 =	vand.u32 v10, v13;
	v62 =	vand.u32 v11, v16  }
0xaf: {  	v8 =	vnsel vm1, $0x0, v60;
	v7 =	vand.u32 v7, v61;
	v63 =	vand.u32 v17, v62  }
0xb0: {  	v7 =	vnsel vm2, $0x0, v7;
	v5 =	vand.u32 v5, v63;
	v6 =	vand.u32 v18, v6;
	(xrf0) =	vadd.scan.msk.s32 $0xffff, v8  }
0xb1: {  	vm15 =	vlt.u32 v14, v3;
	v5 =	vnsel vm0, $0x0, v5;
	v6 =	vand.u32 v19, v6;
	(xrf0) =	vadd.scan.msk.s32 $0xffff, v7  }
0xb2: {  	v6 =	vnsel vm15, $0x0, v6;
	(xrf0) =	vadd.scan.msk.s32 $0xffff, v5  }
0xb3: {  	(xrf0) =	vadd.scan.msk.s32 $0xffff, v6;
	_ =	sdelay $0x2  }
0xb4: {  	v5, _, _ =	vpop (xrf0)  }
0xb5: {  	(v2sf) =	vpush v5, $0xF;
	v5, _, _ =	vpop (xrf0)  }
0xb6: {  	(v2sf) =	vpush v5, $0xF;
	v5, _, _ =	vpop (xrf0)  }
0xb7: {  	(v2sf) =	vpush v5, $0xF;
	v5, _, _ =	vpop (xrf0)  }
0xb8: {  	(v2sf) =	vpush v5, $0xF;
	_ =	sdelay $0x7  }
0xb9: {  	s18 =	spop (v2sf)  }
0xba: {  	s17 =	sadd.s32 s17, s18;
	s24 =	spop (v2sf)  }
0xbb: {  	s17 =	sadd.s32 s24, s17;
	s25 =	spop (v2sf)  }
0xbc: {  	s17 =	sadd.s32 s25, s17;
	s26 =	spop (v2sf)  }
0xbd: {  	s17 =	sadd.s32 s26, s17;
	s28 =	spop (v2sf)  }
0xbe: {  	s17 =	sadd.s32 s17, s28;
	s29 =	spop (v2sf)  }
0xbf: {  	s17 =	sadd.s32 s29, s17;
	s30 =	spop (v2sf)  }
0xc0: {  	s17 =	sadd.s32 s30, s17;
	s31 =	spop (v2sf)  }
0xc1: {  	s17 =	sadd.s32 s31, s17  }
0xc2: {  	p0 =	seq.s32 s17, $0x0  }
.Ltmp7:
0xc3: {  	_ = 	snop;
	(pc) =	sbr.rel @p0 .LBB2_12-.Ltmp7, $2  }
0xc4: {  	_ =	sdelay $0x2  }
0xc5: {  	s18 =	simm.s32 $0x18700;
	s17 =	simm.s32 $0x0  }
0xc6: {  	v5 =	vld [tilespmem:s18+$0x0];
	s20 =	simm.s32 $0x10;
	s19 =	simm.s32 $0x0  }
.LBB2_14:
0xc7: {  	p0 =	sne.s32 s20, $0x7F0;
	_ =	sdelay $0x3  }
0xc8: {  	(xrf1) =	vunique.msk.u32 $0xffff, v5;
	_ =	sdelay $0xd  }
0xc9: {  	_, v6, vm0 =	vpop (xrf1);
	_ =	sdelay $0x2  }
.Ltmp8:
0xca: {  	(pc) =	sbr.rel @p0 .LBB2_14-.Ltmp8, $4  }
0xcb: {  	_ = 	snop  }
0xcc: {  	v6 =	vor.u32 s19, v0;
	s19 =	smov.u32 s20  }
0xcd: {  	s18 =	sadd.s32 $0x10, s18;
	[tilespmem:v5+s17+$0x0] =	vst.idx.msk vm0, v6  }
0xce: {  	s20 =	sadd.s32 $0x10, s20;
	v5 =	vld [tilespmem:s18+$0x0]  }
0xcf: {  	_ =	sdelay $0x3  }
0xd0: {  	(xrf1) =	vunique.msk.u32 $0xffff, v5;
	_ =	sdelay $0xd  }
0xd1: {  	_, v6, vm0 =	vpop (xrf1);
	_ =	sdelay $0x4  }
0xd2: {  	v6 =	vor.u32 s19, v0  }
0xd3: {  	[tilespmem:v5+s17+$0x0] =	vst.idx.msk vm0, v6;
	s17 =	simm.s32 $0x0  }
0xd4: {  	v5 =	vld [tilespmem:s17+$0x18700];
	_ =	sdelay $0x7  }
0xd5: {  	s18 =	simm.s32 $0x10;
	s19 =	simm.s32 $0x80;
	v5 =	vld.idx.msk [tilespmem:v5+s2+$0x0], $0xffff  }
.LBB2_16:
0xd6: {  	p0 =	sne.s32 s19, $0x1FC0;
	v6 =	vld [tilespmem:s18+$0x18700];
	_ =	sdelay $0x3  }
.Ltmp9:
0xd7: {  	(pc) =	sbr.rel @p0 .LBB2_16-.Ltmp9, $2  }
0xd8: {  	[tilespmem:s17+$0x18F00] =	vst v5;
	s17 =	smov.u32 s18;
	_ =	sdelay $0x2  }
0xd9: {  	s18 =	sshra.s32 s19, $0x2;
	s19 =	sadd.s32 $0x40, s19;
	v5 =	vld.idx.msk [tilespmem:v6+s2+$0x0], $0xffff  }
0xda: {  	v6 =	vld [tilespmem:s18+$0x18700];
	_ =	sdelay $0x6  }
0xdb: {  	[tilespmem:s17+$0x18F00] =	vst v5  }
0xdc: {  	v5 =	vld.idx.msk [tilespmem:v6+s2+$0x0], $0xffff;
	_ =	sdelay $0x2  }
0xdd: {  	s31 =	simm.s32 $0x0  }
0xde: {  	v6 =	vor.u32 s31, v0  }
0xdf: {  	vm0 =	vlt.u32 v6, $0x7FD;
	[tilespmem:s18+$0x18F00] =	vst v5  }
0xe0: {  	s17 =	simm.s32 $0x1A000;
	v5 =	vnsel vm0, $0x800, v6;
	[tilespmem:$0x19700] =	vst v4  }
0xe1: {  	s18 =	simm.s32 $0x10;
	[tilespmem:s17+$0x0] =	vst v5  }
.LBB2_18:
0xe2: {  	p0 =	sne.s32 s18, $0x7F0  }
.Ltmp10:
0xe3: {  	_ = 	snop;
	(pc) =	sbr.rel @p0 .LBB2_18-.Ltmp10, $4  }
0xe4: {  	v5 =	vor.u32 s18, v0  }
0xe5: {  	vm0 =	vlt.u32 v5, $0x7FD  }
0xe6: {  	s17 =	sadd.s32 $0x10, s17;
	v5 =	vnsel vm0, $0x800, v5  }
0xe7: {  	s18 =	sadd.s32 $0x10, s18;
	[tilespmem:s17+$0x0] =	vst v5  }
0xe8: {  	s17 =	simm.s32 $0x40;
	s18 =	simm.s32 $0x0  }
.LBB2_20:
0xe9: {  	p0 =	sne.s32 s17, $0x2000;
	[tilespmem:s18+$0x1B100] =	vst v1;
	s18 =	smov.u32 s17;
	s17 =	sadd.s32 $0x40, s17  }
.Ltmp11:
0xea: {  	(pc) =	sbr.rel @p0 .LBB2_20-.Ltmp11, $2  }
0xeb: {  	_ =	sdelay $0x2  }
0xec: {  	s18 =	sshra.s32 s18, $0x2  }
0xed: {  	[tilespmem:s18+$0x1B100] =	vst v1;
	s17 =	simm.s32 $0x0;
	s18 =	simm.s32 $0x0  }
.LBB2_22:
0xee: {  	s19 =	sshra.s32 s18, $0x2  }
0xef: {  	v5 =	vld [tilespmem:s19+$0x1A000];
	_ =	sdelay $0x4  }
0xf0: {  	v5 =	vadd.s32 $0x3, v5;
	_ =	sdelay $0x4  }
0xf1: {  	v5 =	vld.idx.msk [tilespmem:v5+s12+$0x0], $0xffff;
	_ =	sdelay $0x4  }
0xf2: {  	(xrf1) =	vunique.msk.u32 $0xffff, v5;
	_ =	sdelay $0xd  }
0xf3: {  	_, v6, vm0 =	vpop (xrf1)  }
0xf4: {  	p0 =	sne.s32 s18, $0x1FC0  }
.Ltmp12:
0xf5: {  	_ = 	snop;
	(pc) =	sbr.rel @p0 .LBB2_22-.Ltmp12, $2  }
0xf6: {  	_ =	sdelay $0x2  }
0xf7: {  	s18 =	sadd.s32 $0x40, s18;
	[tilespmem:v5+s13+$0x0] =	vst.idx.add.s32.msk vm0, v6  }
0xf8: {  	s20 =	sshra.s32 s17, $0x2  }
0xf9: {  	v5 =	vld [tilespmem:s20+$0x1B100];
	_ =	sdelay $0x4  }
0xfa: {  	(xrf0) =	vadd.scan.msk.s32 $0xffff, v5;
	_ =	sdelay $0x5  }
0xfb: {  	v6, _, _ =	vpop (xrf0)  }
0xfc: {  	(v2sf) =	vpush v6, $0xF  }
0xfd: {  	v5 =	vsub.s32 s17, v5  }
0xfe: {  	s19 =	sadd.s32 $0x40, s17;
	v5 =	vadd.s32 v6, v5  }
0xff: {  	s18 =	sshra.s32 s19, $0x2;
	s19 =	sadd.s32 $0x40, s19;
	[tilespmem:s20+$0x1B100] =	vst v5  }
.LBB2_24:
0x100: {  	p0 =	sne.s32 s19, $0x2000;
	v5 =	vld [tilespmem:s18+$0x1B100];
	_ =	sdelay $0x4  }
0x101: {  	(xrf0) =	vadd.scan.msk.s32 $0xffff, v5;
	_ =	sdelay $0x5  }
.Ltmp13:
0x102: {  	v6, _, _ =	vpop (xrf0);
	s20 =	spop (v2sf);
	(pc) =	sbr.rel @p0 .LBB2_24-.Ltmp13, $4  }
0x103: {  	(v2sf) =	vpush v6, $0xF;
	s17 =	sadd.s32 s17, s20  }
0x104: {  	v5 =	vsub.s32 s17, v5  }
0x105: {  	v5 =	vadd.s32 v6, v5  }
0x106: {  	[tilespmem:s18+$0x1B100] =	vst v5;
	s18 =	sshra.s32 s19, $0x2;
	s19 =	sadd.s32 $0x40, s19  }
0x107: {  	v5 =	vld [tilespmem:s18+$0x1B100];
	_ =	sdelay $0x4  }
0x108: {  	(xrf0) =	vadd.scan.msk.s32 $0xffff, v5;
	_ =	sdelay $0x5  }
0x109: {  	v6, _, _ =	vpop (xrf0)  }
0x10a: {  	(v2sf) =	vpush v6, $0xF;
	_ =	sdelay $0xa  }
0x10b: {  	s19 =	spop (v2sf)  }
0x10c: {  	s17 =	sadd.s32 s17, s19  }
0x10d: {  	v5 =	vsub.s32 s17, v5  }
0x10e: {  	v5 =	vadd.s32 v6, v5  }
0x10f: {  	s17 =	simm.s32 $0x0;
	[tilespmem:s18+$0x1B100] =	vst v5;
	s31 =	spop (v2sf)  }
.LBB2_26:
0x110: {  	s18 =	sshra.s32 s17, $0x2  }
0x111: {  	v5 =	vld [tilespmem:s18+$0x1A000];
	_ =	sdelay $0x4  }
0x112: {  	v6 =	vadd.s32 $0x3, v5;
	_ =	sdelay $0x4  }
0x113: {  	v6 =	vld.idx.msk [tilespmem:v6+s12+$0x0], $0xffff;
	_ =	sdelay $0x4  }
0x114: {  	(xrf1) =	vunique.msk.u32 $0xffff, v6;
	_ =	sdelay $0x9  }
0x115: {  	v7 =	vld.idx.msk [tilespmem:v6+s13+$0x0], $0xffff;
	_ =	sdelay $0x3  }
0x116: {  	_, v8, vm0 =	vpop (xrf1)  }
0x117: {  	v7 =	vadd.s32 v8, v7  }
0x118: {  	v7 =	vadd.s32 $0xFFFFFFFF, v7  }
0x119: {  	p0 =	sne.s32 s17, $0x1FC0  }
.Ltmp14:
0x11a: {  	_ = 	snop;
	(pc) =	sbr.rel @p0 .LBB2_26-.Ltmp14, $3  }
0x11b: {  	_ =	sdelay $0x1  }
0x11c: {  	[tilespmem:v7+s14+$0x0] =	vst.idx.msk $0xffff, v5  }
0x11d: {  	s17 =	sadd.s32 $0x40, s17;
	[tilespmem:v6+s13+$0x0] =	vst.idx.add.s32.msk vm0, v8  }
0x11e: {  	s17 =	simm.s32 $0x40;
	s18 =	simm.s32 $0x0  }
.LBB2_28:
0x11f: {  	p0 =	sne.s32 s17, $0x2000;
	[tilespmem:s18+$0x1B100] =	vst v1;
	s18 =	smov.u32 s17;
	s17 =	sadd.s32 $0x40, s17  }
.Ltmp15:
0x120: {  	(pc) =	sbr.rel @p0 .LBB2_28-.Ltmp15, $2  }
0x121: {  	_ =	sdelay $0x2  }
0x122: {  	s18 =	sshra.s32 s18, $0x2  }
0x123: {  	[tilespmem:s18+$0x1B100] =	vst v1;
	s17 =	simm.s32 $0x0;
	s18 =	simm.s32 $0x0  }
.LBB2_30:
0x124: {  	s19 =	sshra.s32 s18, $0x2  }
0x125: {  	v5 =	vld [tilespmem:s19+$0x1A880];
	_ =	sdelay $0x4  }
0x126: {  	v5 =	vadd.s32 $0x2, v5;
	_ =	sdelay $0x4  }
0x127: {  	v5 =	vld.idx.msk [tilespmem:v5+s12+$0x0], $0xffff;
	_ =	sdelay $0x4  }
0x128: {  	(xrf1) =	vunique.msk.u32 $0xffff, v5;
	_ =	sdelay $0xd  }
0x129: {  	_, v6, vm0 =	vpop (xrf1)  }
0x12a: {  	p0 =	sne.s32 s18, $0x1FC0  }
.Ltmp16:
0x12b: {  	_ = 	snop;
	(pc) =	sbr.rel @p0 .LBB2_30-.Ltmp16, $2  }
0x12c: {  	_ =	sdelay $0x2  }
0x12d: {  	s18 =	sadd.s32 $0x40, s18;
	[tilespmem:v5+s13+$0x0] =	vst.idx.add.s32.msk vm0, v6  }
0x12e: {  	s20 =	sshra.s32 s17, $0x2  }
0x12f: {  	v5 =	vld [tilespmem:s20+$0x1B100];
	_ =	sdelay $0x4  }
0x130: {  	(xrf0) =	vadd.scan.msk.s32 $0xffff, v5;
	_ =	sdelay $0x5  }
0x131: {  	v6, _, _ =	vpop (xrf0)  }
0x132: {  	(v2sf) =	vpush v6, $0xF  }
0x133: {  	v5 =	vsub.s32 s17, v5  }
0x134: {  	s19 =	sadd.s32 $0x40, s17;
	v5 =	vadd.s32 v6, v5  }
0x135: {  	s18 =	sshra.s32 s19, $0x2;
	s19 =	sadd.s32 $0x40, s19;
	[tilespmem:s20+$0x1B100] =	vst v5  }
.LBB2_32:
0x136: {  	p0 =	sne.s32 s19, $0x2000;
	v5 =	vld [tilespmem:s18+$0x1B100];
	_ =	sdelay $0x4  }
0x137: {  	(xrf0) =	vadd.scan.msk.s32 $0xffff, v5;
	_ =	sdelay $0x5  }
.Ltmp17:
0x138: {  	v6, _, _ =	vpop (xrf0);
	s20 =	spop (v2sf);
	(pc) =	sbr.rel @p0 .LBB2_32-.Ltmp17, $4  }
0x139: {  	(v2sf) =	vpush v6, $0xF;
	s17 =	sadd.s32 s17, s20  }
0x13a: {  	v5 =	vsub.s32 s17, v5  }
0x13b: {  	v5 =	vadd.s32 v6, v5  }
0x13c: {  	[tilespmem:s18+$0x1B100] =	vst v5;
	s18 =	sshra.s32 s19, $0x2;
	s19 =	sadd.s32 $0x40, s19  }
0x13d: {  	v5 =	vld [tilespmem:s18+$0x1B100];
	_ =	sdelay $0x4  }
0x13e: {  	(xrf0) =	vadd.scan.msk.s32 $0xffff, v5;
	_ =	sdelay $0x5  }
0x13f: {  	v6, _, _ =	vpop (xrf0)  }
0x140: {  	(v2sf) =	vpush v6, $0xF;
	_ =	sdelay $0xa  }
0x141: {  	s19 =	spop (v2sf)  }
0x142: {  	s17 =	sadd.s32 s17, s19  }
0x143: {  	v5 =	vsub.s32 s17, v5  }
0x144: {  	v5 =	vadd.s32 v6, v5  }
0x145: {  	s17 =	simm.s32 $0x0;
	[tilespmem:s18+$0x1B100] =	vst v5;
	s31 =	spop (v2sf)  }
.LBB2_34:
0x146: {  	s18 =	sshra.s32 s17, $0x2  }
0x147: {  	v5 =	vld [tilespmem:s18+$0x1A880];
	_ =	sdelay $0x4  }
0x148: {  	v6 =	vadd.s32 $0x2, v5;
	_ =	sdelay $0x4  }
0x149: {  	v6 =	vld.idx.msk [tilespmem:v6+s12+$0x0], $0xffff;
	_ =	sdelay $0x4  }
0x14a: {  	(xrf1) =	vunique.msk.u32 $0xffff, v6;
	_ =	sdelay $0x9  }
0x14b: {  	v7 =	vld.idx.msk [tilespmem:v6+s13+$0x0], $0xffff;
	_ =	sdelay $0x3  }
0x14c: {  	_, v8, vm0 =	vpop (xrf1)  }
0x14d: {  	v7 =	vadd.s32 v8, v7  }
0x14e: {  	v7 =	vadd.s32 $0xFFFFFFFF, v7  }
0x14f: {  	p0 =	sne.s32 s17, $0x1FC0  }
.Ltmp18:
0x150: {  	_ = 	snop;
	(pc) =	sbr.rel @p0 .LBB2_34-.Ltmp18, $3  }
0x151: {  	_ =	sdelay $0x1  }
0x152: {  	[tilespmem:v7+s15+$0x0] =	vst.idx.msk $0xffff, v5  }
0x153: {  	s17 =	sadd.s32 $0x40, s17;
	[tilespmem:v6+s13+$0x0] =	vst.idx.add.s32.msk vm0, v8  }
0x154: {  	s17 =	simm.s32 $0x40;
	s18 =	simm.s32 $0x0  }
.LBB2_36:
0x155: {  	p0 =	sne.s32 s17, $0x2000;
	[tilespmem:s18+$0x1B100] =	vst v1;
	s18 =	smov.u32 s17;
	s17 =	sadd.s32 $0x40, s17  }
.Ltmp19:
0x156: {  	(pc) =	sbr.rel @p0 .LBB2_36-.Ltmp19, $2  }
0x157: {  	_ =	sdelay $0x2  }
0x158: {  	s18 =	sshra.s32 s18, $0x2  }
0x159: {  	[tilespmem:s18+$0x1B100] =	vst v1;
	s17 =	simm.s32 $0x0;
	s18 =	simm.s32 $0x0  }
.LBB2_38:
0x15a: {  	s19 =	sshra.s32 s18, $0x2  }
0x15b: {  	v5 =	vld [tilespmem:s19+$0x1A000];
	_ =	sdelay $0x4  }
0x15c: {  	v5 =	vadd.s32 $0x1, v5;
	_ =	sdelay $0x4  }
0x15d: {  	v5 =	vld.idx.msk [tilespmem:v5+s12+$0x0], $0xffff;
	_ =	sdelay $0x4  }
0x15e: {  	(xrf1) =	vunique.msk.u32 $0xffff, v5;
	_ =	sdelay $0xd  }
0x15f: {  	_, v6, vm0 =	vpop (xrf1)  }
0x160: {  	p0 =	sne.s32 s18, $0x1FC0  }
.Ltmp20:
0x161: {  	_ = 	snop;
	(pc) =	sbr.rel @p0 .LBB2_38-.Ltmp20, $2  }
0x162: {  	_ =	sdelay $0x2  }
0x163: {  	s18 =	sadd.s32 $0x40, s18;
	[tilespmem:v5+s13+$0x0] =	vst.idx.add.s32.msk vm0, v6  }
0x164: {  	s20 =	sshra.s32 s17, $0x2  }
0x165: {  	v5 =	vld [tilespmem:s20+$0x1B100];
	_ =	sdelay $0x4  }
0x166: {  	(xrf0) =	vadd.scan.msk.s32 $0xffff, v5;
	_ =	sdelay $0x5  }
0x167: {  	v6, _, _ =	vpop (xrf0)  }
0x168: {  	(v2sf) =	vpush v6, $0xF  }
0x169: {  	v5 =	vsub.s32 s17, v5  }
0x16a: {  	s19 =	sadd.s32 $0x40, s17;
	v5 =	vadd.s32 v6, v5  }
0x16b: {  	s18 =	sshra.s32 s19, $0x2;
	s19 =	sadd.s32 $0x40, s19;
	[tilespmem:s20+$0x1B100] =	vst v5  }
.LBB2_40:
0x16c: {  	p0 =	sne.s32 s19, $0x2000;
	v5 =	vld [tilespmem:s18+$0x1B100];
	_ =	sdelay $0x4  }
0x16d: {  	(xrf0) =	vadd.scan.msk.s32 $0xffff, v5;
	_ =	sdelay $0x5  }
.Ltmp21:
0x16e: {  	v6, _, _ =	vpop (xrf0);
	s20 =	spop (v2sf);
	(pc) =	sbr.rel @p0 .LBB2_40-.Ltmp21, $4  }
0x16f: {  	(v2sf) =	vpush v6, $0xF;
	s17 =	sadd.s32 s17, s20  }
0x170: {  	v5 =	vsub.s32 s17, v5  }
0x171: {  	v5 =	vadd.s32 v6, v5  }
0x172: {  	[tilespmem:s18+$0x1B100] =	vst v5;
	s18 =	sshra.s32 s19, $0x2;
	s19 =	sadd.s32 $0x40, s19  }
0x173: {  	v5 =	vld [tilespmem:s18+$0x1B100];
	_ =	sdelay $0x4  }
0x174: {  	(xrf0) =	vadd.scan.msk.s32 $0xffff, v5;
	_ =	sdelay $0x5  }
0x175: {  	v6, _, _ =	vpop (xrf0)  }
0x176: {  	(v2sf) =	vpush v6, $0xF;
	_ =	sdelay $0xa  }
0x177: {  	s19 =	spop (v2sf)  }
0x178: {  	s17 =	sadd.s32 s17, s19  }
0x179: {  	v5 =	vsub.s32 s17, v5  }
0x17a: {  	v5 =	vadd.s32 v6, v5  }
0x17b: {  	s17 =	simm.s32 $0x0;
	[tilespmem:s18+$0x1B100] =	vst v5;
	s31 =	spop (v2sf)  }
.LBB2_42:
0x17c: {  	s18 =	sshra.s32 s17, $0x2  }
0x17d: {  	v5 =	vld [tilespmem:s18+$0x1A000];
	_ =	sdelay $0x4  }
0x17e: {  	v6 =	vadd.s32 $0x1, v5;
	_ =	sdelay $0x4  }
0x17f: {  	v6 =	vld.idx.msk [tilespmem:v6+s12+$0x0], $0xffff;
	_ =	sdelay $0x4  }
0x180: {  	(xrf1) =	vunique.msk.u32 $0xffff, v6;
	_ =	sdelay $0x9  }
0x181: {  	v7 =	vld.idx.msk [tilespmem:v6+s13+$0x0], $0xffff;
	_ =	sdelay $0x3  }
0x182: {  	_, v8, vm0 =	vpop (xrf1)  }
0x183: {  	v7 =	vadd.s32 v8, v7  }
0x184: {  	v7 =	vadd.s32 $0xFFFFFFFF, v7  }
0x185: {  	p0 =	sne.s32 s17, $0x1FC0  }
.Ltmp22:
0x186: {  	_ = 	snop;
	(pc) =	sbr.rel @p0 .LBB2_42-.Ltmp22, $3  }
0x187: {  	_ =	sdelay $0x1  }
0x188: {  	[tilespmem:v7+s14+$0x0] =	vst.idx.msk $0xffff, v5  }
0x189: {  	s17 =	sadd.s32 $0x40, s17;
	[tilespmem:v6+s13+$0x0] =	vst.idx.add.s32.msk vm0, v8  }
0x18a: {  	s17 =	simm.s32 $0x40;
	s18 =	simm.s32 $0x0  }
.LBB2_44:
0x18b: {  	p0 =	sne.s32 s17, $0x2000;
	[tilespmem:s18+$0x1B100] =	vst v1;
	s18 =	smov.u32 s17;
	s17 =	sadd.s32 $0x40, s17  }
.Ltmp23:
0x18c: {  	(pc) =	sbr.rel @p0 .LBB2_44-.Ltmp23, $2  }
0x18d: {  	_ =	sdelay $0x2  }
0x18e: {  	s18 =	sshra.s32 s18, $0x2  }
0x18f: {  	[tilespmem:s18+$0x1B100] =	vst v1;
	s17 =	simm.s32 $0x0;
	s18 =	simm.s32 $0x0  }
.LBB2_46:
0x190: {  	s19 =	sshra.s32 s18, $0x2  }
0x191: {  	v5 =	vld [tilespmem:s19+$0x1A880];
	_ =	sdelay $0x7  }
0x192: {  	v5 =	vld.idx.msk [tilespmem:v5+s12+$0x0], $0xffff;
	_ =	sdelay $0x4  }
0x193: {  	(xrf1) =	vunique.msk.u32 $0xffff, v5;
	_ =	sdelay $0xd  }
0x194: {  	_, v6, vm0 =	vpop (xrf1)  }
0x195: {  	p0 =	sne.s32 s18, $0x1FC0  }
.Ltmp24:
0x196: {  	_ = 	snop;
	(pc) =	sbr.rel @p0 .LBB2_46-.Ltmp24, $2  }
0x197: {  	_ =	sdelay $0x2  }
0x198: {  	s18 =	sadd.s32 $0x40, s18;
	[tilespmem:v5+s13+$0x0] =	vst.idx.add.s32.msk vm0, v6  }
0x199: {  	s20 =	sshra.s32 s17, $0x2  }
0x19a: {  	v5 =	vld [tilespmem:s20+$0x1B100];
	_ =	sdelay $0x4  }
0x19b: {  	(xrf0) =	vadd.scan.msk.s32 $0xffff, v5;
	_ =	sdelay $0x5  }
0x19c: {  	v6, _, _ =	vpop (xrf0)  }
0x19d: {  	(v2sf) =	vpush v6, $0xF  }
0x19e: {  	v5 =	vsub.s32 s17, v5  }
0x19f: {  	s19 =	sadd.s32 $0x40, s17;
	v5 =	vadd.s32 v6, v5  }
0x1a0: {  	s18 =	sshra.s32 s19, $0x2;
	s19 =	sadd.s32 $0x40, s19;
	[tilespmem:s20+$0x1B100] =	vst v5  }
.LBB2_48:
0x1a1: {  	p0 =	sne.s32 s19, $0x2000;
	v5 =	vld [tilespmem:s18+$0x1B100];
	_ =	sdelay $0x4  }
0x1a2: {  	(xrf0) =	vadd.scan.msk.s32 $0xffff, v5;
	_ =	sdelay $0x5  }
.Ltmp25:
0x1a3: {  	v6, _, _ =	vpop (xrf0);
	s20 =	spop (v2sf);
	(pc) =	sbr.rel @p0 .LBB2_48-.Ltmp25, $4  }
0x1a4: {  	(v2sf) =	vpush v6, $0xF;
	s17 =	sadd.s32 s17, s20  }
0x1a5: {  	v5 =	vsub.s32 s17, v5  }
0x1a6: {  	v5 =	vadd.s32 v6, v5  }
0x1a7: {  	[tilespmem:s18+$0x1B100] =	vst v5;
	s18 =	sshra.s32 s19, $0x2;
	s19 =	sadd.s32 $0x40, s19  }
0x1a8: {  	v5 =	vld [tilespmem:s18+$0x1B100];
	_ =	sdelay $0x4  }
0x1a9: {  	(xrf0) =	vadd.scan.msk.s32 $0xffff, v5;
	_ =	sdelay $0x5  }
0x1aa: {  	v6, _, _ =	vpop (xrf0)  }
0x1ab: {  	(v2sf) =	vpush v6, $0xF;
	_ =	sdelay $0xa  }
0x1ac: {  	s19 =	spop (v2sf)  }
0x1ad: {  	s17 =	sadd.s32 s17, s19  }
0x1ae: {  	v5 =	vsub.s32 s17, v5  }
0x1af: {  	v5 =	vadd.s32 v6, v5  }
0x1b0: {  	s17 =	simm.s32 $0x0;
	[tilespmem:s18+$0x1B100] =	vst v5;
	s31 =	spop (v2sf)  }
.LBB2_50:
0x1b1: {  	s18 =	sshra.s32 s17, $0x2  }
0x1b2: {  	v5 =	vld [tilespmem:s18+$0x1A880];
	_ =	sdelay $0x7  }
0x1b3: {  	v6 =	vld.idx.msk [tilespmem:v5+s12+$0x0], $0xffff;
	_ =	sdelay $0x4  }
0x1b4: {  	(xrf1) =	vunique.msk.u32 $0xffff, v6;
	_ =	sdelay $0x9  }
0x1b5: {  	v7 =	vld.idx.msk [tilespmem:v6+s13+$0x0], $0xffff;
	_ =	sdelay $0x3  }
0x1b6: {  	_, v8, vm0 =	vpop (xrf1)  }
0x1b7: {  	v7 =	vadd.s32 v8, v7  }
0x1b8: {  	v7 =	vadd.s32 $0xFFFFFFFF, v7  }
0x1b9: {  	p0 =	sne.s32 s17, $0x1FC0  }
.Ltmp26:
0x1ba: {  	_ = 	snop;
	(pc) =	sbr.rel @p0 .LBB2_50-.Ltmp26, $3  }
0x1bb: {  	_ =	sdelay $0x1  }
0x1bc: {  	[tilespmem:v7+s15+$0x0] =	vst.idx.msk $0xffff, v5  }
0x1bd: {  	s17 =	sadd.s32 $0x40, s17;
	[tilespmem:v6+s13+$0x0] =	vst.idx.add.s32.msk vm0, v8  }
0x1be: {  	[tilespmem:$0x1A800] =	vst v4;
	s17 =	simm.s32 $0x0  }
0x1bf: {  	v5 =	vld [tilespmem:s17+$0x1A000]  }
0x1c0: {  	v6 =	vld [tilespmem:s17+$0x1A001];
	_ =	sdelay $0x3  }
0x1c1: {  	s30 =	simm.s32 $0x10;
	v7 =	vadd.s32 $0x3, v5  }
0x1c2: {  	v8 =	vld [tilespmem:s30+$0x1A000];
	v9 =	vadd.s32 $0x2, v5  }
0x1c3: {  	v12 =	vld [tilespmem:s30+$0x1A001];
	v10 =	vadd.s32 $0x1, v5  }
0x1c4: {  	v11 =	vadd.s32 $0x1, v6;
	v5 =	vld.idx.msk [tilespmem:v5+s12+$0x0], $0xffff  }
0x1c5: {  	v14 =	vadd.s32 $0x2, v6;
	v13 =	vld.idx.msk [tilespmem:v6+s12+$0x0], $0xffff  }
0x1c6: {  	v6 =	vadd.s32 $0x3, v6;
	v15 =	vld.idx.msk [tilespmem:v7+s12+$0x0], $0xffff  }
0x1c7: {  	v7 =	vld.idx.msk [tilespmem:v9+s12+$0x0], $0xffff  }
0x1c8: {  	v16 =	vld.idx.msk [tilespmem:v10+s12+$0x0], $0xffff  }
0x1c9: {  	v17 =	vld.idx.msk [tilespmem:v11+s12+$0x0], $0xffff  }
0x1ca: {  	v18 =	vadd.s32 $0x3, v8;
	v14 =	vld.idx.msk [tilespmem:v14+s12+$0x0], $0xffff  }
0x1cb: {  	s31 =	simm.s32 $0x20;
	v19 =	vld.idx.msk [tilespmem:v6+s12+$0x0], $0xffff  }
0x1cc: {  	v20 =	vadd.s32 $0x2, v8;
	v11 =	vld [tilespmem:s31+$0x1A000]  }
0x1cd: {  	v21 =	vadd.s32 $0x1, v8;
	v10 =	vld [tilespmem:s31+$0x1A001]  }
0x1ce: {  	v9 =	vld.idx.msk [tilespmem:v8+s12+$0x0], $0xffff;
	vm0 =	vne.s32 v5, v13;
	v13 =	vadd.s32 $0x1, v12;
	vm1 =	vne.s32 v16, v17  }
0x1cf: {  	v8 =	vld.idx.msk [tilespmem:v18+s12+$0x0], $0xffff;
	vm0 =	vmor vm0, vm1;
	vm1 =	vne.s32 v7, v14;
	v14 =	vadd.s32 $0x2, v12  }
0x1d0: {  	v6 =	vld.idx.msk [tilespmem:v12+s12+$0x0], $0xffff;
	vm0 =	vmor vm0, vm1;
	vm1 =	vne.s32 v15, v19;
	v15 =	vadd.s32 $0x3, v12  }
0x1d1: {  	v7 =	vld.idx.msk [tilespmem:v20+s12+$0x0], $0xffff  }
0x1d2: {  	s17 =	simm.s32 $0xC0;
	v5 =	vimm.s32 $0x0;
	v12 =	vld.idx.msk [tilespmem:v21+s12+$0x0], $0xffff;
	vm0 =	vmor vm0, vm1  }
.LBB2_52:
0x1d3: {  	p0 =	sne.s32 s17, $0x1FC0;
	v16 =	vld.idx.msk [tilespmem:v13+s12+$0x0], $0xffff;
	v13 =	vmpcnt.ones.xlane vm0  }
0x1d4: {  	v18 =	vmov v9;
	v17 =	vld.idx.msk [tilespmem:v14+s12+$0x0], $0xffff  }
0x1d5: {  	s18 =	sshra.s32 s17, $0x2;
	v19 =	vadd.s32 $0x3, v11;
	v20 =	vld.idx.msk [tilespmem:v15+s12+$0x0], $0xffff;
	v5 =	vadd.s32 v5, v13  }
0x1d6: {  	v22 =	vadd.s32 $0x2, v11;
	v23 =	vmov v8;
	v21 =	vld [tilespmem:s18+$0x1A000]  }
0x1d7: {  	v25 =	vadd.s32 $0x1, v11;
	v24 =	vld [tilespmem:s18+$0x1A001]  }
.Ltmp27:
0x1d8: {  	v13 =	vadd.s32 $0x1, v10;
	v9 =	vld.idx.msk [tilespmem:v11+s12+$0x0], $0xffff;
	(pc) =	sbr.rel @p0 .LBB2_52-.Ltmp27, $4  }
0x1d9: {  	v14 =	vadd.s32 $0x2, v10;
	vm0 =	vne.s32 v18, v6;
	vm1 =	vne.s32 v12, v16;
	v6 =	vld.idx.msk [tilespmem:v10+s12+$0x0], $0xffff  }
0x1da: {  	v15 =	vadd.s32 $0x3, v10;
	vm0 =	vmor vm0, vm1;
	vm1 =	vne.s32 v7, v17;
	v8 =	vld.idx.msk [tilespmem:v19+s12+$0x0], $0xffff  }
0x1db: {  	vm0 =	vmor vm0, vm1;
	vm1 =	vne.s32 v23, v20;
	v7 =	vld.idx.msk [tilespmem:v22+s12+$0x0], $0xffff;
	v11 =	vmov v21  }
0x1dc: {  	s17 =	sadd.s32 $0x40, s17;
	vm0 =	vmor vm0, vm1;
	v12 =	vld.idx.msk [tilespmem:v25+s12+$0x0], $0xffff;
	v10 =	vmov v24  }
0x1dd: {  	_ =	sdelay $0x3  }
0x1de: {  	v13 =	vld.idx.msk [tilespmem:v13+s12+$0x0], $0xffff;
	v16 =	vadd.s32 $0x3, v11  }
0x1df: {  	v14 =	vld.idx.msk [tilespmem:v14+s12+$0x0], $0xffff;
	v17 =	vadd.s32 $0x2, v11  }
0x1e0: {  	v15 =	vld.idx.msk [tilespmem:v15+s12+$0x0], $0xffff;
	v18 =	vadd.s32 $0x1, v11  }
0x1e1: {  	v62 =	vld.idx.msk [tilespmem:v11+s12+$0x0], $0xffff;
	v19 =	vadd.s32 $0x1, v10  }
0x1e2: {  	v20 =	vld.idx.msk [tilespmem:v10+s12+$0x0], $0xffff;
	v21 =	vadd.s32 $0x2, v10  }
0x1e3: {  	v63 =	vadd.s32 $0x3, v10;
	v16 =	vld.idx.msk [tilespmem:v16+s12+$0x0], $0xffff  }
0x1e4: {  	v17 =	vld.idx.msk [tilespmem:v17+s12+$0x0], $0xffff  }
0x1e5: {  	v18 =	vld.idx.msk [tilespmem:v18+s12+$0x0], $0xffff  }
0x1e6: {  	v19 =	vld.idx.msk [tilespmem:v19+s12+$0x0], $0xffff  }
0x1e7: {  	v21 =	vld.idx.msk [tilespmem:v21+s12+$0x0], $0xffff  }
0x1e8: {  	v10 =	vld.idx.msk [tilespmem:v63+s12+$0x0], $0xffff  }
0x1e9: {  	vm1 =	vne.s32 v9, v6;
	v6 =	vmpcnt.ones.xlane vm0  }
0x1ea: {  	vm2 =	vne.s32 v12, v13;
	vm10 =	vne.s32 v7, v14;
	vm11 =	vne.s32 v62, v20  }
0x1eb: {  	vm3 =	vne.s32 v8, v15;
	vm9 =	vmor vm1, vm2;
	vm12 =	vne.s32 v18, v19  }
0x1ec: {  	vm0 =	vmor vm9, vm10;
	vm13 =	vne.s32 v17, v21;
	vm1 =	vmor vm11, vm12  }
.Ltmp28:
0x1ed: {  	vm0 =	vmor vm0, vm3;
	vm14 =	vne.s32 v16, v10;
	vm1 =	vmor vm1, vm13;
	(pc) =	sbr.rel .LBB2_54-.Ltmp28, $4  }
0x1ee: {  	v7 =	vmpcnt.ones.xlane vm0;
	vm15 =	vmor vm1, vm14  }
0x1ef: {  	v5 =	vadd.s32 v5, v6;
	v6 =	vmpcnt.ones.xlane vm15  }
0x1f0: {  	v5 =	vadd.s32 v5, v7  }
0x1f1: {  	v5 =	vadd.s32 v5, v6  }
.LBB2_12:
0x1f2: {  	v5 =	vimm.s32 $0x7FD  }
.LBB2_54:
0x1f3: {  	[tilespmem:$0x1B980] =	vst v5;
	s17 =	simm.s32 $0x0  }
0x1f4: {  	[hbm4b:s4+s17] =	stream.linear.scatter [tilespmem:s11], [sflag:$0x1], $0x80, $0x38;
	[tilespmem:$0x1BA00] =	vst v63  }
0x1f5: {  	_ =	swait.ge [sflag:s10], $0x80  }
0x1f6: {  	[sflag:s10] =	ssyncset.done $0x0  }
0x1f7: {  	s18 =	simm.s32 $0x18700;
	[sflag:s10] =	ssyncadd.s32 $0xFFFFFF80  }
0x1f8: {  	[tilespmem:s18], [sflag:$0x1] =	stream.strided.gather [hbm4b:s5+s8], $0x800, s9, s8, $0x38;
	[tilespmem:$0x1BA00] =	vst v63  }
0x1f9: {  	_ =	swait.ge [sflag:s10], $0x800  }
0x1fa: {  	[sflag:s10] =	ssyncset.done $0x0  }
0x1fb: {  	s19 =	simm.s32 $0x0;
	[sflag:s10] =	ssyncadd.s32 $0xFFFFF800  }
.LBB2_55:
0x1fc: {  	v5 =	vld [tilespmem:s18+$0x0];
	_ =	sdelay $0x4  }
0x1fd: {  	(xrf1) =	vunique.msk.u32 $0xffff, v5;
	_ =	sdelay $0xd  }
0x1fe: {  	_, v6, vm0 =	vpop (xrf1)  }
0x1ff: {  	p0 =	sne.s32 s19, $0x7F0  }
.Ltmp29:
0x200: {  	_ = 	snop;
	(pc) =	sbr.rel @p0 .LBB2_55-.Ltmp29, $3  }
0x201: {  	_ =	sdelay $0x1  }
0x202: {  	v6 =	vor.u32 s19, v0  }
0x203: {  	s18 =	sadd.s32 $0x10, s18;
	s19 =	sadd.s32 $0x10, s19;
	[tilespmem:v5+s17+$0x0] =	vst.idx.msk vm0, v6  }
0x204: {  	s18 =	simm.s32 $0x18720  }
0x205: {  	v5 =	vld [tilespmem:s18+$0x10];
	_ =	sdelay $0x3  }
0x206: {  	v7 =	vld [tilespmem:s18+$0xFFFFFFE0]  }
0x207: {  	v8 =	vld [tilespmem:s18+$0xFFFFFFF0]  }
0x208: {  	s30 =	simm.s32 $0x18760;
	v10 =	vld [tilespmem:s18+$0x0]  }
0x209: {  	v15 =	vld [tilespmem:s30+$0x10]  }
0x20a: {  	v9 =	vld.idx.msk [tilespmem:v5+s2+$0x0], $0xffff  }
0x20b: {  	v6 =	vld [tilespmem:s30+$0xFFFFFFF0]  }
0x20c: {  	v13 =	vld [tilespmem:s30+$0xFFFFFFE0]  }
0x20d: {  	s31 =	simm.s32 $0x30;
	v5 =	vld [tilespmem:s30+$0x0]  }
0x20e: {  	v12 =	vld.idx.msk [tilespmem:v7+s2+$0x0], $0xffff;
	v7 =	vor.u32 s31, v0  }
0x20f: {  	s20 =	simm.s32 $0x10;
	v11 =	vld.idx.msk [tilespmem:v8+s2+$0x0], $0xffff;
	vm0 =	vne.s32 v9, v7  }
0x210: {  	s21 =	simm.s32 $0x20;
	s18 =	simm.s32 $0x197A0;
	v14 =	vor.u32 s20, v0;
	v8 =	vld.idx.msk [tilespmem:v10+s2+$0x0], $0xffff;
	v10 =	vsel vm0, $0x1, v1  }
0x211: {  	s19 =	simm.s32 $0x4;
	s20 =	simm.s32 $0x187A0;
	v9 =	vor.u32 s17, v0;
	v7 =	vor.u32 s21, v0;
	[tilespmem:s18+$0x10] =	vst v10;
	v10 =	vld.idx.msk [tilespmem:v15+s2+$0x0], $0xffff  }
.LBB2_57:
0x212: {  	v15 =	vld [tilespmem:s20+$0x10];
	s19 =	sadd.s32 $0x4, s19  }
0x213: {  	vm0 =	vne.s32 v12, v9;
	v16 =	vld [tilespmem:s20+$0xFFFFFFF0];
	p0 =	slt.u32 s19, $0x7C  }
0x214: {  	s17 =	sadd.s32 $0x40, s17;
	v12 =	vsel vm0, $0x1, v1;
	vm0 =	vne.s32 v11, v14;
	v17 =	vld [tilespmem:s20+$0x0]  }
0x215: {  	v9 =	vor.u32 s17, v0;
	s21 =	sadd.s32 $0x10, s17;
	s22 =	sadd.s32 $0x20, s17;
	s23 =	sadd.s32 $0x30, s17;
	v19 =	vsel vm0, $0x1, v1;
	vm0 =	vne.s32 v8, v7;
	v18 =	vld [tilespmem:s20+$0xFFFFFFE0];
	[tilespmem:s18+$0xFFFFFFE0] =	vst v12  }
.Ltmp30:
0x216: {  	v14 =	vor.u32 s21, v0;
	v7 =	vor.u32 s22, v0;
	v8 =	vor.u32 s23, v0;
	v12 =	vld.idx.msk [tilespmem:v13+s2+$0x0], $0xffff;
	(pc) =	sbr.rel @p0 .LBB2_57-.Ltmp30, $4  }
0x217: {  	vm1 =	vne.s32 v10, v8;
	v10 =	vsel vm0, $0x1, v1;
	v11 =	vld.idx.msk [tilespmem:v6+s2+$0x0], $0xffff;
	[tilespmem:s18+$0xFFFFFFF0] =	vst v19  }
0x218: {  	v19 =	vsel vm1, $0x1, v1;
	v8 =	vld.idx.msk [tilespmem:v5+s2+$0x0], $0xffff;
	[tilespmem:s18+$0x0] =	vst v10;
	s18 =	sadd.s32 $0x40, s18;
	v6 =	vmov v16  }
0x219: {  	[tilespmem:s18+$0x10] =	vst v19;
	v5 =	vmov v17  }
0x21a: {  	s20 =	sadd.s32 $0x40, s20;
	v10 =	vld.idx.msk [tilespmem:v15+s2+$0x0], $0xffff;
	v13 =	vmov v18  }
0x21b: {  	_ =	sdelay $0x3  }
0x21c: {  	v13 =	vld.idx.msk [tilespmem:v13+s2+$0x0], $0xffff  }
0x21d: {  	vm0 =	vne.s32 v12, v9;
	s17 =	sadd.s32 $0x40, s17;
	v6 =	vld.idx.msk [tilespmem:v6+s2+$0x0], $0xffff  }
0x21e: {  	v5 =	vld.idx.msk [tilespmem:v5+s2+$0x0], $0xffff;
	v9 =	vsel vm0, $0x1, v1;
	vm11 =	vne.s32 v11, v14;
	s19 =	sadd.s32 $0x30, s17  }
0x21f: {  	[tilespmem:s18+$0xFFFFFFE0] =	vst v9;
	v61 =	vsel vm11, $0x1, v1;
	vm12 =	vne.s32 v8, v7;
	v7 =	vor.u32 s19, v0  }
0x220: {  	v62 =	vor.u32 s17, v0;
	s31 =	sadd.s32 $0x10, s17;
	[tilespmem:s18+$0xFFFFFFF0] =	vst v61;
	vm1 =	vne.s32 v10, v7;
	v7 =	vsel vm12, $0x1, v1  }
0x221: {  	s20 =	sadd.s32 $0x40, s18;
	s17 =	sadd.s32 $0x20, s17;
	v63 =	vor.u32 s31, v0;
	v10 =	vsel vm1, $0x1, v1;
	[tilespmem:s18+$0x0] =	vst v7;
	vm13 =	vne.s32 v13, v62  }
0x222: {  	v7 =	vor.u32 s17, v0;
	vm14 =	vne.s32 v6, v63;
	[tilespmem:s20+$0x10] =	vst v10;
	v8 =	vsel vm13, $0x1, v1  }
0x223: {  	v6 =	vsel vm14, $0x1, v1;
	vm15 =	vne.s32 v5, v7;
	[tilespmem:s20+$0xFFFFFFE0] =	vst v8  }
0x224: {  	[tilespmem:s20+$0xFFFFFFF0] =	vst v6;
	v5 =	vsel vm15, $0x1, v1  }
0x225: {  	s19 =	simm.s32 $0x18EF0;
	s18 =	simm.s32 $0x7F0;
	[tilespmem:s20+$0x0] =	vst v5  }
.LBB2_59:
0x226: {  	v5 =	vld [tilespmem:s19+$0x0];
	_ =	sdelay $0x4  }
0x227: {  	v5 =	vperm.xlane v5, v2;
	_ =	sdelay $0x1  }
0x228: {  	(xrf1) =	vunique.msk.u32 $0xffff, v5;
	_ =	sdelay $0xd  }
0x229: {  	_, v6, vm0 =	vpop (xrf1)  }
0x22a: {  	p0 =	sne.s32 s18, $0x0  }
.Ltmp31:
0x22b: {  	_ = 	snop;
	(pc) =	sbr.rel @p0 .LBB2_59-.Ltmp31, $3  }
0x22c: {  	_ =	sdelay $0x1  }
0x22d: {  	s17 =	simm.s32 $0x0;
	v6 =	vor.u32 s18, v2  }
0x22e: {  	s19 =	sadd.s32 $0xFFFFFFF0, s19;
	s18 =	sadd.s32 $0xFFFFFFF0, s18;
	[tilespmem:v5+s17+$0x0] =	vst.idx.msk vm0, v6  }
0x22f: {  	s18 =	simm.s32 $0x18720  }
0x230: {  	v5 =	vld [tilespmem:s18+$0x10]  }
0x231: {  	v6 =	vld [tilespmem:s18+$0xFFFFFFF0]  }
0x232: {  	v7 =	vld [tilespmem:s18+$0x0]  }
0x233: {  	s19 =	simm.s32 $0x18760;
	v8 =	vld [tilespmem:s18+$0xFFFFFFE0]  }
0x234: {  	v13 =	vld [tilespmem:s19+$0x10]  }
0x235: {  	v14 =	vld [tilespmem:s19+$0xFFFFFFF0]  }
0x236: {  	s18 =	simm.s32 $0x197A0;
	v15 =	vld [tilespmem:s19+$0x0]  }
0x237: {  	v12 =	vld [tilespmem:s18+$0x10]  }
0x238: {  	v9 =	vld [tilespmem:s18+$0xFFFFFFE0]  }
0x239: {  	v17 =	vld [tilespmem:s18+$0xFFFFFFF0]  }
0x23a: {  	v10 =	vld.idx.msk [tilespmem:v5+s17+$0x0], $0xffff  }
0x23b: {  	v6 =	vld.idx.msk [tilespmem:v6+s17+$0x0], $0xffff  }
0x23c: {  	v7 =	vld.idx.msk [tilespmem:v7+s17+$0x0], $0xffff  }
0x23d: {  	v16 =	vld.idx.msk [tilespmem:v8+s17+$0x0], $0xffff  }
0x23e: {  	s20 =	simm.s32 $0x30;
	v5 =	vld [tilespmem:s19+$0xFFFFFFE0];
	s19 =	simm.s32 $0x10  }
0x23f: {  	s21 =	simm.s32 $0x20;
	v18 =	vor.u32 s20, v0;
	v11 =	vld [tilespmem:s18+$0x0];
	v8 =	vor.u32 s19, v0  }
0x240: {  	vm0 =	vne.s32 v10, v18;
	vm1 =	vne.s32 v6, v8;
	v6 =	vor.u32 s21, v0;
	v8 =	vld.idx.msk [tilespmem:v13+s17+$0x0], $0xffff  }
0x241: {  	v13 =	vor.u32 s17, v0;
	v10 =	vsel vm0, $0x1, v1;
	vm14 =	vne.s32 v7, v6;
	v7 =	vld.idx.msk [tilespmem:v14+s17+$0x0], $0xffff  }
0x242: {  	s25 =	simm.s32 $0x4;
	s22 =	simm.s32 $0x197E0;
	v63 =	vsel vm1, $0x1, v1;
	v6 =	vld.idx.msk [tilespmem:v15+s17+$0x0], $0xffff;
	vm15 =	vne.s32 v16, v13;
	v10 =	vor.u32 v10, v12  }
0x243: {  	s26 =	simm.s32 $0x187A0;
	s24 =	simm.s32 $0x40;
	s23 =	simm.s32 $0x197A0;
	v12 =	vsel vm14, $0x1, v1;
	v14 =	vsel vm15, $0x1, v1;
	v13 =	vor.u32 v63, v17;
	[tilespmem:s18+$0x10] =	vst v10;
	v10 =	vld [tilespmem:s22+$0x10]  }
.LBB2_61:
0x244: {  	v15 =	vld [tilespmem:s26+$0x10];
	s25 =	sadd.s32 $0x4, s25;
	v16 =	vor.u32 s24, v0;
	s28 =	sadd.s32 $0x10, s24;
	s29 =	sadd.s32 $0x30, s24;
	v9 =	vor.u32 v14, v9;
	[tilespmem:s23+$0xFFFFFFF0] =	vst v13;
	v11 =	vor.u32 v12, v11  }
0x245: {  	v13 =	vld [tilespmem:s26+$0xFFFFFFF0];
	p0 =	slt.u32 s25, $0x7C;
	v12 =	vor.u32 s28, v0;
	s28 =	sadd.s32 $0x20, s24;
	v14 =	vor.u32 s29, v0;
	[tilespmem:s23+$0xFFFFFFE0] =	vst v9  }
0x246: {  	v17 =	vld [tilespmem:s26+$0x0];
	v9 =	vor.u32 s28, v0;
	vm0 =	vne.s32 v8, v14;
	[tilespmem:s23+$0x0] =	vst v11;
	s23 =	smov.u32 s22  }
0x247: {  	vm1 =	vne.s32 v7, v12;
	v14 =	vld [tilespmem:s26+$0xFFFFFFE0];
	v7 =	vsel vm0, $0x1, v1  }
0x248: {  	v19 =	vsel vm1, $0x1, v1;
	vm0 =	vne.s32 v6, v9;
	v18 =	vld.idx.msk [tilespmem:v5+s17+$0x0], $0xffff;
	v5 =	vor.u32 v7, v10  }
0x249: {  	v12 =	vsel vm0, $0x1, v1;
	v9 =	vld [tilespmem:s22+$0xFFFFFFE0];
	[tilespmem:s22+$0x10] =	vst v5  }
0x24a: {  	v20 =	vld [tilespmem:s22+$0xFFFFFFF0]  }
.Ltmp32:
0x24b: {  	v11 =	vld [tilespmem:s22+$0x0];
	(pc) =	sbr.rel @p0 .LBB2_61-.Ltmp32, $4  }
0x24c: {  	v8 =	vld.idx.msk [tilespmem:v15+s17+$0x0], $0xffff;
	v5 =	vmov v14  }
0x24d: {  	v7 =	vld.idx.msk [tilespmem:v13+s17+$0x0], $0xffff  }
0x24e: {  	s22 =	sadd.s32 $0x40, s22;
	vm0 =	vne.s32 v18, v16;
	v6 =	vld.idx.msk [tilespmem:v17+s17+$0x0], $0xffff  }
0x24f: {  	s24 =	sadd.s32 $0x40, s24;
	s26 =	sadd.s32 $0x40, s26;
	v14 =	vsel vm0, $0x1, v1;
	v10 =	vld [tilespmem:s22+$0x10];
	v13 =	vor.u32 v19, v20  }
0x250: {  	_ =	sdelay $0x3  }
0x251: {  	v5 =	vld.idx.msk [tilespmem:v5+s17+$0x0], $0xffff  }
0x252: {  	s25 =	sadd.s32 $0x30, s24;
	v15 =	vld [tilespmem:s22+$0xFFFFFFF0]  }
0x253: {  	v16 =	vor.u32 s24, v0;
	s26 =	sadd.s32 $0x10, s24;
	v9 =	vor.u32 v14, v9;
	v17 =	vld [tilespmem:s22+$0xFFFFFFE0];
	v14 =	vor.u32 s25, v0  }
0x254: {  	[tilespmem:s23+$0xFFFFFFF0] =	vst v13;
	v11 =	vor.u32 v12, v11;
	v12 =	vor.u32 s26, v0;
	s26 =	sadd.s32 $0x20, s24;
	vm0 =	vne.s32 v8, v14;
	v8 =	vld [tilespmem:s22+$0x0]  }
0x255: {  	[tilespmem:s23+$0xFFFFFFE0] =	vst v9;
	v9 =	vor.u32 s26, v0;
	vm1 =	vne.s32 v7, v12;
	v7 =	vsel vm0, $0x1, v1  }
0x256: {  	[tilespmem:s23+$0x0] =	vst v11;
	v11 =	vsel vm1, $0x1, v1;
	v7 =	vor.u32 v7, v10;
	vm0 =	vne.s32 v5, v16  }
0x257: {  	vm1 =	vne.s32 v6, v9;
	[tilespmem:s22+$0x10] =	vst v7;
	v6 =	vor.u32 v11, v15;
	v5 =	vsel vm0, $0x1, v1  }
0x258: {  	v7 =	vsel vm1, $0x1, v1;
	[tilespmem:s22+$0xFFFFFFF0] =	vst v6;
	v5 =	vor.u32 v5, v17  }
0x259: {  	v6 =	vor.u32 v7, v8;
	[tilespmem:s22+$0xFFFFFFE0] =	vst v5  }
0x25a: {  	[tilespmem:s22+$0x0] =	vst v6  }
0x25b: {  	v9 =	vld [tilespmem:s18+$0x3]  }
0x25c: {  	v8 =	vld [tilespmem:s18+$0xFFFFFFF3]  }
0x25d: {  	v6 =	vld [tilespmem:s18+$0x10]  }
0x25e: {  	v7 =	vld [tilespmem:s18+$0x11]  }
0x25f: {  	v10 =	vld [tilespmem:s18+$0xFFFFFFE3]  }
0x260: {  	v12 =	vld [tilespmem:s18+$0x0]  }
0x261: {  	v13 =	vld [tilespmem:s18+$0xFFFFFFE2]  }
0x262: {  	v14 =	vld [tilespmem:s18+$0xFFFFFFF0]  }
0x263: {  	v5 =	vld [tilespmem:s18+$0xFFFFFFE0]  }
0x264: {  	v15 =	vld [tilespmem:s18+$0xFFFFFFE1]  }
0x265: {  	v16 =	vld [tilespmem:s18+$0xFFFFFFF1]  }
0x266: {  	v17 =	vld [tilespmem:s18+$0x1]  }
0x267: {  	v11 =	vld [tilespmem:s18+$0xFFFFFFF2]  }
0x268: {  	v18 =	vmov s17;
	v20 =	vmov s20;
	v19 =	vld [tilespmem:s18+$0x2]  }
0x269: {  	v21 =	vmov s21;
	vm0 =	vlt.u32 v18, v3;
	v18 =	vmov s19;
	v22 =	vld [tilespmem:s18+$0x12]  }
0x26a: {  	s28 =	simm.s32 $0x197E0;
	vm2 =	vlt.u32 v21, v3;
	vm1 =	vlt.u32 v18, v3;
	v18 =	vld [tilespmem:s18+$0x13];
	v15 =	vand.u32 v5, v15  }
0x26b: {  	v5 =	vld [tilespmem:s28+$0x3];
	v14 =	vand.u32 v14, v16;
	v12 =	vand.u32 v12, v17;
	v13 =	vand.u32 v13, v15  }
0x26c: {  	v16 =	vld [tilespmem:s28+$0x1];
	v15 =	vand.u32 v6, v7;
	v11 =	vand.u32 v11, v14;
	v10 =	vand.u32 v10, v13  }
0x26d: {  	v17 =	vld [tilespmem:s28+$0x2];
	v12 =	vand.u32 v19, v12;
	v11 =	vand.u32 v8, v11;
	v10 =	vnsel vm0, $0x0, v10  }
0x26e: {  	v6 =	vld [tilespmem:s28+$0x10];
	v12 =	vand.u32 v9, v12;
	v13 =	vand.u32 v22, v15;
	v11 =	vnsel vm1, $0x0, v11;
	(xrf0) =	vadd.scan.msk.s32 $0xffff, v10  }
0x26f: {  	v19 =	vld [tilespmem:s28+$0xFFFFFFE0];
	v12 =	vnsel vm2, $0x0, v12;
	v13 =	vand.u32 v18, v13;
	vm0 =	vlt.u32 v20, v3;
	(xrf0) =	vadd.scan.msk.s32 $0xffff, v11  }
0x270: {  	v8 =	vld [tilespmem:s28+$0x11];
	v13 =	vnsel vm0, $0x0, v13;
	(xrf0) =	vadd.scan.msk.s32 $0xffff, v12  }
0x271: {  	v9 =	vld [tilespmem:s28+$0xFFFFFFE3];
	(xrf0) =	vadd.scan.msk.s32 $0xffff, v13  }
0x272: {  	v15 =	vld [tilespmem:s28+$0xFFFFFFF1]  }
0x273: {  	v20 =	vld [tilespmem:s28+$0xFFFFFFE1]  }
0x274: {  	v10 =	vld [tilespmem:s28+$0xFFFFFFF2];
	v14, _, _ =	vpop (xrf0)  }
0x275: {  	v12 =	vld [tilespmem:s28+$0xFFFFFFE2];
	(v2sf) =	vpush v14, $0xF;
	v14, _, _ =	vpop (xrf0)  }
0x276: {  	s18 =	simm.s32 $0x40;
	v13 =	vld [tilespmem:s28+$0xFFFFFFF0];
	(v2sf) =	vpush v14, $0xF;
	v14, _, _ =	vpop (xrf0)  }
0x277: {  	s30 =	simm.s32 $0x50;
	v21 =	vmov s18;
	v11 =	vld [tilespmem:s28+$0x0];
	(v2sf) =	vpush v14, $0xF;
	v18, _, _ =	vpop (xrf0)  }
0x278: {  	s31 =	simm.s32 $0x60;
	v7 =	vld [tilespmem:s28+$0xFFFFFFF3];
	vm1 =	vlt.u32 v21, v3;
	v21 =	vmov s30;
	(v2sf) =	vpush v18, $0xF  }
0x279: {  	s29 =	simm.s32 $0x70;
	v22 =	vmov s31;
	vm2 =	vlt.u32 v21, v3;
	v18 =	vld [tilespmem:s28+$0x12]  }
0x27a: {  	s20 =	simm.s32 $0x19820;
	s19 =	simm.s32 $0x4;
	vm0 =	vlt.u32 v22, v3;
	v20 =	vand.u32 v19, v20;
	v19 =	vld [tilespmem:s28+$0x13];
	v14 =	vmov s29  }
.LBB2_63:
0x27b: {  	v21 =	vld [tilespmem:s20+$0x3];
	v12 =	vand.u32 v12, v20;
	v13 =	vand.u32 v13, v15;
	v15 =	vand.u32 v6, v8  }
0x27c: {  	v20 =	vld [tilespmem:s20+$0xFFFFFFF3];
	v8 =	vand.u32 v9, v12;
	v9 =	vand.u32 v10, v13;
	v10 =	vand.u32 v11, v16  }
0x27d: {  	v6 =	vld [tilespmem:s20+$0x10];
	v11 =	vnsel vm1, $0x0, v8;
	v7 =	vand.u32 v7, v9;
	v9 =	vand.u32 v17, v10  }
0x27e: {  	v8 =	vld [tilespmem:s20+$0x11];
	v7 =	vnsel vm2, $0x0, v7;
	v16 =	vand.u32 v5, v9;
	v10 =	vand.u32 v18, v15;
	(xrf0) =	vadd.scan.msk.s32 $0xffff, v11  }
0x27f: {  	v9 =	vld [tilespmem:s20+$0xFFFFFFE3];
	v12 =	vnsel vm0, $0x0, v16;
	v11 =	vand.u32 v19, v10;
	vm0 =	vlt.u32 v14, v3;
	(xrf0) =	vadd.scan.msk.s32 $0xffff, v7  }
0x280: {  	v10 =	vld [tilespmem:s20+$0xFFFFFFF2];
	v13 =	vnsel vm0, $0x0, v11;
	(xrf0) =	vadd.scan.msk.s32 $0xffff, v12;
	v5 =	vmov v21  }
0x281: {  	v11 =	vld [tilespmem:s20+$0x0];
	(xrf0) =	vadd.scan.msk.s32 $0xffff, v13;
	v7 =	vmov v20  }
0x282: {  	v12 =	vld [tilespmem:s20+$0xFFFFFFE2]  }
0x283: {  	v13 =	vld [tilespmem:s20+$0xFFFFFFF0]  }
0x284: {  	s18 =	sadd.s32 $0x40, s18;
	s19 =	sadd.s32 $0x4, s19;
	v19 =	vld [tilespmem:s20+$0xFFFFFFE0];
	v14, _, _ =	vpop (xrf0);
	s21 =	spop (v2sf)  }
0x285: {  	p0 =	slt.u32 s19, $0x7C;
	v20 =	vld [tilespmem:s20+$0xFFFFFFE1];
	(v2sf) =	vpush v14, $0xF;
	v14, _, _ =	vpop (xrf0);
	s17 =	sadd.s32 s17, s21;
	s21 =	spop (v2sf)  }
.Ltmp33:
0x286: {  	v15 =	vld [tilespmem:s20+$0xFFFFFFF1];
	(v2sf) =	vpush v14, $0xF;
	v14, _, _ =	vpop (xrf0);
	s17 =	sadd.s32 s21, s17;
	s21 =	spop (v2sf);
	(pc) =	sbr.rel @p0 .LBB2_63-.Ltmp33, $4  }
0x287: {  	s22 =	sadd.s32 $0x30, s18;
	v16 =	vld [tilespmem:s20+$0x1];
	(v2sf) =	vpush v14, $0xF;
	v18, _, _ =	vpop (xrf0);
	s17 =	sadd.s32 s21, s17;
	s21 =	spop (v2sf)  }
0x288: {  	s23 =	sadd.s32 $0x10, s18;
	s24 =	sadd.s32 $0x20, s18;
	v21 =	vmov s18;
	v14 =	vmov s22;
	v17 =	vld [tilespmem:s20+$0x2];
	(v2sf) =	vpush v18, $0xF;
	s17 =	sadd.s32 s21, s17  }
0x289: {  	v22 =	vmov s24;
	vm1 =	vlt.u32 v21, v3;
	v21 =	vmov s23;
	v18 =	vld [tilespmem:s20+$0x12]  }
0x28a: {  	vm0 =	vlt.u32 v22, v3;
	vm2 =	vlt.u32 v21, v3;
	v20 =	vand.u32 v19, v20;
	v19 =	vld [tilespmem:s20+$0x13];
	s20 =	sadd.s32 $0x40, s20  }
0x28b: {  	v12 =	vand.u32 v12, v20;
	v13 =	vand.u32 v13, v15;
	v6 =	vand.u32 v6, v8  }
0x28c: {  	v60 =	vand.u32 v9, v12;
	v61 =	vand.u32 v10, v13;
	v62 =	vand.u32 v11, v16  }
0x28d: {  	v8 =	vnsel vm1, $0x0, v60;
	v7 =	vand.u32 v7, v61;
	v63 =	vand.u32 v17, v62  }
0x28e: {  	v7 =	vnsel vm2, $0x0, v7;
	v5 =	vand.u32 v5, v63;
	v6 =	vand.u32 v18, v6;
	(xrf0) =	vadd.scan.msk.s32 $0xffff, v8  }
0x28f: {  	vm15 =	vlt.u32 v14, v3;
	v5 =	vnsel vm0, $0x0, v5;
	v6 =	vand.u32 v19, v6;
	(xrf0) =	vadd.scan.msk.s32 $0xffff, v7  }
0x290: {  	v6 =	vnsel vm15, $0x0, v6;
	(xrf0) =	vadd.scan.msk.s32 $0xffff, v5  }
0x291: {  	(xrf0) =	vadd.scan.msk.s32 $0xffff, v6;
	_ =	sdelay $0x2  }
0x292: {  	v5, _, _ =	vpop (xrf0)  }
0x293: {  	(v2sf) =	vpush v5, $0xF;
	v5, _, _ =	vpop (xrf0)  }
0x294: {  	(v2sf) =	vpush v5, $0xF;
	v5, _, _ =	vpop (xrf0)  }
0x295: {  	(v2sf) =	vpush v5, $0xF;
	v5, _, _ =	vpop (xrf0)  }
0x296: {  	(v2sf) =	vpush v5, $0xF;
	_ =	sdelay $0x7  }
0x297: {  	s18 =	spop (v2sf)  }
0x298: {  	s17 =	sadd.s32 s17, s18;
	s24 =	spop (v2sf)  }
0x299: {  	s17 =	sadd.s32 s24, s17;
	s25 =	spop (v2sf)  }
0x29a: {  	s17 =	sadd.s32 s25, s17;
	s26 =	spop (v2sf)  }
0x29b: {  	s17 =	sadd.s32 s26, s17;
	s28 =	spop (v2sf)  }
0x29c: {  	s17 =	sadd.s32 s17, s28;
	s29 =	spop (v2sf)  }
0x29d: {  	s17 =	sadd.s32 s29, s17;
	s30 =	spop (v2sf)  }
0x29e: {  	s17 =	sadd.s32 s30, s17;
	s31 =	spop (v2sf)  }
0x29f: {  	s17 =	sadd.s32 s31, s17  }
0x2a0: {  	p0 =	seq.s32 s17, $0x0  }
.Ltmp34:
0x2a1: {  	_ = 	snop;
	(pc) =	sbr.rel @p0 .LBB2_65-.Ltmp34, $2  }
0x2a2: {  	_ =	sdelay $0x2  }
0x2a3: {  	s18 =	simm.s32 $0x18700;
	s17 =	simm.s32 $0x0  }
0x2a4: {  	v5 =	vld [tilespmem:s18+$0x0];
	s20 =	simm.s32 $0x10;
	s19 =	simm.s32 $0x0  }
.LBB2_67:
0x2a5: {  	p0 =	sne.s32 s20, $0x7F0;
	_ =	sdelay $0x3  }
0x2a6: {  	(xrf1) =	vunique.msk.u32 $0xffff, v5;
	_ =	sdelay $0xd  }
0x2a7: {  	_, v6, vm0 =	vpop (xrf1);
	_ =	sdelay $0x2  }
.Ltmp35:
0x2a8: {  	(pc) =	sbr.rel @p0 .LBB2_67-.Ltmp35, $4  }
0x2a9: {  	_ = 	snop  }
0x2aa: {  	v6 =	vor.u32 s19, v0;
	s19 =	smov.u32 s20  }
0x2ab: {  	s18 =	sadd.s32 $0x10, s18;
	[tilespmem:v5+s17+$0x0] =	vst.idx.msk vm0, v6  }
0x2ac: {  	s20 =	sadd.s32 $0x10, s20;
	v5 =	vld [tilespmem:s18+$0x0]  }
0x2ad: {  	_ =	sdelay $0x3  }
0x2ae: {  	(xrf1) =	vunique.msk.u32 $0xffff, v5;
	_ =	sdelay $0xd  }
0x2af: {  	_, v6, vm0 =	vpop (xrf1);
	_ =	sdelay $0x4  }
0x2b0: {  	v6 =	vor.u32 s19, v0  }
0x2b1: {  	[tilespmem:v5+s17+$0x0] =	vst.idx.msk vm0, v6;
	s17 =	simm.s32 $0x0  }
0x2b2: {  	v5 =	vld [tilespmem:s17+$0x18700];
	_ =	sdelay $0x7  }
0x2b3: {  	s18 =	simm.s32 $0x10;
	s19 =	simm.s32 $0x80;
	v5 =	vld.idx.msk [tilespmem:v5+s2+$0x0], $0xffff  }
.LBB2_69:
0x2b4: {  	p0 =	sne.s32 s19, $0x1FC0;
	v6 =	vld [tilespmem:s18+$0x18700];
	_ =	sdelay $0x3  }
.Ltmp36:
0x2b5: {  	(pc) =	sbr.rel @p0 .LBB2_69-.Ltmp36, $2  }
0x2b6: {  	[tilespmem:s17+$0x18F00] =	vst v5;
	s17 =	smov.u32 s18;
	_ =	sdelay $0x2  }
0x2b7: {  	s18 =	sshra.s32 s19, $0x2;
	s19 =	sadd.s32 $0x40, s19;
	v5 =	vld.idx.msk [tilespmem:v6+s2+$0x0], $0xffff  }
0x2b8: {  	v6 =	vld [tilespmem:s18+$0x18700];
	_ =	sdelay $0x6  }
0x2b9: {  	[tilespmem:s17+$0x18F00] =	vst v5  }
0x2ba: {  	v5 =	vld.idx.msk [tilespmem:v6+s2+$0x0], $0xffff;
	_ =	sdelay $0x2  }
0x2bb: {  	s31 =	simm.s32 $0x0  }
0x2bc: {  	v6 =	vor.u32 s31, v0  }
0x2bd: {  	vm0 =	vlt.u32 v6, $0x7FD;
	[tilespmem:s18+$0x18F00] =	vst v5  }
0x2be: {  	s17 =	simm.s32 $0x1A000;
	v5 =	vnsel vm0, $0x800, v6;
	[tilespmem:$0x19700] =	vst v4  }
0x2bf: {  	s18 =	simm.s32 $0x10;
	[tilespmem:s17+$0x0] =	vst v5  }
.LBB2_71:
0x2c0: {  	p0 =	sne.s32 s18, $0x7F0  }
.Ltmp37:
0x2c1: {  	_ = 	snop;
	(pc) =	sbr.rel @p0 .LBB2_71-.Ltmp37, $4  }
0x2c2: {  	v5 =	vor.u32 s18, v0  }
0x2c3: {  	vm0 =	vlt.u32 v5, $0x7FD  }
0x2c4: {  	s17 =	sadd.s32 $0x10, s17;
	v5 =	vnsel vm0, $0x800, v5  }
0x2c5: {  	s18 =	sadd.s32 $0x10, s18;
	[tilespmem:s17+$0x0] =	vst v5  }
0x2c6: {  	s17 =	simm.s32 $0x40;
	s18 =	simm.s32 $0x0  }
.LBB2_73:
0x2c7: {  	p0 =	sne.s32 s17, $0x2000;
	[tilespmem:s18+$0x1B100] =	vst v1;
	s18 =	smov.u32 s17;
	s17 =	sadd.s32 $0x40, s17  }
.Ltmp38:
0x2c8: {  	(pc) =	sbr.rel @p0 .LBB2_73-.Ltmp38, $2  }
0x2c9: {  	_ =	sdelay $0x2  }
0x2ca: {  	s18 =	sshra.s32 s18, $0x2  }
0x2cb: {  	[tilespmem:s18+$0x1B100] =	vst v1;
	s17 =	simm.s32 $0x0;
	s18 =	simm.s32 $0x0  }
.LBB2_75:
0x2cc: {  	s19 =	sshra.s32 s18, $0x2  }
0x2cd: {  	v5 =	vld [tilespmem:s19+$0x1A000];
	_ =	sdelay $0x4  }
0x2ce: {  	v5 =	vadd.s32 $0x3, v5;
	_ =	sdelay $0x4  }
0x2cf: {  	v5 =	vld.idx.msk [tilespmem:v5+s12+$0x0], $0xffff;
	_ =	sdelay $0x4  }
0x2d0: {  	(xrf1) =	vunique.msk.u32 $0xffff, v5;
	_ =	sdelay $0xd  }
0x2d1: {  	_, v6, vm0 =	vpop (xrf1)  }
0x2d2: {  	p0 =	sne.s32 s18, $0x1FC0  }
.Ltmp39:
0x2d3: {  	_ = 	snop;
	(pc) =	sbr.rel @p0 .LBB2_75-.Ltmp39, $2  }
0x2d4: {  	_ =	sdelay $0x2  }
0x2d5: {  	s18 =	sadd.s32 $0x40, s18;
	[tilespmem:v5+s13+$0x0] =	vst.idx.add.s32.msk vm0, v6  }
0x2d6: {  	s20 =	sshra.s32 s17, $0x2  }
0x2d7: {  	v5 =	vld [tilespmem:s20+$0x1B100];
	_ =	sdelay $0x4  }
0x2d8: {  	(xrf0) =	vadd.scan.msk.s32 $0xffff, v5;
	_ =	sdelay $0x5  }
0x2d9: {  	v6, _, _ =	vpop (xrf0)  }
0x2da: {  	(v2sf) =	vpush v6, $0xF  }
0x2db: {  	v5 =	vsub.s32 s17, v5  }
0x2dc: {  	s19 =	sadd.s32 $0x40, s17;
	v5 =	vadd.s32 v6, v5  }
0x2dd: {  	s18 =	sshra.s32 s19, $0x2;
	s19 =	sadd.s32 $0x40, s19;
	[tilespmem:s20+$0x1B100] =	vst v5  }
.LBB2_77:
0x2de: {  	p0 =	sne.s32 s19, $0x2000;
	v5 =	vld [tilespmem:s18+$0x1B100];
	_ =	sdelay $0x4  }
0x2df: {  	(xrf0) =	vadd.scan.msk.s32 $0xffff, v5;
	_ =	sdelay $0x5  }
.Ltmp40:
0x2e0: {  	v6, _, _ =	vpop (xrf0);
	s20 =	spop (v2sf);
	(pc) =	sbr.rel @p0 .LBB2_77-.Ltmp40, $4  }
0x2e1: {  	(v2sf) =	vpush v6, $0xF;
	s17 =	sadd.s32 s17, s20  }
0x2e2: {  	v5 =	vsub.s32 s17, v5  }
0x2e3: {  	v5 =	vadd.s32 v6, v5  }
0x2e4: {  	[tilespmem:s18+$0x1B100] =	vst v5;
	s18 =	sshra.s32 s19, $0x2;
	s19 =	sadd.s32 $0x40, s19  }
0x2e5: {  	v5 =	vld [tilespmem:s18+$0x1B100];
	_ =	sdelay $0x4  }
0x2e6: {  	(xrf0) =	vadd.scan.msk.s32 $0xffff, v5;
	_ =	sdelay $0x5  }
0x2e7: {  	v6, _, _ =	vpop (xrf0)  }
0x2e8: {  	(v2sf) =	vpush v6, $0xF;
	_ =	sdelay $0xa  }
0x2e9: {  	s19 =	spop (v2sf)  }
0x2ea: {  	s17 =	sadd.s32 s17, s19  }
0x2eb: {  	v5 =	vsub.s32 s17, v5  }
0x2ec: {  	v5 =	vadd.s32 v6, v5  }
0x2ed: {  	s17 =	simm.s32 $0x0;
	[tilespmem:s18+$0x1B100] =	vst v5;
	s31 =	spop (v2sf)  }
.LBB2_79:
0x2ee: {  	s18 =	sshra.s32 s17, $0x2  }
0x2ef: {  	v5 =	vld [tilespmem:s18+$0x1A000];
	_ =	sdelay $0x4  }
0x2f0: {  	v6 =	vadd.s32 $0x3, v5;
	_ =	sdelay $0x4  }
0x2f1: {  	v6 =	vld.idx.msk [tilespmem:v6+s12+$0x0], $0xffff;
	_ =	sdelay $0x4  }
0x2f2: {  	(xrf1) =	vunique.msk.u32 $0xffff, v6;
	_ =	sdelay $0x9  }
0x2f3: {  	v7 =	vld.idx.msk [tilespmem:v6+s13+$0x0], $0xffff;
	_ =	sdelay $0x3  }
0x2f4: {  	_, v8, vm0 =	vpop (xrf1)  }
0x2f5: {  	v7 =	vadd.s32 v8, v7  }
0x2f6: {  	v7 =	vadd.s32 $0xFFFFFFFF, v7  }
0x2f7: {  	p0 =	sne.s32 s17, $0x1FC0  }
.Ltmp41:
0x2f8: {  	_ = 	snop;
	(pc) =	sbr.rel @p0 .LBB2_79-.Ltmp41, $3  }
0x2f9: {  	_ =	sdelay $0x1  }
0x2fa: {  	[tilespmem:v7+s14+$0x0] =	vst.idx.msk $0xffff, v5  }
0x2fb: {  	s17 =	sadd.s32 $0x40, s17;
	[tilespmem:v6+s13+$0x0] =	vst.idx.add.s32.msk vm0, v8  }
0x2fc: {  	s17 =	simm.s32 $0x40;
	s18 =	simm.s32 $0x0  }
.LBB2_81:
0x2fd: {  	p0 =	sne.s32 s17, $0x2000;
	[tilespmem:s18+$0x1B100] =	vst v1;
	s18 =	smov.u32 s17;
	s17 =	sadd.s32 $0x40, s17  }
.Ltmp42:
0x2fe: {  	(pc) =	sbr.rel @p0 .LBB2_81-.Ltmp42, $2  }
0x2ff: {  	_ =	sdelay $0x2  }
0x300: {  	s18 =	sshra.s32 s18, $0x2  }
0x301: {  	[tilespmem:s18+$0x1B100] =	vst v1;
	s17 =	simm.s32 $0x0;
	s18 =	simm.s32 $0x0  }
.LBB2_83:
0x302: {  	s19 =	sshra.s32 s18, $0x2  }
0x303: {  	v5 =	vld [tilespmem:s19+$0x1A880];
	_ =	sdelay $0x4  }
0x304: {  	v5 =	vadd.s32 $0x2, v5;
	_ =	sdelay $0x4  }
0x305: {  	v5 =	vld.idx.msk [tilespmem:v5+s12+$0x0], $0xffff;
	_ =	sdelay $0x4  }
0x306: {  	(xrf1) =	vunique.msk.u32 $0xffff, v5;
	_ =	sdelay $0xd  }
0x307: {  	_, v6, vm0 =	vpop (xrf1)  }
0x308: {  	p0 =	sne.s32 s18, $0x1FC0  }
.Ltmp43:
0x309: {  	_ = 	snop;
	(pc) =	sbr.rel @p0 .LBB2_83-.Ltmp43, $2  }
0x30a: {  	_ =	sdelay $0x2  }
0x30b: {  	s18 =	sadd.s32 $0x40, s18;
	[tilespmem:v5+s13+$0x0] =	vst.idx.add.s32.msk vm0, v6  }
0x30c: {  	s20 =	sshra.s32 s17, $0x2  }
0x30d: {  	v5 =	vld [tilespmem:s20+$0x1B100];
	_ =	sdelay $0x4  }
0x30e: {  	(xrf0) =	vadd.scan.msk.s32 $0xffff, v5;
	_ =	sdelay $0x5  }
0x30f: {  	v6, _, _ =	vpop (xrf0)  }
0x310: {  	(v2sf) =	vpush v6, $0xF  }
0x311: {  	v5 =	vsub.s32 s17, v5  }
0x312: {  	s19 =	sadd.s32 $0x40, s17;
	v5 =	vadd.s32 v6, v5  }
0x313: {  	s18 =	sshra.s32 s19, $0x2;
	s19 =	sadd.s32 $0x40, s19;
	[tilespmem:s20+$0x1B100] =	vst v5  }
.LBB2_85:
0x314: {  	p0 =	sne.s32 s19, $0x2000;
	v5 =	vld [tilespmem:s18+$0x1B100];
	_ =	sdelay $0x4  }
0x315: {  	(xrf0) =	vadd.scan.msk.s32 $0xffff, v5;
	_ =	sdelay $0x5  }
.Ltmp44:
0x316: {  	v6, _, _ =	vpop (xrf0);
	s20 =	spop (v2sf);
	(pc) =	sbr.rel @p0 .LBB2_85-.Ltmp44, $4  }
0x317: {  	(v2sf) =	vpush v6, $0xF;
	s17 =	sadd.s32 s17, s20  }
0x318: {  	v5 =	vsub.s32 s17, v5  }
0x319: {  	v5 =	vadd.s32 v6, v5  }
0x31a: {  	[tilespmem:s18+$0x1B100] =	vst v5;
	s18 =	sshra.s32 s19, $0x2;
	s19 =	sadd.s32 $0x40, s19  }
0x31b: {  	v5 =	vld [tilespmem:s18+$0x1B100];
	_ =	sdelay $0x4  }
0x31c: {  	(xrf0) =	vadd.scan.msk.s32 $0xffff, v5;
	_ =	sdelay $0x5  }
0x31d: {  	v6, _, _ =	vpop (xrf0)  }
0x31e: {  	(v2sf) =	vpush v6, $0xF;
	_ =	sdelay $0xa  }
0x31f: {  	s19 =	spop (v2sf)  }
0x320: {  	s17 =	sadd.s32 s17, s19  }
0x321: {  	v5 =	vsub.s32 s17, v5  }
0x322: {  	v5 =	vadd.s32 v6, v5  }
0x323: {  	s17 =	simm.s32 $0x0;
	[tilespmem:s18+$0x1B100] =	vst v5;
	s31 =	spop (v2sf)  }
.LBB2_87:
0x324: {  	s18 =	sshra.s32 s17, $0x2  }
0x325: {  	v5 =	vld [tilespmem:s18+$0x1A880];
	_ =	sdelay $0x4  }
0x326: {  	v6 =	vadd.s32 $0x2, v5;
	_ =	sdelay $0x4  }
0x327: {  	v6 =	vld.idx.msk [tilespmem:v6+s12+$0x0], $0xffff;
	_ =	sdelay $0x4  }
0x328: {  	(xrf1) =	vunique.msk.u32 $0xffff, v6;
	_ =	sdelay $0x9  }
0x329: {  	v7 =	vld.idx.msk [tilespmem:v6+s13+$0x0], $0xffff;
	_ =	sdelay $0x3  }
0x32a: {  	_, v8, vm0 =	vpop (xrf1)  }
0x32b: {  	v7 =	vadd.s32 v8, v7  }
0x32c: {  	v7 =	vadd.s32 $0xFFFFFFFF, v7  }
0x32d: {  	p0 =	sne.s32 s17, $0x1FC0  }
.Ltmp45:
0x32e: {  	_ = 	snop;
	(pc) =	sbr.rel @p0 .LBB2_87-.Ltmp45, $3  }
0x32f: {  	_ =	sdelay $0x1  }
0x330: {  	[tilespmem:v7+s15+$0x0] =	vst.idx.msk $0xffff, v5  }
0x331: {  	s17 =	sadd.s32 $0x40, s17;
	[tilespmem:v6+s13+$0x0] =	vst.idx.add.s32.msk vm0, v8  }
0x332: {  	s17 =	simm.s32 $0x40;
	s18 =	simm.s32 $0x0  }
.LBB2_89:
0x333: {  	p0 =	sne.s32 s17, $0x2000;
	[tilespmem:s18+$0x1B100] =	vst v1;
	s18 =	smov.u32 s17;
	s17 =	sadd.s32 $0x40, s17  }
.Ltmp46:
0x334: {  	(pc) =	sbr.rel @p0 .LBB2_89-.Ltmp46, $2  }
0x335: {  	_ =	sdelay $0x2  }
0x336: {  	s18 =	sshra.s32 s18, $0x2  }
0x337: {  	[tilespmem:s18+$0x1B100] =	vst v1;
	s17 =	simm.s32 $0x0;
	s18 =	simm.s32 $0x0  }
.LBB2_91:
0x338: {  	s19 =	sshra.s32 s18, $0x2  }
0x339: {  	v5 =	vld [tilespmem:s19+$0x1A000];
	_ =	sdelay $0x4  }
0x33a: {  	v5 =	vadd.s32 $0x1, v5;
	_ =	sdelay $0x4  }
0x33b: {  	v5 =	vld.idx.msk [tilespmem:v5+s12+$0x0], $0xffff;
	_ =	sdelay $0x4  }
0x33c: {  	(xrf1) =	vunique.msk.u32 $0xffff, v5;
	_ =	sdelay $0xd  }
0x33d: {  	_, v6, vm0 =	vpop (xrf1)  }
0x33e: {  	p0 =	sne.s32 s18, $0x1FC0  }
.Ltmp47:
0x33f: {  	_ = 	snop;
	(pc) =	sbr.rel @p0 .LBB2_91-.Ltmp47, $2  }
0x340: {  	_ =	sdelay $0x2  }
0x341: {  	s18 =	sadd.s32 $0x40, s18;
	[tilespmem:v5+s13+$0x0] =	vst.idx.add.s32.msk vm0, v6  }
0x342: {  	s20 =	sshra.s32 s17, $0x2  }
0x343: {  	v5 =	vld [tilespmem:s20+$0x1B100];
	_ =	sdelay $0x4  }
0x344: {  	(xrf0) =	vadd.scan.msk.s32 $0xffff, v5;
	_ =	sdelay $0x5  }
0x345: {  	v6, _, _ =	vpop (xrf0)  }
0x346: {  	(v2sf) =	vpush v6, $0xF  }
0x347: {  	v5 =	vsub.s32 s17, v5  }
0x348: {  	s19 =	sadd.s32 $0x40, s17;
	v5 =	vadd.s32 v6, v5  }
0x349: {  	s18 =	sshra.s32 s19, $0x2;
	s19 =	sadd.s32 $0x40, s19;
	[tilespmem:s20+$0x1B100] =	vst v5  }
.LBB2_93:
0x34a: {  	p0 =	sne.s32 s19, $0x2000;
	v5 =	vld [tilespmem:s18+$0x1B100];
	_ =	sdelay $0x4  }
0x34b: {  	(xrf0) =	vadd.scan.msk.s32 $0xffff, v5;
	_ =	sdelay $0x5  }
.Ltmp48:
0x34c: {  	v6, _, _ =	vpop (xrf0);
	s20 =	spop (v2sf);
	(pc) =	sbr.rel @p0 .LBB2_93-.Ltmp48, $4  }
0x34d: {  	(v2sf) =	vpush v6, $0xF;
	s17 =	sadd.s32 s17, s20  }
0x34e: {  	v5 =	vsub.s32 s17, v5  }
0x34f: {  	v5 =	vadd.s32 v6, v5  }
0x350: {  	[tilespmem:s18+$0x1B100] =	vst v5;
	s18 =	sshra.s32 s19, $0x2;
	s19 =	sadd.s32 $0x40, s19  }
0x351: {  	v5 =	vld [tilespmem:s18+$0x1B100];
	_ =	sdelay $0x4  }
0x352: {  	(xrf0) =	vadd.scan.msk.s32 $0xffff, v5;
	_ =	sdelay $0x5  }
0x353: {  	v6, _, _ =	vpop (xrf0)  }
0x354: {  	(v2sf) =	vpush v6, $0xF;
	_ =	sdelay $0xa  }
0x355: {  	s19 =	spop (v2sf)  }
0x356: {  	s17 =	sadd.s32 s17, s19  }
0x357: {  	v5 =	vsub.s32 s17, v5  }
0x358: {  	v5 =	vadd.s32 v6, v5  }
0x359: {  	s17 =	simm.s32 $0x0;
	[tilespmem:s18+$0x1B100] =	vst v5;
	s31 =	spop (v2sf)  }
.LBB2_95:
0x35a: {  	s18 =	sshra.s32 s17, $0x2  }
0x35b: {  	v5 =	vld [tilespmem:s18+$0x1A000];
	_ =	sdelay $0x4  }
0x35c: {  	v6 =	vadd.s32 $0x1, v5;
	_ =	sdelay $0x4  }
0x35d: {  	v6 =	vld.idx.msk [tilespmem:v6+s12+$0x0], $0xffff;
	_ =	sdelay $0x4  }
0x35e: {  	(xrf1) =	vunique.msk.u32 $0xffff, v6;
	_ =	sdelay $0x9  }
0x35f: {  	v7 =	vld.idx.msk [tilespmem:v6+s13+$0x0], $0xffff;
	_ =	sdelay $0x3  }
0x360: {  	_, v8, vm0 =	vpop (xrf1)  }
0x361: {  	v7 =	vadd.s32 v8, v7  }
0x362: {  	v7 =	vadd.s32 $0xFFFFFFFF, v7  }
0x363: {  	p0 =	sne.s32 s17, $0x1FC0  }
.Ltmp49:
0x364: {  	_ = 	snop;
	(pc) =	sbr.rel @p0 .LBB2_95-.Ltmp49, $3  }
0x365: {  	_ =	sdelay $0x1  }
0x366: {  	[tilespmem:v7+s14+$0x0] =	vst.idx.msk $0xffff, v5  }
0x367: {  	s17 =	sadd.s32 $0x40, s17;
	[tilespmem:v6+s13+$0x0] =	vst.idx.add.s32.msk vm0, v8  }
0x368: {  	s17 =	simm.s32 $0x40;
	s18 =	simm.s32 $0x0  }
.LBB2_97:
0x369: {  	p0 =	sne.s32 s17, $0x2000;
	[tilespmem:s18+$0x1B100] =	vst v1;
	s18 =	smov.u32 s17;
	s17 =	sadd.s32 $0x40, s17  }
.Ltmp50:
0x36a: {  	(pc) =	sbr.rel @p0 .LBB2_97-.Ltmp50, $2  }
0x36b: {  	_ =	sdelay $0x2  }
0x36c: {  	s18 =	sshra.s32 s18, $0x2  }
0x36d: {  	[tilespmem:s18+$0x1B100] =	vst v1;
	s17 =	simm.s32 $0x0;
	s18 =	simm.s32 $0x0  }
.LBB2_99:
0x36e: {  	s19 =	sshra.s32 s18, $0x2  }
0x36f: {  	v5 =	vld [tilespmem:s19+$0x1A880];
	_ =	sdelay $0x7  }
0x370: {  	v5 =	vld.idx.msk [tilespmem:v5+s12+$0x0], $0xffff;
	_ =	sdelay $0x4  }
0x371: {  	(xrf1) =	vunique.msk.u32 $0xffff, v5;
	_ =	sdelay $0xd  }
0x372: {  	_, v6, vm0 =	vpop (xrf1)  }
0x373: {  	p0 =	sne.s32 s18, $0x1FC0  }
.Ltmp51:
0x374: {  	_ = 	snop;
	(pc) =	sbr.rel @p0 .LBB2_99-.Ltmp51, $2  }
0x375: {  	_ =	sdelay $0x2  }
0x376: {  	s18 =	sadd.s32 $0x40, s18;
	[tilespmem:v5+s13+$0x0] =	vst.idx.add.s32.msk vm0, v6  }
0x377: {  	s20 =	sshra.s32 s17, $0x2  }
0x378: {  	v5 =	vld [tilespmem:s20+$0x1B100];
	_ =	sdelay $0x4  }
0x379: {  	(xrf0) =	vadd.scan.msk.s32 $0xffff, v5;
	_ =	sdelay $0x5  }
0x37a: {  	v6, _, _ =	vpop (xrf0)  }
0x37b: {  	(v2sf) =	vpush v6, $0xF  }
0x37c: {  	v5 =	vsub.s32 s17, v5  }
0x37d: {  	s19 =	sadd.s32 $0x40, s17;
	v5 =	vadd.s32 v6, v5  }
0x37e: {  	s18 =	sshra.s32 s19, $0x2;
	s19 =	sadd.s32 $0x40, s19;
	[tilespmem:s20+$0x1B100] =	vst v5  }
.LBB2_101:
0x37f: {  	p0 =	sne.s32 s19, $0x2000;
	v5 =	vld [tilespmem:s18+$0x1B100];
	_ =	sdelay $0x4  }
0x380: {  	(xrf0) =	vadd.scan.msk.s32 $0xffff, v5;
	_ =	sdelay $0x5  }
.Ltmp52:
0x381: {  	v6, _, _ =	vpop (xrf0);
	s20 =	spop (v2sf);
	(pc) =	sbr.rel @p0 .LBB2_101-.Ltmp52, $4  }
0x382: {  	(v2sf) =	vpush v6, $0xF;
	s17 =	sadd.s32 s17, s20  }
0x383: {  	v5 =	vsub.s32 s17, v5  }
0x384: {  	v5 =	vadd.s32 v6, v5  }
0x385: {  	[tilespmem:s18+$0x1B100] =	vst v5;
	s18 =	sshra.s32 s19, $0x2;
	s19 =	sadd.s32 $0x40, s19  }
0x386: {  	v5 =	vld [tilespmem:s18+$0x1B100];
	_ =	sdelay $0x4  }
0x387: {  	(xrf0) =	vadd.scan.msk.s32 $0xffff, v5;
	_ =	sdelay $0x5  }
0x388: {  	v6, _, _ =	vpop (xrf0)  }
0x389: {  	(v2sf) =	vpush v6, $0xF;
	_ =	sdelay $0xa  }
0x38a: {  	s19 =	spop (v2sf)  }
0x38b: {  	s17 =	sadd.s32 s17, s19  }
0x38c: {  	v5 =	vsub.s32 s17, v5  }
0x38d: {  	v5 =	vadd.s32 v6, v5  }
0x38e: {  	s17 =	simm.s32 $0x0;
	[tilespmem:s18+$0x1B100] =	vst v5;
	s31 =	spop (v2sf)  }
.LBB2_103:
0x38f: {  	s18 =	sshra.s32 s17, $0x2  }
0x390: {  	v5 =	vld [tilespmem:s18+$0x1A880];
	_ =	sdelay $0x7  }
0x391: {  	v6 =	vld.idx.msk [tilespmem:v5+s12+$0x0], $0xffff;
	_ =	sdelay $0x4  }
0x392: {  	(xrf1) =	vunique.msk.u32 $0xffff, v6;
	_ =	sdelay $0x9  }
0x393: {  	v7 =	vld.idx.msk [tilespmem:v6+s13+$0x0], $0xffff;
	_ =	sdelay $0x3  }
0x394: {  	_, v8, vm0 =	vpop (xrf1)  }
0x395: {  	v7 =	vadd.s32 v8, v7  }
0x396: {  	v7 =	vadd.s32 $0xFFFFFFFF, v7  }
0x397: {  	p0 =	sne.s32 s17, $0x1FC0  }
.Ltmp53:
0x398: {  	_ = 	snop;
	(pc) =	sbr.rel @p0 .LBB2_103-.Ltmp53, $3  }
0x399: {  	_ =	sdelay $0x1  }
0x39a: {  	[tilespmem:v7+s15+$0x0] =	vst.idx.msk $0xffff, v5  }
0x39b: {  	s17 =	sadd.s32 $0x40, s17;
	[tilespmem:v6+s13+$0x0] =	vst.idx.add.s32.msk vm0, v8  }
0x39c: {  	[tilespmem:$0x1A800] =	vst v4;
	s17 =	simm.s32 $0x0  }
0x39d: {  	v5 =	vld [tilespmem:s17+$0x1A000]  }
0x39e: {  	v6 =	vld [tilespmem:s17+$0x1A001];
	_ =	sdelay $0x3  }
0x39f: {  	s30 =	simm.s32 $0x10;
	v7 =	vadd.s32 $0x3, v5  }
0x3a0: {  	v8 =	vld [tilespmem:s30+$0x1A000];
	v9 =	vadd.s32 $0x2, v5  }
0x3a1: {  	v12 =	vld [tilespmem:s30+$0x1A001];
	v10 =	vadd.s32 $0x1, v5  }
0x3a2: {  	v11 =	vadd.s32 $0x1, v6;
	v5 =	vld.idx.msk [tilespmem:v5+s12+$0x0], $0xffff  }
0x3a3: {  	v14 =	vadd.s32 $0x2, v6;
	v13 =	vld.idx.msk [tilespmem:v6+s12+$0x0], $0xffff  }
0x3a4: {  	v6 =	vadd.s32 $0x3, v6;
	v15 =	vld.idx.msk [tilespmem:v7+s12+$0x0], $0xffff  }
0x3a5: {  	v7 =	vld.idx.msk [tilespmem:v9+s12+$0x0], $0xffff  }
0x3a6: {  	v16 =	vld.idx.msk [tilespmem:v10+s12+$0x0], $0xffff  }
0x3a7: {  	v17 =	vld.idx.msk [tilespmem:v11+s12+$0x0], $0xffff  }
0x3a8: {  	v18 =	vadd.s32 $0x3, v8;
	v14 =	vld.idx.msk [tilespmem:v14+s12+$0x0], $0xffff  }
0x3a9: {  	s31 =	simm.s32 $0x20;
	v19 =	vld.idx.msk [tilespmem:v6+s12+$0x0], $0xffff  }
0x3aa: {  	v20 =	vadd.s32 $0x2, v8;
	v11 =	vld [tilespmem:s31+$0x1A000]  }
0x3ab: {  	v21 =	vadd.s32 $0x1, v8;
	v10 =	vld [tilespmem:s31+$0x1A001]  }
0x3ac: {  	v9 =	vld.idx.msk [tilespmem:v8+s12+$0x0], $0xffff;
	vm0 =	vne.s32 v5, v13;
	v13 =	vadd.s32 $0x1, v12;
	vm1 =	vne.s32 v16, v17  }
0x3ad: {  	v8 =	vld.idx.msk [tilespmem:v18+s12+$0x0], $0xffff;
	vm0 =	vmor vm0, vm1;
	vm1 =	vne.s32 v7, v14;
	v14 =	vadd.s32 $0x2, v12  }
0x3ae: {  	v6 =	vld.idx.msk [tilespmem:v12+s12+$0x0], $0xffff;
	vm0 =	vmor vm0, vm1;
	vm1 =	vne.s32 v15, v19;
	v15 =	vadd.s32 $0x3, v12  }
0x3af: {  	v7 =	vld.idx.msk [tilespmem:v20+s12+$0x0], $0xffff  }
0x3b0: {  	s17 =	simm.s32 $0xC0;
	v5 =	vimm.s32 $0x0;
	v12 =	vld.idx.msk [tilespmem:v21+s12+$0x0], $0xffff;
	vm0 =	vmor vm0, vm1  }
.LBB2_105:
0x3b1: {  	p0 =	sne.s32 s17, $0x1FC0;
	v16 =	vld.idx.msk [tilespmem:v13+s12+$0x0], $0xffff;
	v13 =	vmpcnt.ones.xlane vm0  }
0x3b2: {  	v18 =	vmov v9;
	v17 =	vld.idx.msk [tilespmem:v14+s12+$0x0], $0xffff  }
0x3b3: {  	s18 =	sshra.s32 s17, $0x2;
	v19 =	vadd.s32 $0x3, v11;
	v20 =	vld.idx.msk [tilespmem:v15+s12+$0x0], $0xffff;
	v5 =	vadd.s32 v5, v13  }
0x3b4: {  	v22 =	vadd.s32 $0x2, v11;
	v23 =	vmov v8;
	v21 =	vld [tilespmem:s18+$0x1A000]  }
0x3b5: {  	v25 =	vadd.s32 $0x1, v11;
	v24 =	vld [tilespmem:s18+$0x1A001]  }
.Ltmp54:
0x3b6: {  	v13 =	vadd.s32 $0x1, v10;
	v9 =	vld.idx.msk [tilespmem:v11+s12+$0x0], $0xffff;
	(pc) =	sbr.rel @p0 .LBB2_105-.Ltmp54, $4  }
0x3b7: {  	v14 =	vadd.s32 $0x2, v10;
	vm0 =	vne.s32 v18, v6;
	vm1 =	vne.s32 v12, v16;
	v6 =	vld.idx.msk [tilespmem:v10+s12+$0x0], $0xffff  }
0x3b8: {  	v15 =	vadd.s32 $0x3, v10;
	vm0 =	vmor vm0, vm1;
	vm1 =	vne.s32 v7, v17;
	v8 =	vld.idx.msk [tilespmem:v19+s12+$0x0], $0xffff  }
0x3b9: {  	vm0 =	vmor vm0, vm1;
	vm1 =	vne.s32 v23, v20;
	v7 =	vld.idx.msk [tilespmem:v22+s12+$0x0], $0xffff;
	v11 =	vmov v21  }
0x3ba: {  	s17 =	sadd.s32 $0x40, s17;
	vm0 =	vmor vm0, vm1;
	v12 =	vld.idx.msk [tilespmem:v25+s12+$0x0], $0xffff;
	v10 =	vmov v24  }
0x3bb: {  	_ =	sdelay $0x3  }
0x3bc: {  	v13 =	vld.idx.msk [tilespmem:v13+s12+$0x0], $0xffff;
	v16 =	vadd.s32 $0x3, v11  }
0x3bd: {  	v14 =	vld.idx.msk [tilespmem:v14+s12+$0x0], $0xffff;
	v17 =	vadd.s32 $0x2, v11  }
0x3be: {  	v15 =	vld.idx.msk [tilespmem:v15+s12+$0x0], $0xffff;
	v18 =	vadd.s32 $0x1, v11  }
0x3bf: {  	v62 =	vld.idx.msk [tilespmem:v11+s12+$0x0], $0xffff;
	v19 =	vadd.s32 $0x1, v10  }
0x3c0: {  	v20 =	vld.idx.msk [tilespmem:v10+s12+$0x0], $0xffff;
	v21 =	vadd.s32 $0x2, v10  }
0x3c1: {  	v63 =	vadd.s32 $0x3, v10;
	v16 =	vld.idx.msk [tilespmem:v16+s12+$0x0], $0xffff  }
0x3c2: {  	v17 =	vld.idx.msk [tilespmem:v17+s12+$0x0], $0xffff  }
0x3c3: {  	v18 =	vld.idx.msk [tilespmem:v18+s12+$0x0], $0xffff  }
0x3c4: {  	v19 =	vld.idx.msk [tilespmem:v19+s12+$0x0], $0xffff  }
0x3c5: {  	v21 =	vld.idx.msk [tilespmem:v21+s12+$0x0], $0xffff  }
0x3c6: {  	v10 =	vld.idx.msk [tilespmem:v63+s12+$0x0], $0xffff  }
0x3c7: {  	vm1 =	vne.s32 v9, v6;
	v6 =	vmpcnt.ones.xlane vm0  }
0x3c8: {  	vm2 =	vne.s32 v12, v13;
	vm10 =	vne.s32 v7, v14;
	vm11 =	vne.s32 v62, v20  }
0x3c9: {  	vm3 =	vne.s32 v8, v15;
	vm9 =	vmor vm1, vm2;
	vm12 =	vne.s32 v18, v19  }
0x3ca: {  	vm0 =	vmor vm9, vm10;
	vm13 =	vne.s32 v17, v21;
	vm1 =	vmor vm11, vm12  }
.Ltmp55:
0x3cb: {  	vm0 =	vmor vm0, vm3;
	vm14 =	vne.s32 v16, v10;
	vm1 =	vmor vm1, vm13;
	(pc) =	sbr.rel .LBB2_107-.Ltmp55, $4  }
0x3cc: {  	v7 =	vmpcnt.ones.xlane vm0;
	vm15 =	vmor vm1, vm14  }
0x3cd: {  	v5 =	vadd.s32 v5, v6;
	v6 =	vmpcnt.ones.xlane vm15  }
0x3ce: {  	v5 =	vadd.s32 v5, v7  }
0x3cf: {  	v5 =	vadd.s32 v5, v6  }
.LBB2_108:
0x3d0: {  	_ =	sfence.sel $0x180000  }
0x3d1: {  	[bflag:$0x0] =	sbarrier.arrive $0xFFFF  }
0x3d2: {  	p0 =	sne.s32 s1, $0x0;
	_ =	strace $0x90000047  }
0x3d3: {  	s0 =	sadd.s32 @!p0 $0x100000, s0;
	[bflag:$0x2] =	sbarrier.arrive $0xFFFF  }
0x3d4: {  	[sflag:s0] =	ssyncadd.tile.s32 @!p0 $0x1;
	_ =	shalt  }
.Lfunc_end2:
_tile_overlayer_lowered:
.L_overlay_start_2:
0x3d5: {  	(tag) =	ssettag $0x2  }
0x3d6: {  	s0 =	rddreg [dreg:$0x0];
	s2 =	stileid.u32  }
0x3d7: {  	s1 =	rddreg [dreg:$0x1];
	p0 =	sne.s32 s2, $0x0  }
0x3d8: {  	s3 =	rddreg [dreg:$0x2];
	[bflag:$0x3] =	sbarrier.arrive $0xFFFF;
	s2 =	simm.s32 @!p0 $0x1C01  }
0x3d9: {  	[timem:s3], [sflag:s2] =	dma.local @!p0 [hbm:s0], s1  }
0x3da: {  	s0 =	simm.s32 @!p0 $0x1  }
0x3db: {  	_ =	swait.ge @!p0 [sflag:s0], s1  }
0x3dc: {  	s1 =	ssub.s32 @!p0 $0x0, s1;
	[sflag:s0] =	ssyncset.done @!p0 $0x0  }
0x3dd: {  	[sflag:s0] =	ssyncadd.s32 @!p0 s1  }
0x3de: {  	[bflag:$0x3] =	sbarrier.arrive $0xFFFF  }
0x3df: {  	_ =	shalt  }

// kernel: kernel.9.cloned.1.call-start
scs
__scs_entry_jumppad:
0x0: {  	(pc) =	sbr.rel $0x88, $3  }
0x1: {  	(tag) =	ssettag $0x0;
	lr =	simm.s32 $0x1  }
0x2: {  	[smem:$0x3F9B] =	sst lr;
	_ =	strace $0xD0000000  }
0x3: {  	_ = 	snop  }
0x4: {  	_ = 	snop  }
0x5: {  	_ = 	snop  }
0x6: {  	_ = 	snop  }
0x7: {  	_ = 	snop  }
__scs_overlays_trampoline_lowered:
0x8: {  	[smem:$0x3FAA] =	sst s0  }
0x9: {  	[smem:$0x3FAB] =	sst s1  }
0xa: {  	[smem:$0x3FAC] =	sst s2  }
0xb: {  	[smem:$0x3FAD] =	sst s3  }
0xc: {  	[smem:$0x3FAE] =	sst s4  }
0xd: {  	[smem:$0x3FAF] =	sst s5  }
0xe: {  	[smem:$0x3FB0] =	sst s6  }
0xf: {  	[smem:$0x3FB1] =	sst s7  }
0x10: {  	[smem:$0x3FB2] =	sst s8  }
0x11: {  	[smem:$0x3FB3] =	sst s9;
	s0 =	simm.s32 @!p0 $0x0  }
0x12: {  	s1 =	sld [smem:$0x3F99];
	s0 =	simm.s32 @p0 $0x1  }
0x13: {  	[smem:$0x3FB4] =	sst s0;
	s0 =	simm.s32 @!p1 $0x0  }
0x14: {  	s2 =	sld [smem:$0x3F98];
	s0 =	simm.s32 @p1 $0x1  }
0x15: {  	[smem:$0x3FB5] =	sst s0;
	s0 =	simm.s32 @!p2 $0x0  }
0x16: {  	s3 =	sld [smem:$0x3FDB];
	s0 =	simm.s32 @p2 $0x1  }
0x17: {  	s4 =	simm.s32 $0x1BF5;
	[smem:$0x3FB7] =	sst s0  }
0x18: {  	s0 =	sld [smem:$0x3F9A];
	_ =	swait.ge [sflag:s4], $0x0  }
0x19: {  	s7 =	sld [smem:$0x3F9B]  }
0x1a: {  	s8 =	sadd.s32 $0xFFFFE003, lr  }
0x1b: {  	s9 =	sadd.s32 $0xFFFFFEF7, lr;
	s5 =	simm.s32 $0xFFFFFFFF;
	p2 =	slt.u32 s8, $0xFFFFF086  }
0x1c: {  	p1 =	slt.u32 s9, $0xF7A;
	s5 =	simm.s32 @!p2 $0x0  }
0x1d: {  	s5 =	simm.s32 @p1 $0x1;
	p0 =	seq.s32 s7, s2  }
0x1e: {  	s7 =	smul.u32 @!p0 $0xF7A, s2;
	p2 =	seq.s32 @!p0 s5, $0x0  }
0x1f: {  	s9 =	smul.u32 $0xF7A, s1;
	s8 =	simm.s32 @!p0 $0x1BF5;
	p2 =	por !p2, p0  }
0x20: {  	[sflag:s8] =	ssyncset.s32 @!p0 $0xFFFFF086;
	s6 =	sadd.s32 @!p0 s3, s7;
	s7 =	simm.s32 @!p0 $0x108  }
0x21: {  	s3 =	sadd.s32 s3, s9;
	s6 =	sadd.s32 @!p0 $0x88, s6;
	s7 =	simm.s32 @p2 $0x1082  }
0x22: {  	[simem:s7], [sflag:s8] =	dma.local @!p0 [hbm:s6], $0xF7A  }
0x23: {  	s9 =	sor.u32 $0xD0000000, s2;
	s6 =	simm.s32 $0x108;
	_ =	swait.ge @!p0 [sflag:s8], $0x0  }
0x24: {  	s3 =	sadd.s32 $0x88, s3;
	s6 =	simm.s32 @!p1 $0x1082;
	[sflag:s4] =	ssyncset.s32 $0xFFFFF086  }
0x25: {  	[simem:s6], [sflag:s4] =	dma.local [hbm:s3], $0xF7A  }
0x26: {  	[smem:$0x3F9B] =	sst s1;
	(tag) =	ssettag s2;
	_ =	strace s9  }
0x27: {  	s1 =	sld [smem:$0x3FAB]  }
0x28: {  	s2 =	sld [smem:$0x3FAC]  }
0x29: {  	s4 =	sld [smem:$0x3FAE]  }
0x2a: {  	p0 =	seq.s32 s5, $0x0;
	s5 =	sld [smem:$0x3FAF]  }
0x2b: {  	s6 =	sld [smem:$0x3FB0]  }
0x2c: {  	s7 =	sld [smem:$0x3FB1]  }
0x2d: {  	s3 =	simm.s32 $0x108;
	s8 =	sld [smem:$0x3FB2]  }
0x2e: {  	s3 =	simm.s32 @!p0 $0x1082;
	s9 =	sld [smem:$0x3FB3]  }
0x2f: {  	lr =	sadd.s32 s0, s3;
	s0 =	sld [smem:$0x3FAA]  }
0x30: {  	s3 =	sld [smem:$0x3FAD]  }
0x31: {  	[smem:$0x3FB6] =	sst s10  }
0x32: {  	s10 =	sld [smem:$0x3FB4];
	_ =	sdelay $0x3  }
0x33: {  	p0 =	seq.s32 s10, $0x1;
	s10 =	sld [smem:$0x3FB6];
	_ =	sdelay $0x3  }
0x34: {  	[smem:$0x3FB6] =	sst s10  }
0x35: {  	s10 =	sld [smem:$0x3FB5];
	_ =	sdelay $0x3  }
0x36: {  	p1 =	seq.s32 s10, $0x1;
	s10 =	sld [smem:$0x3FB6];
	_ =	sdelay $0x3  }
0x37: {  	[smem:$0x3FB6] =	sst s10  }
0x38: {  	s10 =	sld [smem:$0x3FB7]  }
0x39: {  	_ = 	snop;
	(pc) =	sbr.ind lr, $3  }
0x3a: {  	_ = 	snop  }
0x3b: {  	_ = 	snop  }
0x3c: {  	p2 =	seq.s32 s10, $0x1;
	s10 =	sld [smem:$0x3FB6]  }
0x3d: {  	_ =	shalt  }
0x3e: {  	_ =	shalt  }
0x3f: {  	_ =	shalt  }
0x40: {  	_ =	shalt  }
0x41: {  	_ =	shalt  }
0x42: {  	_ =	shalt  }
0x43: {  	_ =	shalt  }
0x44: {  	_ =	shalt  }
0x45: {  	_ =	shalt  }
0x46: {  	_ =	shalt  }
0x47: {  	_ =	shalt  }
0x48: {  	_ =	shalt  }
0x49: {  	_ =	shalt  }
0x4a: {  	_ =	shalt  }
0x4b: {  	_ =	shalt  }
0x4c: {  	_ =	shalt  }
0x4d: {  	_ =	shalt  }
0x4e: {  	_ =	shalt  }
0x4f: {  	_ =	shalt  }
0x50: {  	_ =	shalt  }
0x51: {  	_ =	shalt  }
0x52: {  	_ =	shalt  }
0x53: {  	_ =	shalt  }
0x54: {  	_ =	shalt  }
0x55: {  	_ =	shalt  }
0x56: {  	_ =	shalt  }
0x57: {  	_ =	shalt  }
0x58: {  	_ =	shalt  }
0x59: {  	_ =	shalt  }
0x5a: {  	_ =	shalt  }
0x5b: {  	_ =	shalt  }
0x5c: {  	_ =	shalt  }
0x5d: {  	_ =	shalt  }
0x5e: {  	_ =	shalt  }
0x5f: {  	_ =	shalt  }
0x60: {  	_ =	shalt  }
0x61: {  	_ =	shalt  }
0x62: {  	_ =	shalt  }
0x63: {  	_ =	shalt  }
0x64: {  	_ =	shalt  }
0x65: {  	_ =	shalt  }
0x66: {  	_ =	shalt  }
0x67: {  	_ =	shalt  }
0x68: {  	_ =	shalt  }
0x69: {  	_ =	shalt  }
0x6a: {  	_ =	shalt  }
0x6b: {  	_ =	shalt  }
0x6c: {  	_ =	shalt  }
0x6d: {  	_ =	shalt  }
0x6e: {  	_ =	shalt  }
0x6f: {  	_ =	shalt  }
0x70: {  	_ =	shalt  }
0x71: {  	_ =	shalt  }
0x72: {  	_ =	shalt  }
0x73: {  	_ =	shalt  }
0x74: {  	_ =	shalt  }
0x75: {  	_ =	shalt  }
0x76: {  	_ =	shalt  }
0x77: {  	_ =	shalt  }
0x78: {  	_ =	shalt  }
0x79: {  	_ =	shalt  }
0x7a: {  	_ =	shalt  }
0x7b: {  	_ =	shalt  }
0x7c: {  	_ =	shalt  }
0x7d: {  	_ =	shalt  }
0x7e: {  	_ =	shalt  }
0x7f: {  	_ =	shalt  }
0x80: {  	_ =	shalt  }
0x81: {  	_ =	shalt  }
0x82: {  	_ =	shalt  }
0x83: {  	_ =	shalt  }
0x84: {  	_ =	shalt  }
0x85: {  	_ =	shalt  }
0x86: {  	_ =	shalt  }
0x87: {  	_ =	shalt  }
.Lfunc_end0:
.L_simem_size_0:
called_computation.1_lowered:
.L_overlay_start_0:
0x88: {  	s2 =	sld [smem:$0x3FD9]  }
0x89: {  	s3 =	sld [smem:$0x3FFE];
	_ =	sdelay $0x1  }
0x8a: {  	s1 =	srdreg.scid  }
0x8b: {  	s0 =	sand.u32 $0x1, s1  }
0x8c: {  	s15 =	sshll.u32 s0, $0xA;
	s2 =	sadd.s32 s3, s2  }
0x8d: {  	s2 =	sadd.s32 s2, s15  }
0x8e: {  	[smem:$0x3FC2] =	sst s2  }
0x8f: {  	_ = 	snop  }
0x90: {  	s16 =	sld [smem:$0x3FD0];
	_ =	sdelay $0x2  }
0x91: {  	s4 =	simm.s32 $0xB;
	s5 =	simm.s32 $0x10;
	s2 =	sld [smem:$0x3FC6]  }
0x92: {  	[smem:s5], [sflag:s4] =	dma.local [hbm:s16], $0x1  }
0x93: {  	_ =	swait.eq [sflag:s4], $0x1  }
0x94: {  	[sflag:s4] =	ssyncset.done $0x0  }
0x95: {  	[sflag:s4] =	ssyncadd.s32 $0xFFFFFFFF  }
0x96: {  	s17 =	sld [smem:$0x10];
	(tm) =	ssettm $0x1  }
0x97: {  	s18 =	sld [smem:$0x3FFB];
	_ =	sdelay $0x3  }
0x98: {  	_ =	strace s18  }
0x99: {  	s3 =	sld [smem:$0x3FFC];
	_ =	sdelay $0x3  }
0x9a: {  	_ =	strace s3  }
0x9b: {  	s3 =	sld [smem:$0x3FFD];
	_ =	sdelay $0x3  }
0x9c: {  	_ =	strace s3  }
0x9d: {  	_ =	strace $0x8FFFFFFF  }
0x9e: {  	s19 =	sld [smem:$0x3FDB];
	_ =	sdelay $0x1  }
0x9f: {  	s20 =	simm.s32 $_scs_section_size  }
0xa0: {  	s6 =	simm.s32 $_size__tile_overlayer_lowered;
	s7 =	simm.s32 $_tile_overlayer_lowered  }
0xa1: {  	s8 =	simm.s32 $0x1BFF;
	s21 =	sshll.u32 s7, $0x1;
	s5 =	sadd.s32 s20, s19  }
0xa2: {  	s22 =	simm.s32 $0x0;
	s6 =	sshll.u32 s6, $0x1;
	s7 =	sadd.s32 s21, s5  }
0xa3: {  	[timem:s22], [sflag:s8] =	dma.local [hbm:s7], s6  }
0xa4: {  	_ =	swait.ge [sflag:s8], s6  }
0xa5: {  	s6 =	ssub.s32 $0x0, s6;
	[sflag:s8] =	ssyncset.done $0x0  }
0xa6: {  	[sflag:s8] =	ssyncadd.s32 s6;
	_ =	sdelay $0x1  }
0xa7: {  	s23 =	simm.s32 $0x1B8B  }
0xa8: {  	_ =	swait.ge [sflag:s23], $0x1  }
0xa9: {  	[sflag:s23] =	ssyncset.done $0x0  }
0xaa: {  	[sflag:s23] =	ssyncadd.s32 $0xFFFFFFFF  }
0xab: {  	s6 =	sld [smem:$0x0]  }
0xac: {  	s7 =	sand.u32 $0xFFFFFFFE, s1  }
0xad: {  	p0 =	sne.s32 s1, s7  }
0xae: {  	s7 =	sshll.u32 @p0 s7, $0xE  }
0xaf: {  	s7 =	sadd.s32 @p0 $0x11B8D, s7;
	s8 =	sshll.u32 @p0 s6, $0x11  }
0xb0: {  	s7 =	sor.u32 @p0 s8, s7  }
0xb1: {  	[sflag:s7] =	ssyncadd.remote.s32 @p0 $0x1;
	_ =	sdelay $0x1  }
0xb2: {  	s7 =	simm.s32 @p0 $0x1B8D  }
0xb3: {  	_ =	swait.eq @p0 [sflag:s7], $0x1  }
0xb4: {  	[sflag:s7] =	ssyncadd.s32 @p0 $0xFFFFFFFF  }
0xb5: {  	s8 =	sshll.u32 @!p0 s1, $0xE  }
0xb6: {  	s8 =	sor.u32 @!p0 $0x4000, s8;
	s7 =	simm.s32 @!p0 $0x1B8D  }
0xb7: {  	s6 =	sshll.u32 @!p0 s6, $0x11;
	s8 =	sadd.s32 @!p0 $0x11B8D, s8;
	_ =	swait.eq @!p0 [sflag:s7], $0x1  }
0xb8: {  	s6 =	sor.u32 @!p0 s6, s8;
	[sflag:s7] =	ssyncadd.s32 @!p0 $0xFFFFFFFF  }
0xb9: {  	s25 =	simm.s32 $0x1B8E;
	s24 =	sld [smem:$0x3FFE];
	[sflag:s6] =	ssyncadd.remote.s32 @!p0 $0x1  }
0xba: {  	s26 =	simm.s32 $execute0_lowered;
	[smem:$0x3FD2] =	sst s25  }
0xbb: {  	s7 =	sshll.u32 s26, $0x1;
	_ =	strace $0x80000049;
	[dreg:$0x1] =	wrdreg $0xFFFFFFFF  }
0xbc: {  	s28 =	simm.s32 $_size_execute0_lowered;
	s5 =	sadd.s32 s5, s7;
	[dreg:$0x0] =	wrdreg $0x0  }
0xbd: {  	s7 =	sshll.u32 s28, $0x1;
	[dreg:$0x2] =	wrdreg s5  }
0xbe: {  	[dreg:$0x3] =	wrdreg s7  }
0xbf: {  	[dreg:$0x4] =	wrdreg $0xC0  }
0xc0: {  	_ =	task [dreg:s22], $0x5FFFF  }
0xc1: {  	[dreg:$0x1] =	wrdreg $0xFFFFFFFF  }
0xc2: {  	[dreg:$0x0] =	wrdreg $0x60  }
0xc3: {  	[dreg:$0x2] =	wrdreg s24  }
0xc4: {  	[dreg:$0x3] =	wrdreg s2  }
0xc5: {  	[dreg:$0x4] =	wrdreg s17  }
0xc6: {  	[dreg:$0x5] =	wrdreg $0xA  }
0xc7: {  	_ =	task.clear_ibuf [dreg:s22], $0x6FFFF;
	_ =	strace $0x90000049  }
0xc8: {  	s29 =	simm.s32 $0xA;
	_ =	strace $0x8000004B  }
0xc9: {  	_ =	swait.ge [sflag:s29], $0x1  }
0xca: {  	[sflag:s29] =	ssyncadd.s32 $0xFFFFFFFF  }
0xcb: {  	_ =	strace $0x9000004B  }
0xcc: {  	_ =	sfence  }
0xcd: {  	s30 =	sld [smem:$0x0];
	_ =	sdelay $0x2  }
0xce: {  	s31 =	sshll.u32 s1, $0xD;
	s1 =	sshrl.u32 s1, $0x2  }
0xcf: {  	s4 =	sand.u32 $0x4000, s31;
	s1 =	sadd.s32 s1, s30  }
0xd0: {  	s0 =	sor.u32 s4, s0;
	s1 =	sshll.u32 s1, $0x11  }
0xd1: {  	s0 =	sor.u32 s1, s0  }
0xd2: {  	s0 =	sadd.s32 $0x8F2B, s0  }
0xd3: {  	[sflag:s0] =	ssyncadd.remote.s32 $0x1  }
0xd4: {  	_ =	sfence.sel $0xFFFF  }
0xd5: {  	[dreg:$0x0] =	wrdreg $0xFFFFFFFF;
	(pc) =	sbr.abs _section_cstart, $3  }
0xd6: {  	[dreg:$0x1] =	wrdreg $0xFFFFFFFF  }
0xd7: {  	_ =	task.clear_ibuf [dreg:s22], $0x2FFFF;
	_ =	strace $0x9FFFFFFF  }
0xd8: {  	(tm) =	ssettm $0x7FFFFFFF  }
0xd9: {  	_ =	shalt  }
tec
execute0_lowered:
.L_overlay_start_1:
0x0: {  	(tag) =	ssettag $0x1  }
0x1: {  	s3 =	rddreg [dreg:$0x0]  }
0x2: {  	s7 =	rddreg [dreg:$0x1]  }
0x3: {  	s8 =	rddreg [dreg:$0x2]  }
0x4: {  	s0 =	rddreg [dreg:$0x3];
	s2 =	simm.s32 $0x0;
	s4 =	srdreg.scid  }
0x5: {  	s1 =	stileid.u32;
	s14 =	simm.s32 $0x0;
	[smem:$0x7FF] =	sst s2  }
0x6: {  	s4 =	sand.u32 $0x1, s4;
	s5 =	sshll.u32 s1, $0x9;
	s6 =	sshrl.u32 s1, $0x1  }
0x7: {  	s11 =	sadd.s32 $0x2200, s3;
	_ =	strace $0x8000004A;
	s9 =	sshll.u32 s4, $0x8  }
0x8: {  	s10 =	smul.u32 $0xC3800, s6;
	s5 =	sand.u32 $0x200, s5;
	s24 =	ssub.s32 $0x2, s4  }
0x9: {  	s6 =	sshll.u32 s6, $0xE;
	s25 =	sor.u32 s9, s5;
	s26 =	sshrl.u32 s24, $0x1  }
0xa: {  	s9 =	sor.u32 s10, s25;
	s12 =	ssub.s32 s24, s26;
	s29 =	sor.u32 s6, s25  }
0xb: {  	s13 =	sor.u32 $0x80, s25;
	s28 =	sshrl.u32 s9, $0x3;
	s9 =	sshrl.u32 s29, $0x3  }
0xc: {  	s30 =	sor.u32 s10, s13;
	s6 =	sor.u32 s6, s13;
	s10 =	simm.s32 $0x80  }
0xd: {  	s13 =	simm.s32 $0x18700;
	s3 =	sadd.s32 s11, s28;
	s4 =	sadd.s32 s7, s9  }
0xe: {  	s5 =	sadd.s32 s8, s28;
	s9 =	sshrl.u32 s30, $0x3;
	s31 =	sshrl.u32 s6, $0x3  }
0xf: {  	s6 =	sadd.s32 s11, s9;
	s7 =	sadd.s32 s7, s31;
	s8 =	sadd.s32 s8, s9  }
0x10: {  	s9 =	smax.u32 s12, $0x1;
	s11 =	simm.s32 $0x400;
	s12 =	simm.s32 $0x1  }
.LBB2_1:
0x11: {  	[tilespmem:s2], [sflag:$0x1] =	stream.strided.gather [hbm4b:s3+s10], $0x18700, s11, s10, $0x38;
	[tilespmem:$0x18F00] =	vst v63  }
0x12: {  	_ =	swait.ge [sflag:s12], $0x18700  }
0x13: {  	[sflag:s12] =	ssyncset.done $0x0  }
0x14: {  	[sflag:s12] =	ssyncadd.s32 $0xFFFE7900  }
0x15: {  	[tilespmem:s13], [sflag:$0x1] =	stream.strided.gather [hbm4b:s4+s10], $0x800, s11, s10, $0x38;
	[tilespmem:$0x18F00] =	vst v63  }
0x16: {  	_ =	swait.ge [sflag:s12], $0x800  }
0x17: {  	[sflag:s12] =	ssyncset.done $0x0  }
0x18: {  	s15 =	simm.s32 $0x18720;
	[sflag:s12] =	ssyncadd.s32 $0xFFFFF800  }
0x19: {  	v10 =	vld [tilespmem:s15+$0x10];
	_ =	sdelay $0x1  }
0x1a: {  	v11 =	vld [tilespmem:s15+$0xFFFFFFE0];
	_ =	sdelay $0x2  }
0x1b: {  	v16 =	vld [tilespmem:s15+$0x0];
	(xrf1) =	vunique.msk.u32 $0xffff, v10;
	_ =	sdelay $0x1  }
0x1c: {  	(xrf1) =	vunique.msk.u32 $0xffff, v11  }
0x1d: {  	v8 =	vld [tilespmem:s15+$0xFFFFFFF0]  }
0x1e: {  	s30 =	simm.s32 $0x18760  }
0x1f: {  	v5 =	vld [tilespmem:s30+$0x10];
	(xrf1) =	vunique.msk.u32 $0xffff, v16;
	_ =	sdelay $0x2  }
0x20: {  	(xrf1) =	vunique.msk.u32 $0xffff, v8;
	_ =	sdelay $0x1  }
0x21: {  	(xrf1) =	vunique.msk.u32 $0xffff, v5  }
0x22: {  	v6 =	vld [tilespmem:s30+$0xFFFFFFE0];
	_ =	sdelay $0x1  }
0x23: {  	v7 =	vld [tilespmem:s30+$0x0]  }
0x24: {  	s31 =	simm.s32 $0x187A0;
	v2 =	vld [tilespmem:s30+$0xFFFFFFF0];
	_, v1, vm0 =	vpop (xrf1)  }
0x25: {  	v4 =	vld [tilespmem:s31+$0x10];
	v9 =	vcvt.s32.f32 v1  }
0x26: {  	v3 =	vld [tilespmem:s31+$0xFFFFFFE0];
	(xrf1) =	vunique.msk.u32 $0xffff, v6;
	_, v13, vm1 =	vpop (xrf1)  }
0x27: {  	v12 =	vld [tilespmem:s31+$0x0];
	v13 =	vcvt.s32.f32 v13;
	v14 =	vmul.f32 $-4.882812570e-05, v9  }
0x28: {  	v0 =	vld [tilespmem:s31+$0xFFFFFFF0];
	s15 =	simm.s32 $0x187E0;
	(xrf1) =	vunique.msk.u32 $0xffff, v7  }
0x29: {  	_, v15, vm3 =	vpop (xrf1);
	(xrf1) =	vunique.msk.u32 $0xffff, v2;
	v9 =	vld [tilespmem:s15+$0x10];
	v13 =	vmul.f32 $-4.882812570e-05, v13  }
0x2a: {  	(xrf1) =	vunique.msk.u32 $0xffff, v4  }
0x2b: {  	(xrf1) =	vunique.msk.u32 $0xffff, v3  }
0x2c: {  	[tilespmem:v10+s2+$0x0] =	vst.idx.add.f32.msk vm0, v14;
	_, v14, vm2 =	vpop (xrf1);
	(xrf1) =	vunique.msk.u32 $0xffff, v12  }
0x2d: {  	(xrf1) =	vunique.msk.u32 $0xffff, v0  }
0x2e: {  	[tilespmem:v11+s2+$0x0] =	vst.idx.add.f32.msk vm1, v13;
	_, v13, vm0 =	vpop (xrf1);
	(xrf1) =	vunique.msk.u32 $0xffff, v9  }
0x2f: {  	v15 =	vcvt.s32.f32 v15  }
0x30: {  	v1 =	vld [tilespmem:s15+$0xFFFFFFF0]  }
0x31: {  	v10 =	vld [tilespmem:s15+$0xFFFFFFE0];
	v14 =	vcvt.s32.f32 v14  }
0x32: {  	v17 =	vmul.f32 $-4.882812570e-05, v15  }
0x33: {  	v11 =	vld [tilespmem:s15+$0x0];
	v14 =	vmul.f32 $-4.882812570e-05, v14  }
0x34: {  	s16 =	simm.s32 $0xC;
	[tilespmem:v16+s2+$0x0] =	vst.idx.add.f32.msk vm3, v17;
	v13 =	vcvt.s32.f32 v13;
	_, v15, vm1 =	vpop (xrf1)  }
.LBB2_2:
0x35: {  	s16 =	sadd.s32 $0x4, s16;
	s15 =	sadd.s32 $0x40, s15;
	[tilespmem:v8+s2+$0x0] =	vst.idx.add.f32.msk vm2, v14;
	v8 =	vmovc v2;
	v2 =	vmov v0;
	v0 =	vmov v1;
	v16 =	vmov v12  }
0x36: {  	v20 =	vcvt.s32.f32 v15;
	v13 =	vmul.f32 $-4.882812570e-05, v13;
	v1 =	vld [tilespmem:s15+$0xFFFFFFF0];
	p0 =	slt.u32 s16, $0x7C;
	(xrf1) =	vunique.msk.u32 $0xffff, v10;
	_, v14, vm3 =	vpop (xrf1);
	v15 =	vmov v10  }
0x37: {  	v17 =	vld [tilespmem:s15+$0x10];
	v18 =	vcvt.s32.f32 v14;
	_, v10, vm2 =	vpop (xrf1)  }
.Ltmp0:
0x38: {  	v14 =	vmul.f32 $-4.882812570e-05, v20;
	(xrf1) =	vunique.msk.u32 $0xffff, v11;
	v19 =	vcvt.s32.f32 v10;
	[tilespmem:v5+s2+$0x0] =	vst.idx.add.f32.msk vm0, v13;
	v5 =	vmovc v4;
	(pc) =	sbr.rel @p0 .LBB2_2-.Ltmp0, $4  }
0x39: {  	v4 =	vmov v9;
	v12 =	vmov v11;
	v10 =	vld [tilespmem:s15+$0xFFFFFFE0];
	(xrf1) =	vunique.msk.u32 $0xffff, v0  }
0x3a: {  	v18 =	vmul.f32 $-4.882812570e-05, v18;
	_, v9, vm0 =	vpop (xrf1);
	[tilespmem:v6+s2+$0x0] =	vst.idx.add.f32.msk vm1, v14;
	v14 =	vmul.f32 $-4.882812570e-05, v19;
	v6 =	vmov v3  }
0x3b: {  	v3 =	vmov v15;
	v11 =	vld [tilespmem:s15+$0x0];
	v13 =	vcvt.s32.f32 v9  }
0x3c: {  	(xrf1) =	vunique.msk.u32 $0xffff, v17;
	_, v15, vm1 =	vpop (xrf1);
	[tilespmem:v7+s2+$0x0] =	vst.idx.add.f32.msk vm3, v18;
	v9 =	vmov v17;
	v7 =	vmov v16  }
0x3d: {  	_ =	sdelay $0x1  }
0x3e: {  	(xrf1) =	vunique.msk.u32 $0xffff, v10  }
0x3f: {  	(xrf1) =	vunique.msk.u32 $0xffff, v11  }
0x40: {  	(xrf1) =	vunique.msk.u32 $0xffff, v1  }
0x41: {  	_, v16, vm3 =	vpop (xrf1);
	v15 =	vcvt.s32.f32 v15  }
0x42: {  	_, v17, vm4 =	vpop (xrf1);
	v16 =	vcvt.s32.f32 v16  }
0x43: {  	[tilespmem:v8+s2+$0x0] =	vst.idx.add.f32.msk vm2, v14;
	v14 =	vcvt.s32.f32 v17  }
0x44: {  	v13 =	vmul.f32 $-4.882812570e-05, v13  }
0x45: {  	_, v18, vm5 =	vpop (xrf1);
	v8 =	vmul.f32 $-4.882812570e-05, v15  }
0x46: {  	[tilespmem:v5+s2+$0x0] =	vst.idx.add.f32.msk vm0, v13;
	v5 =	vmul.f32 $-4.882812570e-05, v16;
	v13 =	vcvt.s32.f32 v18;
	_, v15, vm2 =	vpop (xrf1)  }
0x47: {  	[tilespmem:v6+s2+$0x0] =	vst.idx.add.f32.msk vm1, v8;
	v6 =	vmul.f32 $-4.882812570e-05, v14;
	v8 =	vcvt.s32.f32 v15;
	_, v16, vm0 =	vpop (xrf1)  }
0x48: {  	[tilespmem:v7+s2+$0x0] =	vst.idx.add.f32.msk vm3, v5;
	_, v14, vm1 =	vpop (xrf1);
	v7 =	vcvt.s32.f32 v16  }
0x49: {  	[tilespmem:v2+s2+$0x0] =	vst.idx.add.f32.msk vm4, v6;
	v6 =	vcvt.s32.f32 v14;
	_ =	sdelay $0x1  }
0x4a: {  	v5 =	vmul.f32 $-4.882812570e-05, v13;
	_, v13, vm3 =	vpop (xrf1)  }
0x4b: {  	v2 =	vmul.f32 $-4.882812570e-05, v8;
	_, v8, vm14 =	vpop (xrf1)  }
0x4c: {  	[tilespmem:v4+s2+$0x0] =	vst.idx.add.f32.msk vm5, v5;
	v4 =	vmul.f32 $-4.882812570e-05, v7;
	v5 =	vcvt.s32.f32 v13;
	_, v7, vm15 =	vpop (xrf1)  }
0x4d: {  	[tilespmem:v3+s2+$0x0] =	vst.idx.add.f32.msk vm2, v2;
	v2 =	vmul.f32 $-4.882812570e-05, v6;
	v3 =	vcvt.s32.f32 v8;
	_, v6, vm2 =	vpop (xrf1)  }
0x4e: {  	[tilespmem:v12+s2+$0x0] =	vst.idx.add.f32.msk vm0, v4;
	v4 =	vmul.f32 $-4.882812570e-05, v5;
	v5 =	vcvt.s32.f32 v7  }
0x4f: {  	[tilespmem:v0+s2+$0x0] =	vst.idx.add.f32.msk vm1, v2;
	v0 =	vmul.f32 $-4.882812570e-05, v3;
	v2 =	vcvt.s32.f32 v6  }
0x50: {  	[tilespmem:v9+s2+$0x0] =	vst.idx.add.f32.msk vm3, v4;
	v3 =	vmul.f32 $-4.882812570e-05, v5  }
0x51: {  	[tilespmem:v10+s2+$0x0] =	vst.idx.add.f32.msk vm14, v0;
	v0 =	vmul.f32 $-4.882812570e-05, v2  }
0x52: {  	[tilespmem:v11+s2+$0x0] =	vst.idx.add.f32.msk vm15, v3  }
0x53: {  	[tilespmem:v1+s2+$0x0] =	vst.idx.add.f32.msk vm2, v0  }
0x54: {  	[hbm4b:s5+s10] =	stream.strided.scatter [tilespmem:s2], [sflag:$0x1], $0x18700, s11, s10, $0x38;
	[tilespmem:$0x18F00] =	vst v63  }
0x55: {  	_ =	swait.ge [sflag:s12], $0x18700  }
0x56: {  	[sflag:s12] =	ssyncset.done $0x0  }
0x57: {  	[sflag:s12] =	ssyncadd.s32 $0xFFFE7900  }
0x58: {  	[tilespmem:s2], [sflag:$0x1] =	stream.strided.gather [hbm4b:s6+s10], $0x18700, s11, s10, $0x38;
	[tilespmem:$0x18F00] =	vst v63  }
0x59: {  	_ =	swait.ge [sflag:s12], $0x18700  }
0x5a: {  	[sflag:s12] =	ssyncset.done $0x0  }
0x5b: {  	[sflag:s12] =	ssyncadd.s32 $0xFFFE7900  }
0x5c: {  	[tilespmem:s13], [sflag:$0x1] =	stream.strided.gather [hbm4b:s7+s10], $0x800, s11, s10, $0x38;
	[tilespmem:$0x18F00] =	vst v63  }
0x5d: {  	_ =	swait.ge [sflag:s12], $0x800  }
0x5e: {  	[sflag:s12] =	ssyncset.done $0x0  }
0x5f: {  	s15 =	simm.s32 $0x18720;
	[sflag:s12] =	ssyncadd.s32 $0xFFFFF800  }
0x60: {  	v10 =	vld [tilespmem:s15+$0x10]  }
0x61: {  	v11 =	vld [tilespmem:s15+$0xFFFFFFE0];
	_ =	sdelay $0x3  }
0x62: {  	(xrf1) =	vunique.msk.u32 $0xffff, v10  }
0x63: {  	(xrf1) =	vunique.msk.u32 $0xffff, v11  }
0x64: {  	v16 =	vld [tilespmem:s15+$0x0]  }
0x65: {  	s30 =	simm.s32 $0x18760;
	v8 =	vld [tilespmem:s15+$0xFFFFFFF0]  }
0x66: {  	v5 =	vld [tilespmem:s30+$0x10];
	_ =	sdelay $0x2  }
0x67: {  	(xrf1) =	vunique.msk.u32 $0xffff, v16  }
0x68: {  	(xrf1) =	vunique.msk.u32 $0xffff, v8  }
0x69: {  	(xrf1) =	vunique.msk.u32 $0xffff, v5  }
0x6a: {  	v6 =	vld [tilespmem:s30+$0xFFFFFFE0];
	_ =	sdelay $0x1  }
0x6b: {  	v7 =	vld [tilespmem:s30+$0x0]  }
0x6c: {  	s31 =	simm.s32 $0x187A0;
	v2 =	vld [tilespmem:s30+$0xFFFFFFF0]  }
0x6d: {  	v4 =	vld [tilespmem:s31+$0x10];
	_, v1, vm0 =	vpop (xrf1)  }
0x6e: {  	v3 =	vld [tilespmem:s31+$0xFFFFFFE0];
	(xrf1) =	vunique.msk.u32 $0xffff, v6;
	v9 =	vcvt.s32.f32 v1;
	_, v13, vm1 =	vpop (xrf1)  }
0x6f: {  	v12 =	vld [tilespmem:s31+$0x0];
	v13 =	vcvt.s32.f32 v13  }
0x70: {  	v0 =	vld [tilespmem:s31+$0xFFFFFFF0];
	s15 =	simm.s32 $0x187E0;
	(xrf1) =	vunique.msk.u32 $0xffff, v7;
	v14 =	vmul.f32 $-4.882812570e-05, v9  }
0x71: {  	(xrf1) =	vunique.msk.u32 $0xffff, v2;
	v9 =	vld [tilespmem:s15+$0x10];
	v13 =	vmul.f32 $-4.882812570e-05, v13  }
0x72: {  	(xrf1) =	vunique.msk.u32 $0xffff, v4  }
0x73: {  	(xrf1) =	vunique.msk.u32 $0xffff, v3  }
0x74: {  	_, v15, vm3 =	vpop (xrf1);
	(xrf1) =	vunique.msk.u32 $0xffff, v12  }
0x75: {  	[tilespmem:v10+s2+$0x0] =	vst.idx.add.f32.msk vm0, v14;
	_, v14, vm2 =	vpop (xrf1);
	(xrf1) =	vunique.msk.u32 $0xffff, v0  }
0x76: {  	[tilespmem:v11+s2+$0x0] =	vst.idx.add.f32.msk vm1, v13;
	_, v13, vm0 =	vpop (xrf1);
	(xrf1) =	vunique.msk.u32 $0xffff, v9  }
0x77: {  	v15 =	vcvt.s32.f32 v15  }
0x78: {  	v1 =	vld [tilespmem:s15+$0xFFFFFFF0]  }
0x79: {  	v10 =	vld [tilespmem:s15+$0xFFFFFFE0];
	v14 =	vcvt.s32.f32 v14  }
0x7a: {  	v17 =	vmul.f32 $-4.882812570e-05, v15  }
0x7b: {  	v11 =	vld [tilespmem:s15+$0x0];
	v14 =	vmul.f32 $-4.882812570e-05, v14  }
0x7c: {  	s16 =	simm.s32 $0xC;
	[tilespmem:v16+s2+$0x0] =	vst.idx.add.f32.msk vm3, v17;
	v13 =	vcvt.s32.f32 v13;
	_, v15, vm1 =	vpop (xrf1)  }
.LBB2_4:
0x7d: {  	s16 =	sadd.s32 $0x4, s16;
	s15 =	sadd.s32 $0x40, s15;
	[tilespmem:v8+s2+$0x0] =	vst.idx.add.f32.msk vm2, v14;
	v8 =	vmovc v2;
	v2 =	vmov v0;
	v0 =	vmov v1;
	v16 =	vmov v12  }
0x7e: {  	v20 =	vcvt.s32.f32 v15;
	v13 =	vmul.f32 $-4.882812570e-05, v13;
	v1 =	vld [tilespmem:s15+$0xFFFFFFF0];
	p0 =	slt.u32 s16, $0x7C;
	(xrf1) =	vunique.msk.u32 $0xffff, v10;
	_, v14, vm3 =	vpop (xrf1);
	v15 =	vmov v10  }
0x7f: {  	v17 =	vld [tilespmem:s15+$0x10];
	v18 =	vcvt.s32.f32 v14;
	_, v10, vm2 =	vpop (xrf1)  }
.Ltmp1:
0x80: {  	v14 =	vmul.f32 $-4.882812570e-05, v20;
	(xrf1) =	vunique.msk.u32 $0xffff, v11;
	v19 =	vcvt.s32.f32 v10;
	[tilespmem:v5+s2+$0x0] =	vst.idx.add.f32.msk vm0, v13;
	v5 =	vmovc v4;
	(pc) =	sbr.rel @p0 .LBB2_4-.Ltmp1, $4  }
0x81: {  	v4 =	vmov v9;
	v12 =	vmov v11;
	v10 =	vld [tilespmem:s15+$0xFFFFFFE0];
	(xrf1) =	vunique.msk.u32 $0xffff, v0  }
0x82: {  	v18 =	vmul.f32 $-4.882812570e-05, v18;
	_, v9, vm0 =	vpop (xrf1);
	[tilespmem:v6+s2+$0x0] =	vst.idx.add.f32.msk vm1, v14;
	v14 =	vmul.f32 $-4.882812570e-05, v19;
	v6 =	vmov v3  }
0x83: {  	v3 =	vmov v15;
	v11 =	vld [tilespmem:s15+$0x0];
	v13 =	vcvt.s32.f32 v9  }
0x84: {  	(xrf1) =	vunique.msk.u32 $0xffff, v17;
	_, v15, vm1 =	vpop (xrf1);
	[tilespmem:v7+s2+$0x0] =	vst.idx.add.f32.msk vm3, v18;
	v9 =	vmov v17;
	v7 =	vmov v16  }
0x85: {  	_ =	sdelay $0x1  }
0x86: {  	(xrf1) =	vunique.msk.u32 $0xffff, v10  }
0x87: {  	(xrf1) =	vunique.msk.u32 $0xffff, v11  }
0x88: {  	(xrf1) =	vunique.msk.u32 $0xffff, v1;
	_ =	sdelay $0x4  }
0x89: {  	_, v16, vm3 =	vpop (xrf1)  }
0x8a: {  	v15 =	vcvt.s32.f32 v15;
	_, v17, vm4 =	vpop (xrf1)  }
0x8b: {  	v13 =	vmul.f32 $-4.882812570e-05, v13;
	v16 =	vcvt.s32.f32 v16;
	_, v18, vm5 =	vpop (xrf1)  }
0x8c: {  	[tilespmem:v8+s2+$0x0] =	vst.idx.add.f32.msk vm2, v14;
	v37 =	vmul.f32 $-4.882812570e-05, v15;
	v38 =	vcvt.s32.f32 v17;
	_, v39, vm9 =	vpop (xrf1)  }
0x8d: {  	[tilespmem:v5+s2+$0x0] =	vst.idx.add.f32.msk vm0, v13;
	v40 =	vmul.f32 $-4.882812570e-05, v16;
	v41 =	vcvt.s32.f32 v18;
	_, v42, vm10 =	vpop (xrf1)  }
0x8e: {  	[tilespmem:v6+s2+$0x0] =	vst.idx.add.f32.msk vm1, v37;
	v43 =	vmul.f32 $-4.882812570e-05, v38;
	v44 =	vcvt.s32.f32 v39;
	_, v45, vm11 =	vpop (xrf1)  }
0x8f: {  	v46 =	vmul.f32 $-4.882812570e-05, v41;
	[tilespmem:v7+s2+$0x0] =	vst.idx.add.f32.msk vm3, v40;
	v47 =	vcvt.s32.f32 v42;
	_, v48, vm12 =	vpop (xrf1)  }
0x90: {  	[tilespmem:v2+s2+$0x0] =	vst.idx.add.f32.msk vm4, v43;
	v49 =	vmul.f32 $-4.882812570e-05, v44;
	v50 =	vcvt.s32.f32 v45;
	_, v51, vm13 =	vpop (xrf1)  }
0x91: {  	[tilespmem:v4+s2+$0x0] =	vst.idx.add.f32.msk vm5, v46;
	v52 =	vmul.f32 $-4.882812570e-05, v47;
	v53 =	vcvt.s32.f32 v48;
	_, v54, vm14 =	vpop (xrf1)  }
0x92: {  	[tilespmem:v3+s2+$0x0] =	vst.idx.add.f32.msk vm9, v49;
	v55 =	vmul.f32 $-4.882812570e-05, v50;
	v56 =	vcvt.s32.f32 v51;
	_, v57, vm15 =	vpop (xrf1)  }
0x93: {  	[tilespmem:v12+s2+$0x0] =	vst.idx.add.f32.msk vm10, v52;
	v58 =	vmul.f32 $-4.882812570e-05, v53;
	v59 =	vcvt.s32.f32 v54  }
0x94: {  	[tilespmem:v0+s2+$0x0] =	vst.idx.add.f32.msk vm11, v55;
	v60 =	vmul.f32 $-4.882812570e-05, v56;
	v61 =	vcvt.s32.f32 v57  }
0x95: {  	[tilespmem:v9+s2+$0x0] =	vst.idx.add.f32.msk vm12, v58;
	v62 =	vmul.f32 $-4.882812570e-05, v59  }
0x96: {  	s14 =	sadd.s32 $0x1, s14;
	[tilespmem:v10+s2+$0x0] =	vst.idx.add.f32.msk vm13, v60;
	v63 =	vmul.f32 $-4.882812570e-05, v61  }
0x97: {  	p0 =	sne.s32 s14, s9;
	[tilespmem:v11+s2+$0x0] =	vst.idx.add.f32.msk vm14, v62  }
.Ltmp2:
0x98: {  	[tilespmem:v1+s2+$0x0] =	vst.idx.add.f32.msk vm15, v63;
	(pc) =	sbr.rel @p0 .LBB2_1-.Ltmp2, $4  }
0x99: {  	[hbm4b:s8+s10] =	stream.strided.scatter [tilespmem:s2], [sflag:$0x1], $0x18700, s11, s10, $0x38;
	[tilespmem:$0x18F00] =	vst v63  }
0x9a: {  	_ =	swait.ge [sflag:s12], $0x18700  }
0x9b: {  	[sflag:s12] =	ssyncset.done $0x0  }
0x9c: {  	[sflag:s12] =	ssyncadd.s32 $0xFFFE7900  }
0x9d: {  	_ =	sfence.sel $0x180000  }
0x9e: {  	[bflag:$0x0] =	sbarrier.arrive $0xFFFF  }
0x9f: {  	p0 =	sne.s32 s1, $0x0;
	_ =	strace $0x9000004A  }
0xa0: {  	s0 =	sadd.s32 @!p0 $0x100000, s0;
	[bflag:$0x2] =	sbarrier.arrive $0xFFFF  }
0xa1: {  	[sflag:s0] =	ssyncadd.tile.s32 @!p0 $0x1;
	_ =	shalt  }
.Lfunc_end2:
_tile_overlayer_lowered:
.L_overlay_start_2:
0xa2: {  	(tag) =	ssettag $0x2  }
0xa3: {  	s0 =	rddreg [dreg:$0x0];
	s2 =	stileid.u32  }
0xa4: {  	s1 =	rddreg [dreg:$0x1];
	p0 =	sne.s32 s2, $0x0  }
0xa5: {  	s3 =	rddreg [dreg:$0x2];
	[bflag:$0x3] =	sbarrier.arrive $0xFFFF;
	s2 =	simm.s32 @!p0 $0x1C01  }
0xa6: {  	[timem:s3], [sflag:s2] =	dma.local @!p0 [hbm:s0], s1  }
0xa7: {  	s0 =	simm.s32 @!p0 $0x1  }
0xa8: {  	_ =	swait.ge @!p0 [sflag:s0], s1  }
0xa9: {  	s1 =	ssub.s32 @!p0 $0x0, s1;
	[sflag:s0] =	ssyncset.done @!p0 $0x0  }
0xaa: {  	[sflag:s0] =	ssyncadd.s32 @!p0 s1  }
0xab: {  	[bflag:$0x3] =	sbarrier.arrive $0xFFFF  }
0xac: {  	_ =	shalt  }

</sc_bundles>
